<compile_context>
chip_gen: v7x
topology: tpu7x:2x2x1
jax: 0.10.2.dev20260603
libtpu: 0.0.44.dev20260713+nightly
codegen_flags: <defaults>
</compile_context>

<pallas_src>
import functools

import jax
import jax.numpy as jnp
from jax import lax
from jax.experimental import pallas as pl
from jax.experimental.pallas import tpu as pltpu
from jax.experimental.pallas import tpu_sc as plsc

N = 10000
NPAD = 10240
E = 320000
D = 128
NC = 2
NS = 16
NW = NC * NS
CHUNK = 128
NCHUNK = 80
EPAD = NW * NCHUNK * CHUNK
RPT = NPAD // NS
DEGW = 16
RB = 400
GRID = N // RB


def _sc_mesh():
    return plsc.VectorSubcoreMesh(core_axis_name="c", subcore_axis_name="s")


@functools.partial(
    pl.kernel,
    out_type=jax.ShapeDtypeStruct((NC * 2 * NPAD,), jnp.float32),
    mesh=_sc_mesh(),
    scratch_types=[
        pltpu.VMEM((CHUNK,), jnp.float32),
        pltpu.VMEM((RPT,), jnp.float32),
        pltpu.VMEM((CHUNK,), jnp.int32),
        pltpu.VMEM((CHUNK,), jnp.int32),
        pltpu.VMEM_SHARED((NPAD,), jnp.float32),
        pltpu.VMEM_SHARED((NPAD,), jnp.float32),
    ],
)
def _degree_kernel(src_hbm, dst_hbm, out_hbm,
                   ones_v, stage, icur_s, icur_d, acc_a, acc_b):
    c = lax.axis_index("c")
    s = lax.axis_index("s")
    wid = s * NC + c
    row0 = s * RPT
    base = wid * NCHUNK * CHUNK
    lanes = lax.iota(jnp.int32, 16)
    one16 = jnp.where(lanes >= 0, 1.0, 0.0)
    zero16 = jnp.where(lanes < 0, 1.0, 0.0)

    for q in range(CHUNK // 16):
        ones_v[pl.ds(q * 16, 16)] = one16

    def fill(i, carry):
        stage[pl.ds(i * 16, 16)] = zero16
        return carry

    lax.fori_loop(0, RPT // 16, fill, 0)
    pltpu.sync_copy(stage, acc_a.at[pl.ds(row0, RPT)])
    pltpu.sync_copy(stage, acc_b.at[pl.ds(row0, RPT)])
    plsc.subcore_barrier()

    def body(j, carry):
        off = base + j * CHUNK
        pltpu.sync_copy(src_hbm.at[pl.ds(off, CHUNK)], icur_s)
        pltpu.sync_copy(ones_v, acc_a.at[icur_s], add=True)
        pltpu.sync_copy(dst_hbm.at[pl.ds(off, CHUNK)], icur_d)
        pltpu.sync_copy(ones_v, acc_b.at[icur_d], add=True)
        return carry

    lax.fori_loop(0, NCHUNK, body, 0)
    plsc.subcore_barrier()
    pltpu.sync_copy(acc_a.at[pl.ds(row0, RPT)], stage)
    pltpu.sync_copy(stage, out_hbm.at[pl.ds(c * 2 * NPAD + row0, RPT)])
    pltpu.sync_copy(acc_b.at[pl.ds(row0, RPT)], stage)
    pltpu.sync_copy(stage, out_hbm.at[pl.ds(c * 2 * NPAD + NPAD + row0, RPT)])


NBUF = 2
NGRP = NCHUNK // NBUF
EPWP = NCHUNK * CHUNK


@functools.partial(
    pl.kernel,
    out_type=jax.ShapeDtypeStruct((NC * NPAD, D), jnp.float32),
    mesh=_sc_mesh(),
    scratch_types=[
        pltpu.VMEM((CHUNK, D), jnp.float32),
        pltpu.VMEM((CHUNK, D), jnp.float32),
        pltpu.VMEM((CHUNK,), jnp.int32),
        pltpu.VMEM((CHUNK,), jnp.int32),
        pltpu.VMEM((CHUNK,), jnp.int32),
        pltpu.VMEM((CHUNK,), jnp.int32),
        pltpu.VMEM_SHARED((NPAD, D), jnp.float32),
        pltpu.SemaphoreType.DMA,
        pltpu.SemaphoreType.DMA,
    ],
)
def _edge_kernel(h_hbm, src_hbm, dst_hbm, out_hbm,
                 rows0, rows1, is0, is1, id0, id1,
                 acc_edge, gs0, gs1):
    rows = (rows0, rows1)
    isb = (is0, is1)
    idb = (id0, id1)
    gsem = (gs0, gs1)
    c = lax.axis_index("c")
    s = lax.axis_index("s")
    wid = s * NC + c
    row0 = s * RPT
    base = wid * EPWP
    lanes = lax.iota(jnp.int32, 16)
    zero16 = jnp.where(lanes < 0, 1.0, 0.0)

    def fill(i, carry):
        r = i // 8
        q = (i % 8) * 16
        rows0[r, pl.ds(q, 16)] = zero16
        return carry

    lax.fori_loop(0, CHUNK * 8, fill, 0)
    for k in range(RPT // CHUNK):
        pltpu.sync_copy(rows0, acc_edge.at[pl.ds(row0 + k * CHUNK, CHUNK)])
    plsc.subcore_barrier()

    def load_idx(j, b):
        off = base + j * CHUNK
        pltpu.sync_copy(src_hbm.at[pl.ds(off, CHUNK)], isb[b])
        pltpu.sync_copy(dst_hbm.at[pl.ds(off, CHUNK)], idb[b])

    def gather_start(b):
        pltpu.async_copy(h_hbm.at[isb[b]], rows[b], gsem[b])

    def consume(b):
        pltpu.make_async_copy(
            h_hbm.at[pl.ds(0, CHUNK)], rows[b], gsem[b]).wait()
        pltpu.sync_copy(rows[b], acc_edge.at[idb[b]], add=True)

    for b in range(NBUF):
        load_idx(b, b)
        gather_start(b)

    def group(g, carry):
        for b in range(NBUF):
            consume(b)
            load_idx(g * NBUF + b + NBUF, b)
            gather_start(b)
        return carry

    lax.fori_loop(0, NGRP - 1, group, 0)
    for b in range(NBUF):
        consume(b)
    plsc.subcore_barrier()
    for k in range(RPT // CHUNK):
        pltpu.sync_copy(acc_edge.at[pl.ds(row0 + k * CHUNK, CHUNK)], rows0)
        pltpu.sync_copy(rows0,
                        out_hbm.at[pl.ds(c * NPAD + row0 + k * CHUNK, CHUNK)])


def _tc1_body(degp_ref, x_ref, w_ref, h_ref, ns_ref, nd_ref):
    p = degp_ref[...]
    deg_o = p[:, 0:1] + p[:, 2:3]
    deg_i = p[:, 1:2] + p[:, 3:4]
    ns = lax.rsqrt(jnp.where(deg_o > 0.0, deg_o, 1.0))
    nd = lax.rsqrt(jnp.where(deg_i > 0.0, deg_i, 1.0))
    ns_ref[...] = ns
    nd_ref[...] = nd
    h_ref[...] = jnp.dot(x_ref[...] * ns, w_ref[...],
                         preferred_element_type=jnp.float32)


_tc1 = pl.pallas_call(
    _tc1_body,
    grid=(GRID,),
    in_specs=[
        pl.BlockSpec((RB, 4), lambda i: (i, 0)),
        pl.BlockSpec((RB, D), lambda i: (i, 0)),
        pl.BlockSpec((D, D), lambda i: (0, 0)),
    ],
    out_specs=[
        pl.BlockSpec((RB, D), lambda i: (i, 0)),
        pl.BlockSpec((RB, 1), lambda i: (i, 0)),
        pl.BlockSpec((RB, 1), lambda i: (i, 0)),
    ],
    out_shape=[
        jax.ShapeDtypeStruct((NPAD, D), jnp.float32),
        jax.ShapeDtypeStruct((N, 1), jnp.float32),
        jax.ShapeDtypeStruct((N, 1), jnp.float32),
    ],
)


def _tc2_body(part_ref, ns_ref, nd_ref, b_ref, w_ref, o_ref):
    agg = part_ref[0] + part_ref[1]
    h = jnp.maximum(agg * nd_ref[...] + b_ref[...], 0.0)
    o_ref[...] = jnp.dot(h * ns_ref[...], w_ref[...],
                         preferred_element_type=jnp.float32)


_tc2 = pl.pallas_call(
    _tc2_body,
    grid=(GRID,),
    in_specs=[
        pl.BlockSpec((NC, RB, D), lambda i: (0, i, 0)),
        pl.BlockSpec((RB, 1), lambda i: (i, 0)),
        pl.BlockSpec((RB, 1), lambda i: (i, 0)),
        pl.BlockSpec((1, D), lambda i: (0, 0)),
        pl.BlockSpec((D, D), lambda i: (0, 0)),
    ],
    out_specs=pl.BlockSpec((RB, D), lambda i: (i, 0)),
    out_shape=jax.ShapeDtypeStruct((NPAD, D), jnp.float32),
)


def _tc3_body(part_ref, nd_ref, b_ref, o_ref):
    agg = part_ref[0] + part_ref[1]
    o_ref[...] = agg * nd_ref[...] + b_ref[...]


_tc3 = pl.pallas_call(
    _tc3_body,
    grid=(GRID,),
    in_specs=[
        pl.BlockSpec((NC, RB, D), lambda i: (0, i, 0)),
        pl.BlockSpec((RB, 1), lambda i: (i, 0)),
        pl.BlockSpec((1, D), lambda i: (0, 0)),
    ],
    out_specs=pl.BlockSpec((RB, D), lambda i: (i, 0)),
    out_shape=jax.ShapeDtypeStruct((N, D), jnp.float32),
)


def kernel(x, edge_index, W1, b1, W2, b2):
    pad = jnp.full((EPAD - E,), N, dtype=jnp.int32)
    src = jnp.concatenate([edge_index[0], pad])
    dst = jnp.concatenate([edge_index[1], pad])
    degt = _degree_kernel(src, dst).reshape(NC * 2, NPAD).T
    h1, ns, nd = _tc1(degt, x, W1)
    p1 = _edge_kernel(h1, src, dst).reshape(NC, NPAD, D)
    h2 = _tc2(p1, ns, nd, b1[None, :], W2)
    p2 = _edge_kernel(h2, src, dst).reshape(NC, NPAD, D)
    out = _tc3(p2, nd, b2[None, :])
    return out

# --- scband reference (transcript-rebuilt; emitter-appended) ---
"""Pipeline reference for scband-gcn-17197049053758 (READ-ONLY COPY).

The authoritative reference and input builder live on the scoring server;
editing this copy changes nothing except your own understanding.
"""

import jax, jax.numpy as jnp
import numpy as np

N = 10000
E = 320000
D_IN = 128
D_HID = 128
D_OUT = 128

def setup_inputs(seed: int = 0) -> dict:
    key = jax.random.key(seed)
    k1, k2, k3, k4, k5, k6 = jax.random.split(key, 6)
    x = jax.random.normal(k1, (N, D_IN), dtype=jnp.float32)
    edge_index = jax.random.randint(k2, (2, E), 0, N, dtype=jnp.int32)
    W1 = jax.random.normal(k3, (D_IN, D_HID), dtype=jnp.float32) * 0.05
    b1 = jnp.zeros((D_HID,), dtype=jnp.float32)
    W2 = jax.random.normal(k4, (D_HID, D_OUT), dtype=jnp.float32) * 0.05
    b2 = jnp.zeros((D_OUT,), dtype=jnp.float32)
    return {"x": x, "edge_index": edge_index, "W1": W1, "b1": b1, "W2": W2, "b2": b2}

def _graph_conv_both(h, W, b, src, dst, norm_src, norm_dst):
    # DGL GraphConv(norm='both'): D_dst^{-1/2} A D_src^{-1/2} H W + b
    h = h * norm_src[:, None]
    h = h @ W
    msg = jnp.take(h, src, axis=0)
    agg = jax.ops.segment_sum(msg, dst, num_segments=N)
    agg = agg * norm_dst[:, None]
    return agg + b

def reference(x, edge_index, W1, b1, W2, b2):
    src = edge_index[0]
    dst = edge_index[1]
    ones = jnp.ones((E,), dtype=jnp.float32)
    deg_out = jax.ops.segment_sum(ones, src, num_segments=N)
    deg_in = jax.ops.segment_sum(ones, dst, num_segments=N)
    norm_src = jnp.where(deg_out > 0.0, deg_out, 1.0) ** -0.5
    norm_dst = jnp.where(deg_in > 0.0, deg_in, 1.0) ** -0.5
    h = _graph_conv_both(x, W1, b1, src, dst, norm_src, norm_dst)
    h = jax.nn.relu(h)
    out = _graph_conv_both(h, W2, b2, src, dst, norm_src, norm_dst)
    return out

if __name__ == "__main__":
    import jax
    _d = setup_inputs()
    print(jax.jit(kernel)(*tuple(_d.values())))

</pallas_src>

<mosaic_0001>
#map = affine_map<(d0, d1) -> (0)>
module attributes {stable_mosaic.version = 14 : i64} {
  func.func @_degree_kernel(%arg0: i32, %arg1: i32, %arg2: memref<327680xi32, #tpu.memory_space<hbm>>, %arg3: memref<327680xi32, #tpu.memory_space<hbm>>, %arg4: memref<40960xf32, #tpu.memory_space<hbm>>, %arg5: memref<128xf32, #tpu.memory_space<vmem>>, %arg6: memref<640xf32, #tpu.memory_space<vmem>>, %arg7: memref<128xi32, #tpu.memory_space<vmem>>, %arg8: memref<128xi32, #tpu.memory_space<vmem>>, %arg9: memref<10240xf32, #tpu.memory_space<vmem_shared>>, %arg10: memref<10240xf32, #tpu.memory_space<vmem_shared>>) attributes {dimension_semantics = [#tpu.dimension_semantics<core_parallel>, #tpu.dimension_semantics<subcore_parallel>], iteration_bounds = array<i64: 2, 16>, scalar_prefetch = 0 : i64, scratch_operands = 6 : i64, tpu.core_type = #tpu.core_type<sc_vector_subcore>, window_params = [{transform_indices = #map}, {transform_indices = #map}, {transform_indices = #map}]} {
    %mul3A = arith.constant 2 : i32
    %mul3A_0 = arith.muli %arg1, %mul3A : i32
    %add3A = arith.addi %mul3A_0, %arg0 : i32
    %mul3A_1 = arith.constant 640 : i32
    %mul3A_2 = arith.muli %arg1, %mul3A_1 : i32
    %mul3A_3 = arith.constant 80 : i32
    %mul3A_4 = arith.muli %add3A, %mul3A_3 : i32
    %mul3A_5 = arith.constant 128 : i32
    %mul3A_6 = arith.muli %mul3A_4, %mul3A_5 : i32
    %iota3A = tpu.iota {dimensions = array<i32: 0>} : vector<16xi32>
    %ge3A = arith.constant 0 : i32
    %ge3A_7 = vector.broadcast %ge3A : i32 to vector<16xi32>
    %ge3A_8 = arith.cmpi sge, %iota3A, %ge3A_7 : vector<16xi32>
    %jit3A = arith.constant 1.000000e+00 : f32
    %jit3A_9 = arith.constant 0.000000e+00 : f32
    %broadcast_in_dim3A = vector.broadcast %jit3A : f32 to vector<16xf32>
    %broadcast_in_dim3A_10 = vector.broadcast %jit3A_9 : f32 to vector<16xf32>
    %select_n3A = arith.select %ge3A_8, %broadcast_in_dim3A, %broadcast_in_dim3A_10 : vector<16xi1>, vector<16xf32>
    %lt3A = arith.constant 0 : i32
    %lt3A_11 = vector.broadcast %lt3A : i32 to vector<16xi32>
    %lt3A_12 = arith.cmpi slt, %iota3A, %lt3A_11 : vector<16xi32>
    %jit3A_13 = arith.constant 1.000000e+00 : f32
    %jit3A_14 = arith.constant 0.000000e+00 : f32
    %broadcast_in_dim3A_15 = vector.broadcast %jit3A_13 : f32 to vector<16xf32>
    %broadcast_in_dim3A_16 = vector.broadcast %jit3A_14 : f32 to vector<16xf32>
    %select_n3A_17 = arith.select %lt3A_12, %broadcast_in_dim3A_15, %broadcast_in_dim3A_16 : vector<16xi1>, vector<16xf32>
    %swap3A = arith.constant 0 : index
    %swap3A_18 = tpu.vector_load %arg5[%swap3A] {strides = array<i32>} : memref<128xf32, #tpu.memory_space<vmem>>, vector<16xf32>,
    %swap3A_19 = vector.shape_cast %swap3A_18 : vector<16xf32> to vector<16xf32>
    %swap3A_20 = vector.shape_cast %select_n3A : vector<16xf32> to vector<16xf32>
    tpu.vector_store %arg5[%swap3A], %swap3A_20 {strides = array<i32>} : memref<128xf32, #tpu.memory_space<vmem>>, vector<16xf32>,
    %swap3A_21 = arith.constant 16 : index
    %swap3A_22 = tpu.vector_load %arg5[%swap3A_21] {strides = array<i32>} : memref<128xf32, #tpu.memory_space<vmem>>, vector<16xf32>,
    %swap3A_23 = vector.shape_cast %swap3A_22 : vector<16xf32> to vector<16xf32>
    %swap3A_24 = vector.shape_cast %select_n3A : vector<16xf32> to vector<16xf32>
    tpu.vector_store %arg5[%swap3A_21], %swap3A_24 {strides = array<i32>} : memref<128xf32, #tpu.memory_space<vmem>>, vector<16xf32>,
    %swap3A_25 = arith.constant 32 : index
    %swap3A_26 = tpu.vector_load %arg5[%swap3A_25] {strides = array<i32>} : memref<128xf32, #tpu.memory_space<vmem>>, vector<16xf32>,
    %swap3A_27 = vector.shape_cast %swap3A_26 : vector<16xf32> to vector<16xf32>
    %swap3A_28 = vector.shape_cast %select_n3A : vector<16xf32> to vector<16xf32>
    tpu.vector_store %arg5[%swap3A_25], %swap3A_28 {strides = array<i32>} : memref<128xf32, #tpu.memory_space<vmem>>, vector<16xf32>,
    %swap3A_29 = arith.constant 48 : index
    %swap3A_30 = tpu.vector_load %arg5[%swap3A_29] {strides = array<i32>} : memref<128xf32, #tpu.memory_space<vmem>>, vector<16xf32>,
    %swap3A_31 = vector.shape_cast %swap3A_30 : vector<16xf32> to vector<16xf32>
    %swap3A_32 = vector.shape_cast %select_n3A : vector<16xf32> to vector<16xf32>
    tpu.vector_store %arg5[%swap3A_29], %swap3A_32 {strides = array<i32>} : memref<128xf32, #tpu.memory_space<vmem>>, vector<16xf32>,
    %swap3A_33 = arith.constant 64 : index
    %swap3A_34 = tpu.vector_load %arg5[%swap3A_33] {strides = array<i32>} : memref<128xf32, #tpu.memory_space<vmem>>, vector<16xf32>,
    %swap3A_35 = vector.shape_cast %swap3A_34 : vector<16xf32> to vector<16xf32>
    %swap3A_36 = vector.shape_cast %select_n3A : vector<16xf32> to vector<16xf32>
    tpu.vector_store %arg5[%swap3A_33], %swap3A_36 {strides = array<i32>} : memref<128xf32, #tpu.memory_space<vmem>>, vector<16xf32>,
    %swap3A_37 = arith.constant 80 : index
    %swap3A_38 = tpu.vector_load %arg5[%swap3A_37] {strides = array<i32>} : memref<128xf32, #tpu.memory_space<vmem>>, vector<16xf32>,
    %swap3A_39 = vector.shape_cast %swap3A_38 : vector<16xf32> to vector<16xf32>
    %swap3A_40 = vector.shape_cast %select_n3A : vector<16xf32> to vector<16xf32>
    tpu.vector_store %arg5[%swap3A_37], %swap3A_40 {strides = array<i32>} : memref<128xf32, #tpu.memory_space<vmem>>, vector<16xf32>,
    %swap3A_41 = arith.constant 96 : index
    %swap3A_42 = tpu.vector_load %arg5[%swap3A_41] {strides = array<i32>} : memref<128xf32, #tpu.memory_space<vmem>>, vector<16xf32>,
    %swap3A_43 = vector.shape_cast %swap3A_42 : vector<16xf32> to vector<16xf32>
    %swap3A_44 = vector.shape_cast %select_n3A : vector<16xf32> to vector<16xf32>
    tpu.vector_store %arg5[%swap3A_41], %swap3A_44 {strides = array<i32>} : memref<128xf32, #tpu.memory_space<vmem>>, vector<16xf32>,
    %swap3A_45 = arith.constant 112 : index
    %swap3A_46 = tpu.vector_load %arg5[%swap3A_45] {strides = array<i32>} : memref<128xf32, #tpu.memory_space<vmem>>, vector<16xf32>,
    %swap3A_47 = vector.shape_cast %swap3A_46 : vector<16xf32> to vector<16xf32>
    %swap3A_48 = vector.shape_cast %select_n3A : vector<16xf32> to vector<16xf32>
    tpu.vector_store %arg5[%swap3A_45], %swap3A_48 {strides = array<i32>} : memref<128xf32, #tpu.memory_space<vmem>>, vector<16xf32>,
    %scan3A = arith.constant 0 : i32
    %scan3A_49 = arith.constant 0 : i32
    %scan3A_50 = arith.constant 40 : i32
    %scan3A_51 = arith.addi %scan3A_49, %scan3A_50 : i32
    %scan3A_52 = arith.constant 1 : i32
    scf.for %scan3A_73 = %scan3A_49 to %scan3A_51 step %scan3A_52  : i32 {
      %mul3A_74 = arith.constant 16 : i32
      %mul3A_75 = arith.muli %scan3A_73, %mul3A_74 : i32
      %swap3A_76 = arith.index_cast %mul3A_75 : i32 to index
      %swap3A_77 = tpu.vector_load %arg6[%swap3A_76] {strides = array<i32>} : memref<640xf32, #tpu.memory_space<vmem>>, vector<16xf32>,
      %swap3A_78 = vector.shape_cast %swap3A_77 : vector<16xf32> to vector<16xf32>
      %swap3A_79 = vector.shape_cast %select_n3A_17 : vector<16xf32> to vector<16xf32>
      tpu.vector_store %arg6[%swap3A_76], %swap3A_79 {strides = array<i32>} : memref<640xf32, #tpu.memory_space<vmem>>, vector<16xf32>,
    }
    %scan3A_53 = arith.constant 40 : i32
    "tpu.region"() ({
      %run_scoped3A = tpu.sem_alloc : memref<!tpu.dma_semaphore, #tpu.memory_space<semaphore_mem>>
      %dma_start3A = tpu.memref_slice %arg9[%mul3A_2] : memref<10240xf32, #tpu.memory_space<vmem_shared>> -> memref<640xf32, #tpu.memory_space<vmem_shared>>
      %dma_start3A_73 = tpu.memref_slice %arg9[%mul3A_2] : memref<10240xf32, #tpu.memory_space<vmem_shared>> -> memref<640xf32, #tpu.memory_space<vmem_shared>>
      tpu.enqueue_dma source(%arg6 : memref<640xf32, #tpu.memory_space<vmem>>) target(%dma_start3A_73 : memref<640xf32, #tpu.memory_space<vmem_shared>>) target_semaphore(%run_scoped3A : memref<!tpu.dma_semaphore, #tpu.memory_space<semaphore_mem>>)
      %dma_wait3A = tpu.memref_slice %arg9[%mul3A_2] : memref<10240xf32, #tpu.memory_space<vmem_shared>> -> memref<640xf32, #tpu.memory_space<vmem_shared>>
      %dma_wait3A_74 = tpu.memref_slice %arg9[%mul3A_2] : memref<10240xf32, #tpu.memory_space<vmem_shared>> -> memref<640xf32, #tpu.memory_space<vmem_shared>>
      tpu.wait_dma2 semaphore(%run_scoped3A : memref<!tpu.dma_semaphore, #tpu.memory_space<semaphore_mem>>) src(%arg6 : memref<640xf32, #tpu.memory_space<vmem>>) dst(%dma_wait3A_74 : memref<640xf32, #tpu.memory_space<vmem_shared>>)
      tpu.yield
    }) : () -> ()
    "tpu.region"() ({
      %run_scoped3A = tpu.sem_alloc : memref<!tpu.dma_semaphore, #tpu.memory_space<semaphore_mem>>
      %dma_start3A = tpu.memref_slice %arg10[%mul3A_2] : memref<10240xf32, #tpu.memory_space<vmem_shared>> -> memref<640xf32, #tpu.memory_space<vmem_shared>>
      %dma_start3A_73 = tpu.memref_slice %arg10[%mul3A_2] : memref<10240xf32, #tpu.memory_space<vmem_shared>> -> memref<640xf32, #tpu.memory_space<vmem_shared>>
      tpu.enqueue_dma source(%arg6 : memref<640xf32, #tpu.memory_space<vmem>>) target(%dma_start3A_73 : memref<640xf32, #tpu.memory_space<vmem_shared>>) target_semaphore(%run_scoped3A : memref<!tpu.dma_semaphore, #tpu.memory_space<semaphore_mem>>)
      %dma_wait3A = tpu.memref_slice %arg10[%mul3A_2] : memref<10240xf32, #tpu.memory_space<vmem_shared>> -> memref<640xf32, #tpu.memory_space<vmem_shared>>
      %dma_wait3A_74 = tpu.memref_slice %arg10[%mul3A_2] : memref<10240xf32, #tpu.memory_space<vmem_shared>> -> memref<640xf32, #tpu.memory_space<vmem_shared>>
      tpu.wait_dma2 semaphore(%run_scoped3A : memref<!tpu.dma_semaphore, #tpu.memory_space<semaphore_mem>>) src(%arg6 : memref<640xf32, #tpu.memory_space<vmem>>) dst(%dma_wait3A_74 : memref<640xf32, #tpu.memory_space<vmem_shared>>)
      tpu.yield
    }) : () -> ()
    %barrier3A = arith.constant 0 : index
    tpu.barrier barrier_id(%barrier3A)
    %scan3A_54 = arith.constant 0 : i32
    %scan3A_55 = arith.constant 0 : i32
    %scan3A_56 = arith.constant 80 : i32
    %scan3A_57 = arith.addi %scan3A_55, %scan3A_56 : i32
    %scan3A_58 = arith.constant 1 : i32
    scf.for %scan3A_73 = %scan3A_55 to %scan3A_57 step %scan3A_58  : i32 {
      %mul3A_74 = arith.constant 128 : i32
      %mul3A_75 = arith.muli %scan3A_73, %mul3A_74 : i32
      %add3A_76 = arith.addi %mul3A_6, %mul3A_75 : i32
      "tpu.region"() ({
        %run_scoped3A = tpu.sem_alloc : memref<!tpu.dma_semaphore, #tpu.memory_space<semaphore_mem>>
        %dma_start3A = tpu.memref_slice %arg2[%add3A_76] : memref<327680xi32, #tpu.memory_space<hbm>> -> memref<128xi32, #tpu.memory_space<hbm>>
        %dma_start3A_77 = tpu.memref_slice %arg2[%add3A_76] : memref<327680xi32, #tpu.memory_space<hbm>> -> memref<128xi32, #tpu.memory_space<hbm>>
        tpu.enqueue_dma source(%dma_start3A_77 : memref<128xi32, #tpu.memory_space<hbm>>) target(%arg7 : memref<128xi32, #tpu.memory_space<vmem>>) target_semaphore(%run_scoped3A : memref<!tpu.dma_semaphore, #tpu.memory_space<semaphore_mem>>)
        %dma_wait3A = tpu.memref_slice %arg2[%add3A_76] : memref<327680xi32, #tpu.memory_space<hbm>> -> memref<128xi32, #tpu.memory_space<hbm>>
        %dma_wait3A_78 = tpu.memref_slice %arg2[%add3A_76] : memref<327680xi32, #tpu.memory_space<hbm>> -> memref<128xi32, #tpu.memory_space<hbm>>
        tpu.wait_dma2 semaphore(%run_scoped3A : memref<!tpu.dma_semaphore, #tpu.memory_space<semaphore_mem>>) src(%dma_wait3A_78 : memref<128xi32, #tpu.memory_space<hbm>>) dst(%arg7 : memref<128xi32, #tpu.memory_space<vmem>>)
        tpu.yield
      }) : () -> ()
      "tpu.region"() ({
        %run_scoped3A = tpu.sem_alloc : memref<!tpu.dma_semaphore, #tpu.memory_space<semaphore_mem>>
        %dma_start3A = arith.constant 0 : i32
        %dma_start3A_77 = tpu.memref_slice %arg9[%dma_start3A] : memref<10240xf32, #tpu.memory_space<vmem_shared>> -> memref<10240xf32, #tpu.memory_space<vmem_shared>>
        tpu.enqueue_indirect_dma source(%arg5 : memref<128xf32, #tpu.memory_space<vmem>>) target(%dma_start3A_77 : memref<10240xf32, #tpu.memory_space<vmem_shared>>) offsets(%arg7 : memref<128xi32, #tpu.memory_space<vmem>>) semaphore(%run_scoped3A : memref<!tpu.dma_semaphore, #tpu.memory_space<semaphore_mem>>) {add = true}
        %dma_wait3A = arith.constant 0 : i32
        %dma_wait3A_78 = tpu.memref_slice %arg9[%dma_wait3A] : memref<10240xf32, #tpu.memory_space<vmem_shared>> -> memref<10240xf32, #tpu.memory_space<vmem_shared>>
        tpu.wait_indirect_dma semaphore(%run_scoped3A : memref<!tpu.dma_semaphore, #tpu.memory_space<semaphore_mem>>) src(%arg5 : memref<128xf32, #tpu.memory_space<vmem>>) dst(%dma_wait3A_78 : memref<10240xf32, #tpu.memory_space<vmem_shared>>)
        tpu.yield
      }) : () -> ()
      "tpu.region"() ({
        %run_scoped3A = tpu.sem_alloc : memref<!tpu.dma_semaphore, #tpu.memory_space<semaphore_mem>>
        %dma_start3A = tpu.memref_slice %arg3[%add3A_76] : memref<327680xi32, #tpu.memory_space<hbm>> -> memref<128xi32, #tpu.memory_space<hbm>>
        %dma_start3A_77 = tpu.memref_slice %arg3[%add3A_76] : memref<327680xi32, #tpu.memory_space<hbm>> -> memref<128xi32, #tpu.memory_space<hbm>>
        tpu.enqueue_dma source(%dma_start3A_77 : memref<128xi32, #tpu.memory_space<hbm>>) target(%arg8 : memref<128xi32, #tpu.memory_space<vmem>>) target_semaphore(%run_scoped3A : memref<!tpu.dma_semaphore, #tpu.memory_space<semaphore_mem>>)
        %dma_wait3A = tpu.memref_slice %arg3[%add3A_76] : memref<327680xi32, #tpu.memory_space<hbm>> -> memref<128xi32, #tpu.memory_space<hbm>>
        %dma_wait3A_78 = tpu.memref_slice %arg3[%add3A_76] : memref<327680xi32, #tpu.memory_space<hbm>> -> memref<128xi32, #tpu.memory_space<hbm>>
        tpu.wait_dma2 semaphore(%run_scoped3A : memref<!tpu.dma_semaphore, #tpu.memory_space<semaphore_mem>>) src(%dma_wait3A_78 : memref<128xi32, #tpu.memory_space<hbm>>) dst(%arg8 : memref<128xi32, #tpu.memory_space<vmem>>)
        tpu.yield
      }) : () -> ()
      "tpu.region"() ({
        %run_scoped3A = tpu.sem_alloc : memref<!tpu.dma_semaphore, #tpu.memory_space<semaphore_mem>>
        %dma_start3A = arith.constant 0 : i32
        %dma_start3A_77 = tpu.memref_slice %arg10[%dma_start3A] : memref<10240xf32, #tpu.memory_space<vmem_shared>> -> memref<10240xf32, #tpu.memory_space<vmem_shared>>
        tpu.enqueue_indirect_dma source(%arg5 : memref<128xf32, #tpu.memory_space<vmem>>) target(%dma_start3A_77 : memref<10240xf32, #tpu.memory_space<vmem_shared>>) offsets(%arg8 : memref<128xi32, #tpu.memory_space<vmem>>) semaphore(%run_scoped3A : memref<!tpu.dma_semaphore, #tpu.memory_space<semaphore_mem>>) {add = true}
        %dma_wait3A = arith.constant 0 : i32
        %dma_wait3A_78 = tpu.memref_slice %arg10[%dma_wait3A] : memref<10240xf32, #tpu.memory_space<vmem_shared>> -> memref<10240xf32, #tpu.memory_space<vmem_shared>>
        tpu.wait_indirect_dma semaphore(%run_scoped3A : memref<!tpu.dma_semaphore, #tpu.memory_space<semaphore_mem>>) src(%arg5 : memref<128xf32, #tpu.memory_space<vmem>>) dst(%dma_wait3A_78 : memref<10240xf32, #tpu.memory_space<vmem_shared>>)
        tpu.yield
      }) : () -> ()
    }
    %scan3A_59 = arith.constant 80 : i32
    %barrier3A_60 = arith.constant 0 : index
    tpu.barrier barrier_id(%barrier3A_60)
    "tpu.region"() ({
      %run_scoped3A = tpu.sem_alloc : memref<!tpu.dma_semaphore, #tpu.memory_space<semaphore_mem>>
      %dma_start3A = tpu.memref_slice %arg9[%mul3A_2] : memref<10240xf32, #tpu.memory_space<vmem_shared>> -> memref<640xf32, #tpu.memory_space<vmem_shared>>
      %dma_start3A_73 = tpu.memref_slice %arg9[%mul3A_2] : memref<10240xf32, #tpu.memory_space<vmem_shared>> -> memref<640xf32, #tpu.memory_space<vmem_shared>>
      tpu.enqueue_dma source(%dma_start3A_73 : memref<640xf32, #tpu.memory_space<vmem_shared>>) target(%arg6 : memref<640xf32, #tpu.memory_space<vmem>>) target_semaphore(%run_scoped3A : memref<!tpu.dma_semaphore, #tpu.memory_space<semaphore_mem>>)
      %dma_wait3A = tpu.memref_slice %arg9[%mul3A_2] : memref<10240xf32, #tpu.memory_space<vmem_shared>> -> memref<640xf32, #tpu.memory_space<vmem_shared>>
      %dma_wait3A_74 = tpu.memref_slice %arg9[%mul3A_2] : memref<10240xf32, #tpu.memory_space<vmem_shared>> -> memref<640xf32, #tpu.memory_space<vmem_shared>>
      tpu.wait_dma2 semaphore(%run_scoped3A : memref<!tpu.dma_semaphore, #tpu.memory_space<semaphore_mem>>) src(%dma_wait3A_74 : memref<640xf32, #tpu.memory_space<vmem_shared>>) dst(%arg6 : memref<640xf32, #tpu.memory_space<vmem>>)
      tpu.yield
    }) : () -> ()
    %mul3A_61 = arith.constant 2 : i32
    %mul3A_62 = arith.muli %arg0, %mul3A_61 : i32
    %mul3A_63 = arith.constant 10240 : i32
    %mul3A_64 = arith.muli %mul3A_62, %mul3A_63 : i32
    %add3A_65 = arith.addi %mul3A_64, %mul3A_2 : i32
    "tpu.region"() ({
      %run_scoped3A = tpu.sem_alloc : memref<!tpu.dma_semaphore, #tpu.memory_space<semaphore_mem>>
      %dma_start3A = tpu.memref_slice %arg4[%add3A_65] : memref<40960xf32, #tpu.memory_space<hbm>> -> memref<640xf32, #tpu.memory_space<hbm>>
      %dma_start3A_73 = tpu.memref_slice %arg4[%add3A_65] : memref<40960xf32, #tpu.memory_space<hbm>> -> memref<640xf32, #tpu.memory_space<hbm>>
      tpu.enqueue_dma source(%arg6 : memref<640xf32, #tpu.memory_space<vmem>>) target(%dma_start3A_73 : memref<640xf32, #tpu.memory_space<hbm>>) target_semaphore(%run_scoped3A : memref<!tpu.dma_semaphore, #tpu.memory_space<semaphore_mem>>)
      %dma_wait3A = tpu.memref_slice %arg4[%add3A_65] : memref<40960xf32, #tpu.memory_space<hbm>> -> memref<640xf32, #tpu.memory_space<hbm>>
      %dma_wait3A_74 = tpu.memref_slice %arg4[%add3A_65] : memref<40960xf32, #tpu.memory_space<hbm>> -> memref<640xf32, #tpu.memory_space<hbm>>
      tpu.wait_dma2 semaphore(%run_scoped3A : memref<!tpu.dma_semaphore, #tpu.memory_space<semaphore_mem>>) src(%arg6 : memref<640xf32, #tpu.memory_space<vmem>>) dst(%dma_wait3A_74 : memref<640xf32, #tpu.memory_space<hbm>>)
      tpu.yield
    }) : () -> ()
    "tpu.region"() ({
      %run_scoped3A = tpu.sem_alloc : memref<!tpu.dma_semaphore, #tpu.memory_space<semaphore_mem>>
      %dma_start3A = tpu.memref_slice %arg10[%mul3A_2] : memref<10240xf32, #tpu.memory_space<vmem_shared>> -> memref<640xf32, #tpu.memory_space<vmem_shared>>
      %dma_start3A_73 = tpu.memref_slice %arg10[%mul3A_2] : memref<10240xf32, #tpu.memory_space<vmem_shared>> -> memref<640xf32, #tpu.memory_space<vmem_shared>>
      tpu.enqueue_dma source(%dma_start3A_73 : memref<640xf32, #tpu.memory_space<vmem_shared>>) target(%arg6 : memref<640xf32, #tpu.memory_space<vmem>>) target_semaphore(%run_scoped3A : memref<!tpu.dma_semaphore, #tpu.memory_space<semaphore_mem>>)
      %dma_wait3A = tpu.memref_slice %arg10[%mul3A_2] : memref<10240xf32, #tpu.memory_space<vmem_shared>> -> memref<640xf32, #tpu.memory_space<vmem_shared>>
      %dma_wait3A_74 = tpu.memref_slice %arg10[%mul3A_2] : memref<10240xf32, #tpu.memory_space<vmem_shared>> -> memref<640xf32, #tpu.memory_space<vmem_shared>>
      tpu.wait_dma2 semaphore(%run_scoped3A : memref<!tpu.dma_semaphore, #tpu.memory_space<semaphore_mem>>) src(%dma_wait3A_74 : memref<640xf32, #tpu.memory_space<vmem_shared>>) dst(%arg6 : memref<640xf32, #tpu.memory_space<vmem>>)
      tpu.yield
    }) : () -> ()
    %mul3A_66 = arith.constant 2 : i32
    %mul3A_67 = arith.muli %arg0, %mul3A_66 : i32
    %mul3A_68 = arith.constant 10240 : i32
    %mul3A_69 = arith.muli %mul3A_67, %mul3A_68 : i32
    %add3A_70 = arith.constant 10240 : i32
    %add3A_71 = arith.addi %mul3A_69, %add3A_70 : i32
    %add3A_72 = arith.addi %add3A_71, %mul3A_2 : i32
    "tpu.region"() ({
      %run_scoped3A = tpu.sem_alloc : memref<!tpu.dma_semaphore, #tpu.memory_space<semaphore_mem>>
      %dma_start3A = tpu.memref_slice %arg4[%add3A_72] : memref<40960xf32, #tpu.memory_space<hbm>> -> memref<640xf32, #tpu.memory_space<hbm>>
      %dma_start3A_73 = tpu.memref_slice %arg4[%add3A_72] : memref<40960xf32, #tpu.memory_space<hbm>> -> memref<640xf32, #tpu.memory_space<hbm>>
      tpu.enqueue_dma source(%arg6 : memref<640xf32, #tpu.memory_space<vmem>>) target(%dma_start3A_73 : memref<640xf32, #tpu.memory_space<hbm>>) target_semaphore(%run_scoped3A : memref<!tpu.dma_semaphore, #tpu.memory_space<semaphore_mem>>)
      %dma_wait3A = tpu.memref_slice %arg4[%add3A_72] : memref<40960xf32, #tpu.memory_space<hbm>> -> memref<640xf32, #tpu.memory_space<hbm>>
      %dma_wait3A_74 = tpu.memref_slice %arg4[%add3A_72] : memref<40960xf32, #tpu.memory_space<hbm>> -> memref<640xf32, #tpu.memory_space<hbm>>
      tpu.wait_dma2 semaphore(%run_scoped3A : memref<!tpu.dma_semaphore, #tpu.memory_space<semaphore_mem>>) src(%arg6 : memref<640xf32, #tpu.memory_space<vmem>>) dst(%dma_wait3A_74 : memref<640xf32, #tpu.memory_space<hbm>>)
      tpu.yield
    }) : () -> ()
    return
  }
}

#map = affine_map<(d0, d1) -> (0, 0)>
#map1 = affine_map<(d0, d1) -> (0)>
module attributes {stable_mosaic.version = 14 : i64} {
  func.func @_edge_kernel(%arg0: i32, %arg1: i32, %arg2: memref<10240x128xf32, #tpu.memory_space<hbm>>, %arg3: memref<327680xi32, #tpu.memory_space<hbm>>, %arg4: memref<327680xi32, #tpu.memory_space<hbm>>, %arg5: memref<20480x128xf32, #tpu.memory_space<hbm>>, %arg6: memref<128x128xf32, #tpu.memory_space<vmem>>, %arg7: memref<128x128xf32, #tpu.memory_space<vmem>>, %arg8: memref<128xi32, #tpu.memory_space<vmem>>, %arg9: memref<128xi32, #tpu.memory_space<vmem>>, %arg10: memref<128xi32, #tpu.memory_space<vmem>>, %arg11: memref<128xi32, #tpu.memory_space<vmem>>, %arg12: memref<10240x128xf32, #tpu.memory_space<vmem_shared>>, %arg13: memref<!tpu.dma_semaphore, #tpu.memory_space<semaphore_mem>>, %arg14: memref<!tpu.dma_semaphore, #tpu.memory_space<semaphore_mem>>) attributes {dimension_semantics = [#tpu.dimension_semantics<core_parallel>, #tpu.dimension_semantics<subcore_parallel>], iteration_bounds = array<i64: 2, 16>, scalar_prefetch = 0 : i64, scratch_operands = 9 : i64, tpu.core_type = #tpu.core_type<sc_vector_subcore>, window_params = [{transform_indices = #map}, {transform_indices = #map1}, {transform_indices = #map1}, {transform_indices = #map}]} {
    %mul3A = arith.constant 2 : i32
    %mul3A_0 = arith.muli %arg1, %mul3A : i32
    %add3A = arith.addi %mul3A_0, %arg0 : i32
    %mul3A_1 = arith.constant 640 : i32
    %mul3A_2 = arith.muli %arg1, %mul3A_1 : i32
    %mul3A_3 = arith.constant 10240 : i32
    %mul3A_4 = arith.muli %add3A, %mul3A_3 : i32
    %iota3A = tpu.iota {dimensions = array<i32: 0>} : vector<16xi32>
    %lt3A = arith.constant 0 : i32
    %lt3A_5 = vector.broadcast %lt3A : i32 to vector<16xi32>
    %lt3A_6 = arith.cmpi slt, %iota3A, %lt3A_5 : vector<16xi32>
    %jit3A = arith.constant 1.000000e+00 : f32
    %jit3A_7 = arith.constant 0.000000e+00 : f32
    %broadcast_in_dim3A = vector.broadcast %jit3A : f32 to vector<16xf32>
    %broadcast_in_dim3A_8 = vector.broadcast %jit3A_7 : f32 to vector<16xf32>
    %select_n3A = arith.select %lt3A_6, %broadcast_in_dim3A, %broadcast_in_dim3A_8 : vector<16xi1>, vector<16xf32>
    %scan3A = arith.constant 0 : i32
    %scan3A_9 = arith.constant 0 : i32
    %scan3A_10 = arith.constant 1024 : i32
    %scan3A_11 = arith.addi %scan3A_9, %scan3A_10 : i32
    %scan3A_12 = arith.constant 1 : i32
    scf.for %scan3A_86 = %scan3A_9 to %scan3A_11 step %scan3A_12  : i32 {
      %jit3A_87 = arith.constant 8 : i32
      %div3A = arith.divsi %scan3A_86, %jit3A_87 : i32
      %sign3A = arith.constant 0 : i32
      %sign3A_88 = arith.cmpi sgt, %scan3A_86, %sign3A : i32
      %sign3A_89 = arith.extui %sign3A_88 : i1 to i32
      %sign3A_90 = arith.constant 0 : i32
      %sign3A_91 = arith.cmpi slt, %scan3A_86, %sign3A_90 : i32
      %sign3A_92 = arith.extui %sign3A_91 : i1 to i32
      %sign3A_93 = arith.subi %sign3A_89, %sign3A_92 : i32
      %sign3A_94 = arith.constant 0 : i32
      %sign3A_95 = arith.cmpi sgt, %jit3A_87, %sign3A_94 : i32
      %sign3A_96 = arith.extui %sign3A_95 : i1 to i32
      %sign3A_97 = arith.constant 0 : i32
      %sign3A_98 = arith.cmpi slt, %jit3A_87, %sign3A_97 : i32
      %sign3A_99 = arith.extui %sign3A_98 : i1 to i32
      %sign3A_100 = arith.subi %sign3A_96, %sign3A_99 : i32
      %ne3A = arith.cmpi ne, %sign3A_93, %sign3A_100 : i32
      %rem3A = arith.remsi %scan3A_86, %jit3A_87 : i32
      %ne3A_101 = arith.constant 0 : i32
      %ne3A_102 = arith.cmpi ne, %rem3A, %ne3A_101 : i32
      %and3A = arith.andi %ne3A, %ne3A_102 : i1
      %sub3A = arith.constant 1 : i32
      %sub3A_103 = arith.subi %div3A, %sub3A : i32
      %select_n3A_104 = arith.select %and3A, %sub3A_103, %div3A : i32
      %jit3A_105 = arith.constant 8 : i32
      %eq3A = arith.constant 0 : i32
      %eq3A_106 = arith.cmpi eq, %jit3A_105, %eq3A : i32
      %jit3A_107 = arith.constant 1 : i32
      %select_n3A_108 = arith.select %eq3A_106, %jit3A_107, %jit3A_105 : i32
      %rem3A_109 = arith.remsi %scan3A_86, %select_n3A_108 : i32
      %ne3A_110 = arith.constant 0 : i32
      %ne3A_111 = arith.cmpi ne, %rem3A_109, %ne3A_110 : i32
      %lt3A_112 = arith.constant 0 : i32
      %lt3A_113 = arith.cmpi slt, %rem3A_109, %lt3A_112 : i32
      %lt3A_114 = arith.constant 0 : i32
      %lt3A_115 = arith.cmpi slt, %select_n3A_108, %lt3A_114 : i32
      %ne3A_116 = arith.xori %lt3A_113, %lt3A_115 : i1
      %and3A_117 = arith.andi %ne3A_116, %ne3A_111 : i1
      %add3A_118 = arith.addi %rem3A_109, %select_n3A_108 : i32
      %select_n3A_119 = arith.select %and3A_117, %add3A_118, %rem3A_109 : i32
      %mul3A_120 = arith.constant 16 : i32
      %mul3A_121 = arith.muli %select_n3A_119, %mul3A_120 : i32
      %swap3A = arith.index_cast %select_n3A_104 : i32 to index
      %swap3A_122 = arith.index_cast %mul3A_121 : i32 to index
      %swap3A_123 = tpu.vector_load %arg6[%swap3A, %swap3A_122] {strides = array<i32>} : memref<128x128xf32, #tpu.memory_space<vmem>>, vector<1x16xf32>,
      %swap3A_124 = vector.shape_cast %swap3A_123 : vector<1x16xf32> to vector<16xf32>
      %swap3A_125 = vector.shape_cast %select_n3A : vector<16xf32> to vector<1x16xf32>
      tpu.vector_store %arg6[%swap3A, %swap3A_122], %swap3A_125 {strides = array<i32>} : memref<128x128xf32, #tpu.memory_space<vmem>>, vector<1x16xf32>,
    }
    %scan3A_13 = arith.constant 1024 : i32
    %add3A_14 = arith.constant 0 : i32
    %add3A_15 = arith.addi %mul3A_2, %add3A_14 : i32
    "tpu.region"() ({
      %run_scoped3A = tpu.sem_alloc : memref<!tpu.dma_semaphore, #tpu.memory_space<semaphore_mem>>
      %dma_start3A_86 = arith.constant 0 : i32
      %dma_start3A_87 = tpu.memref_slice %arg12[%add3A_15, %dma_start3A_86] : memref<10240x128xf32, #tpu.memory_space<vmem_shared>> -> memref<128x128xf32, #tpu.memory_space<vmem_shared>>
      %dma_start3A_88 = arith.constant 0 : i32
      %dma_start3A_89 = tpu.memref_slice %arg12[%add3A_15, %dma_start3A_88] : memref<10240x128xf32, #tpu.memory_space<vmem_shared>> -> memref<128x128xf32, #tpu.memory_space<vmem_shared>>
      tpu.enqueue_dma source(%arg6 : memref<128x128xf32, #tpu.memory_space<vmem>>) target(%dma_start3A_89 : memref<128x128xf32, #tpu.memory_space<vmem_shared>>) target_semaphore(%run_scoped3A : memref<!tpu.dma_semaphore, #tpu.memory_space<semaphore_mem>>)
      %dma_wait3A_90 = arith.constant 0 : i32
      %dma_wait3A_91 = tpu.memref_slice %arg12[%add3A_15, %dma_wait3A_90] : memref<10240x128xf32, #tpu.memory_space<vmem_shared>> -> memref<128x128xf32, #tpu.memory_space<vmem_shared>>
      %dma_wait3A_92 = arith.constant 0 : i32
      %dma_wait3A_93 = tpu.memref_slice %arg12[%add3A_15, %dma_wait3A_92] : memref<10240x128xf32, #tpu.memory_space<vmem_shared>> -> memref<128x128xf32, #tpu.memory_space<vmem_shared>>
      tpu.wait_dma2 semaphore(%run_scoped3A : memref<!tpu.dma_semaphore, #tpu.memory_space<semaphore_mem>>) src(%arg6 : memref<128x128xf32, #tpu.memory_space<vmem>>) dst(%dma_wait3A_93 : memref<128x128xf32, #tpu.memory_space<vmem_shared>>)
      tpu.yield
    }) : () -> ()
    %add3A_16 = arith.constant 128 : i32
    %add3A_17 = arith.addi %mul3A_2, %add3A_16 : i32
    "tpu.region"() ({
      %run_scoped3A = tpu.sem_alloc : memref<!tpu.dma_semaphore, #tpu.memory_space<semaphore_mem>>
      %dma_start3A_86 = arith.constant 0 : i32
      %dma_start3A_87 = tpu.memref_slice %arg12[%add3A_17, %dma_start3A_86] : memref<10240x128xf32, #tpu.memory_space<vmem_shared>> -> memref<128x128xf32, #tpu.memory_space<vmem_shared>>
      %dma_start3A_88 = arith.constant 0 : i32
      %dma_start3A_89 = tpu.memref_slice %arg12[%add3A_17, %dma_start3A_88] : memref<10240x128xf32, #tpu.memory_space<vmem_shared>> -> memref<128x128xf32, #tpu.memory_space<vmem_shared>>
      tpu.enqueue_dma source(%arg6 : memref<128x128xf32, #tpu.memory_space<vmem>>) target(%dma_start3A_89 : memref<128x128xf32, #tpu.memory_space<vmem_shared>>) target_semaphore(%run_scoped3A : memref<!tpu.dma_semaphore, #tpu.memory_space<semaphore_mem>>)
      %dma_wait3A_90 = arith.constant 0 : i32
      %dma_wait3A_91 = tpu.memref_slice %arg12[%add3A_17, %dma_wait3A_90] : memref<10240x128xf32, #tpu.memory_space<vmem_shared>> -> memref<128x128xf32, #tpu.memory_space<vmem_shared>>
      %dma_wait3A_92 = arith.constant 0 : i32
      %dma_wait3A_93 = tpu.memref_slice %arg12[%add3A_17, %dma_wait3A_92] : memref<10240x128xf32, #tpu.memory_space<vmem_shared>> -> memref<128x128xf32, #tpu.memory_space<vmem_shared>>
      tpu.wait_dma2 semaphore(%run_scoped3A : memref<!tpu.dma_semaphore, #tpu.memory_space<semaphore_mem>>) src(%arg6 : memref<128x128xf32, #tpu.memory_space<vmem>>) dst(%dma_wait3A_93 : memref<128x128xf32, #tpu.memory_space<vmem_shared>>)
      tpu.yield
    }) : () -> ()
    %add3A_18 = arith.constant 256 : i32
    %add3A_19 = arith.addi %mul3A_2, %add3A_18 : i32
    "tpu.region"() ({
      %run_scoped3A = tpu.sem_alloc : memref<!tpu.dma_semaphore, #tpu.memory_space<semaphore_mem>>
      %dma_start3A_86 = arith.constant 0 : i32
      %dma_start3A_87 = tpu.memref_slice %arg12[%add3A_19, %dma_start3A_86] : memref<10240x128xf32, #tpu.memory_space<vmem_shared>> -> memref<128x128xf32, #tpu.memory_space<vmem_shared>>
      %dma_start3A_88 = arith.constant 0 : i32
      %dma_start3A_89 = tpu.memref_slice %arg12[%add3A_19, %dma_start3A_88] : memref<10240x128xf32, #tpu.memory_space<vmem_shared>> -> memref<128x128xf32, #tpu.memory_space<vmem_shared>>
      tpu.enqueue_dma source(%arg6 : memref<128x128xf32, #tpu.memory_space<vmem>>) target(%dma_start3A_89 : memref<128x128xf32, #tpu.memory_space<vmem_shared>>) target_semaphore(%run_scoped3A : memref<!tpu.dma_semaphore, #tpu.memory_space<semaphore_mem>>)
      %dma_wait3A_90 = arith.constant 0 : i32
      %dma_wait3A_91 = tpu.memref_slice %arg12[%add3A_19, %dma_wait3A_90] : memref<10240x128xf32, #tpu.memory_space<vmem_shared>> -> memref<128x128xf32, #tpu.memory_space<vmem_shared>>
      %dma_wait3A_92 = arith.constant 0 : i32
      %dma_wait3A_93 = tpu.memref_slice %arg12[%add3A_19, %dma_wait3A_92] : memref<10240x128xf32, #tpu.memory_space<vmem_shared>> -> memref<128x128xf32, #tpu.memory_space<vmem_shared>>
      tpu.wait_dma2 semaphore(%run_scoped3A : memref<!tpu.dma_semaphore, #tpu.memory_space<semaphore_mem>>) src(%arg6 : memref<128x128xf32, #tpu.memory_space<vmem>>) dst(%dma_wait3A_93 : memref<128x128xf32, #tpu.memory_space<vmem_shared>>)
      tpu.yield
    }) : () -> ()
    %add3A_20 = arith.constant 384 : i32
    %add3A_21 = arith.addi %mul3A_2, %add3A_20 : i32
    "tpu.region"() ({
      %run_scoped3A = tpu.sem_alloc : memref<!tpu.dma_semaphore, #tpu.memory_space<semaphore_mem>>
      %dma_start3A_86 = arith.constant 0 : i32
      %dma_start3A_87 = tpu.memref_slice %arg12[%add3A_21, %dma_start3A_86] : memref<10240x128xf32, #tpu.memory_space<vmem_shared>> -> memref<128x128xf32, #tpu.memory_space<vmem_shared>>
      %dma_start3A_88 = arith.constant 0 : i32
      %dma_start3A_89 = tpu.memref_slice %arg12[%add3A_21, %dma_start3A_88] : memref<10240x128xf32, #tpu.memory_space<vmem_shared>> -> memref<128x128xf32, #tpu.memory_space<vmem_shared>>
      tpu.enqueue_dma source(%arg6 : memref<128x128xf32, #tpu.memory_space<vmem>>) target(%dma_start3A_89 : memref<128x128xf32, #tpu.memory_space<vmem_shared>>) target_semaphore(%run_scoped3A : memref<!tpu.dma_semaphore, #tpu.memory_space<semaphore_mem>>)
      %dma_wait3A_90 = arith.constant 0 : i32
      %dma_wait3A_91 = tpu.memref_slice %arg12[%add3A_21, %dma_wait3A_90] : memref<10240x128xf32, #tpu.memory_space<vmem_shared>> -> memref<128x128xf32, #tpu.memory_space<vmem_shared>>
      %dma_wait3A_92 = arith.constant 0 : i32
      %dma_wait3A_93 = tpu.memref_slice %arg12[%add3A_21, %dma_wait3A_92] : memref<10240x128xf32, #tpu.memory_space<vmem_shared>> -> memref<128x128xf32, #tpu.memory_space<vmem_shared>>
      tpu.wait_dma2 semaphore(%run_scoped3A : memref<!tpu.dma_semaphore, #tpu.memory_space<semaphore_mem>>) src(%arg6 : memref<128x128xf32, #tpu.memory_space<vmem>>) dst(%dma_wait3A_93 : memref<128x128xf32, #tpu.memory_space<vmem_shared>>)
      tpu.yield
    }) : () -> ()
    %add3A_22 = arith.constant 512 : i32
    %add3A_23 = arith.addi %mul3A_2, %add3A_22 : i32
    "tpu.region"() ({
      %run_scoped3A = tpu.sem_alloc : memref<!tpu.dma_semaphore, #tpu.memory_space<semaphore_mem>>
      %dma_start3A_86 = arith.constant 0 : i32
      %dma_start3A_87 = tpu.memref_slice %arg12[%add3A_23, %dma_start3A_86] : memref<10240x128xf32, #tpu.memory_space<vmem_shared>> -> memref<128x128xf32, #tpu.memory_space<vmem_shared>>
      %dma_start3A_88 = arith.constant 0 : i32
      %dma_start3A_89 = tpu.memref_slice %arg12[%add3A_23, %dma_start3A_88] : memref<10240x128xf32, #tpu.memory_space<vmem_shared>> -> memref<128x128xf32, #tpu.memory_space<vmem_shared>>
      tpu.enqueue_dma source(%arg6 : memref<128x128xf32, #tpu.memory_space<vmem>>) target(%dma_start3A_89 : memref<128x128xf32, #tpu.memory_space<vmem_shared>>) target_semaphore(%run_scoped3A : memref<!tpu.dma_semaphore, #tpu.memory_space<semaphore_mem>>)
      %dma_wait3A_90 = arith.constant 0 : i32
      %dma_wait3A_91 = tpu.memref_slice %arg12[%add3A_23, %dma_wait3A_90] : memref<10240x128xf32, #tpu.memory_space<vmem_shared>> -> memref<128x128xf32, #tpu.memory_space<vmem_shared>>
      %dma_wait3A_92 = arith.constant 0 : i32
      %dma_wait3A_93 = tpu.memref_slice %arg12[%add3A_23, %dma_wait3A_92] : memref<10240x128xf32, #tpu.memory_space<vmem_shared>> -> memref<128x128xf32, #tpu.memory_space<vmem_shared>>
      tpu.wait_dma2 semaphore(%run_scoped3A : memref<!tpu.dma_semaphore, #tpu.memory_space<semaphore_mem>>) src(%arg6 : memref<128x128xf32, #tpu.memory_space<vmem>>) dst(%dma_wait3A_93 : memref<128x128xf32, #tpu.memory_space<vmem_shared>>)
      tpu.yield
    }) : () -> ()
    %barrier3A = arith.constant 0 : index
    tpu.barrier barrier_id(%barrier3A)
    %add3A_24 = arith.constant 0 : i32
    %add3A_25 = arith.addi %mul3A_4, %add3A_24 : i32
    "tpu.region"() ({
      %run_scoped3A = tpu.sem_alloc : memref<!tpu.dma_semaphore, #tpu.memory_space<semaphore_mem>>
      %dma_start3A_86 = tpu.memref_slice %arg3[%add3A_25] : memref<327680xi32, #tpu.memory_space<hbm>> -> memref<128xi32, #tpu.memory_space<hbm>>
      %dma_start3A_87 = tpu.memref_slice %arg3[%add3A_25] : memref<327680xi32, #tpu.memory_space<hbm>> -> memref<128xi32, #tpu.memory_space<hbm>>
      tpu.enqueue_dma source(%dma_start3A_87 : memref<128xi32, #tpu.memory_space<hbm>>) target(%arg8 : memref<128xi32, #tpu.memory_space<vmem>>) target_semaphore(%run_scoped3A : memref<!tpu.dma_semaphore, #tpu.memory_space<semaphore_mem>>)
      %dma_wait3A_88 = tpu.memref_slice %arg3[%add3A_25] : memref<327680xi32, #tpu.memory_space<hbm>> -> memref<128xi32, #tpu.memory_space<hbm>>
      %dma_wait3A_89 = tpu.memref_slice %arg3[%add3A_25] : memref<327680xi32, #tpu.memory_space<hbm>> -> memref<128xi32, #tpu.memory_space<hbm>>
      tpu.wait_dma2 semaphore(%run_scoped3A : memref<!tpu.dma_semaphore, #tpu.memory_space<semaphore_mem>>) src(%dma_wait3A_89 : memref<128xi32, #tpu.memory_space<hbm>>) dst(%arg8 : memref<128xi32, #tpu.memory_space<vmem>>)
      tpu.yield
    }) : () -> ()
    "tpu.region"() ({
      %run_scoped3A = tpu.sem_alloc : memref<!tpu.dma_semaphore, #tpu.memory_space<semaphore_mem>>
      %dma_start3A_86 = tpu.memref_slice %arg4[%add3A_25] : memref<327680xi32, #tpu.memory_space<hbm>> -> memref<128xi32, #tpu.memory_space<hbm>>
      %dma_start3A_87 = tpu.memref_slice %arg4[%add3A_25] : memref<327680xi32, #tpu.memory_space<hbm>> -> memref<128xi32, #tpu.memory_space<hbm>>
      tpu.enqueue_dma source(%dma_start3A_87 : memref<128xi32, #tpu.memory_space<hbm>>) target(%arg10 : memref<128xi32, #tpu.memory_space<vmem>>) target_semaphore(%run_scoped3A : memref<!tpu.dma_semaphore, #tpu.memory_space<semaphore_mem>>)
      %dma_wait3A_88 = tpu.memref_slice %arg4[%add3A_25] : memref<327680xi32, #tpu.memory_space<hbm>> -> memref<128xi32, #tpu.memory_space<hbm>>
      %dma_wait3A_89 = tpu.memref_slice %arg4[%add3A_25] : memref<327680xi32, #tpu.memory_space<hbm>> -> memref<128xi32, #tpu.memory_space<hbm>>
      tpu.wait_dma2 semaphore(%run_scoped3A : memref<!tpu.dma_semaphore, #tpu.memory_space<semaphore_mem>>) src(%dma_wait3A_89 : memref<128xi32, #tpu.memory_space<hbm>>) dst(%arg10 : memref<128xi32, #tpu.memory_space<vmem>>)
      tpu.yield
    }) : () -> ()
    %dma_start3A = arith.constant 0 : i32
    %dma_start3A_26 = arith.constant 0 : i32
    %dma_start3A_27 = tpu.memref_slice %arg2[%dma_start3A, %dma_start3A_26] : memref<10240x128xf32, #tpu.memory_space<hbm>> -> memref<10240x128xf32, #tpu.memory_space<hbm>>
    tpu.enqueue_indirect_dma source(%dma_start3A_27 : memref<10240x128xf32, #tpu.memory_space<hbm>>) target(%arg6 : memref<128x128xf32, #tpu.memory_space<vmem>>) offsets(%arg8 : memref<128xi32, #tpu.memory_space<vmem>>) semaphore(%arg13 : memref<!tpu.dma_semaphore, #tpu.memory_space<semaphore_mem>>)
    %add3A_28 = arith.constant 128 : i32
    %add3A_29 = arith.addi %mul3A_4, %add3A_28 : i32
    "tpu.region"() ({
      %run_scoped3A = tpu.sem_alloc : memref<!tpu.dma_semaphore, #tpu.memory_space<semaphore_mem>>
      %dma_start3A_86 = tpu.memref_slice %arg3[%add3A_29] : memref<327680xi32, #tpu.memory_space<hbm>> -> memref<128xi32, #tpu.memory_space<hbm>>
      %dma_start3A_87 = tpu.memref_slice %arg3[%add3A_29] : memref<327680xi32, #tpu.memory_space<hbm>> -> memref<128xi32, #tpu.memory_space<hbm>>
      tpu.enqueue_dma source(%dma_start3A_87 : memref<128xi32, #tpu.memory_space<hbm>>) target(%arg9 : memref<128xi32, #tpu.memory_space<vmem>>) target_semaphore(%run_scoped3A : memref<!tpu.dma_semaphore, #tpu.memory_space<semaphore_mem>>)
      %dma_wait3A_88 = tpu.memref_slice %arg3[%add3A_29] : memref<327680xi32, #tpu.memory_space<hbm>> -> memref<128xi32, #tpu.memory_space<hbm>>
      %dma_wait3A_89 = tpu.memref_slice %arg3[%add3A_29] : memref<327680xi32, #tpu.memory_space<hbm>> -> memref<128xi32, #tpu.memory_space<hbm>>
      tpu.wait_dma2 semaphore(%run_scoped3A : memref<!tpu.dma_semaphore, #tpu.memory_space<semaphore_mem>>) src(%dma_wait3A_89 : memref<128xi32, #tpu.memory_space<hbm>>) dst(%arg9 : memref<128xi32, #tpu.memory_space<vmem>>)
      tpu.yield
    }) : () -> ()
    "tpu.region"() ({
      %run_scoped3A = tpu.sem_alloc : memref<!tpu.dma_semaphore, #tpu.memory_space<semaphore_mem>>
      %dma_start3A_86 = tpu.memref_slice %arg4[%add3A_29] : memref<327680xi32, #tpu.memory_space<hbm>> -> memref<128xi32, #tpu.memory_space<hbm>>
      %dma_start3A_87 = tpu.memref_slice %arg4[%add3A_29] : memref<327680xi32, #tpu.memory_space<hbm>> -> memref<128xi32, #tpu.memory_space<hbm>>
      tpu.enqueue_dma source(%dma_start3A_87 : memref<128xi32, #tpu.memory_space<hbm>>) target(%arg11 : memref<128xi32, #tpu.memory_space<vmem>>) target_semaphore(%run_scoped3A : memref<!tpu.dma_semaphore, #tpu.memory_space<semaphore_mem>>)
      %dma_wait3A_88 = tpu.memref_slice %arg4[%add3A_29] : memref<327680xi32, #tpu.memory_space<hbm>> -> memref<128xi32, #tpu.memory_space<hbm>>
      %dma_wait3A_89 = tpu.memref_slice %arg4[%add3A_29] : memref<327680xi32, #tpu.memory_space<hbm>> -> memref<128xi32, #tpu.memory_space<hbm>>
      tpu.wait_dma2 semaphore(%run_scoped3A : memref<!tpu.dma_semaphore, #tpu.memory_space<semaphore_mem>>) src(%dma_wait3A_89 : memref<128xi32, #tpu.memory_space<hbm>>) dst(%arg11 : memref<128xi32, #tpu.memory_space<vmem>>)
      tpu.yield
    }) : () -> ()
    %dma_start3A_30 = arith.constant 0 : i32
    %dma_start3A_31 = arith.constant 0 : i32
    %dma_start3A_32 = tpu.memref_slice %arg2[%dma_start3A_30, %dma_start3A_31] : memref<10240x128xf32, #tpu.memory_space<hbm>> -> memref<10240x128xf32, #tpu.memory_space<hbm>>
    tpu.enqueue_indirect_dma source(%dma_start3A_32 : memref<10240x128xf32, #tpu.memory_space<hbm>>) target(%arg7 : memref<128x128xf32, #tpu.memory_space<vmem>>) offsets(%arg9 : memref<128xi32, #tpu.memory_space<vmem>>) semaphore(%arg14 : memref<!tpu.dma_semaphore, #tpu.memory_space<semaphore_mem>>)
    %scan3A_33 = arith.constant 0 : i32
    %scan3A_34 = arith.constant 0 : i32
    %scan3A_35 = arith.constant 39 : i32
    %scan3A_36 = arith.addi %scan3A_34, %scan3A_35 : i32
    %scan3A_37 = arith.constant 1 : i32
    scf.for %scan3A_86 = %scan3A_34 to %scan3A_36 step %scan3A_37  : i32 {
      %dma_wait3A_87 = arith.constant 0 : i32
      %dma_wait3A_88 = arith.constant 0 : i32
      %dma_wait3A_89 = tpu.memref_slice %arg2[%dma_wait3A_87, %dma_wait3A_88] : memref<10240x128xf32, #tpu.memory_space<hbm>> -> memref<128x128xf32, #tpu.memory_space<hbm>>
      %dma_wait3A_90 = arith.constant 0 : i32
      %dma_wait3A_91 = arith.constant 0 : i32
      %dma_wait3A_92 = tpu.memref_slice %arg2[%dma_wait3A_90, %dma_wait3A_91] : memref<10240x128xf32, #tpu.memory_space<hbm>> -> memref<128x128xf32, #tpu.memory_space<hbm>>
      tpu.wait_dma2 semaphore(%arg13 : memref<!tpu.dma_semaphore, #tpu.memory_space<semaphore_mem>>) src(%dma_wait3A_92 : memref<128x128xf32, #tpu.memory_space<hbm>>) dst(%arg6 : memref<128x128xf32, #tpu.memory_space<vmem>>)
      "tpu.region"() ({
        %run_scoped3A = tpu.sem_alloc : memref<!tpu.dma_semaphore, #tpu.memory_space<semaphore_mem>>
        %dma_start3A_123 = arith.constant 0 : i32
        %dma_start3A_124 = arith.constant 0 : i32
        %dma_start3A_125 = tpu.memref_slice %arg12[%dma_start3A_123, %dma_start3A_124] : memref<10240x128xf32, #tpu.memory_space<vmem_shared>> -> memref<10240x128xf32, #tpu.memory_space<vmem_shared>>
        tpu.enqueue_indirect_dma source(%arg6 : memref<128x128xf32, #tpu.memory_space<vmem>>) target(%dma_start3A_125 : memref<10240x128xf32, #tpu.memory_space<vmem_shared>>) offsets(%arg10 : memref<128xi32, #tpu.memory_space<vmem>>) semaphore(%run_scoped3A : memref<!tpu.dma_semaphore, #tpu.memory_space<semaphore_mem>>) {add = true}
        %dma_wait3A_126 = arith.constant 0 : i32
        %dma_wait3A_127 = arith.constant 0 : i32
        %dma_wait3A_128 = tpu.memref_slice %arg12[%dma_wait3A_126, %dma_wait3A_127] : memref<10240x128xf32, #tpu.memory_space<vmem_shared>> -> memref<10240x128xf32, #tpu.memory_space<vmem_shared>>
        tpu.wait_indirect_dma semaphore(%run_scoped3A : memref<!tpu.dma_semaphore, #tpu.memory_space<semaphore_mem>>) src(%arg6 : memref<128x128xf32, #tpu.memory_space<vmem>>) dst(%dma_wait3A_128 : memref<10240x128xf32, #tpu.memory_space<vmem_shared>>)
        tpu.yield
      }) : () -> ()
      %mul3A_93 = arith.constant 2 : i32
      %mul3A_94 = arith.muli %scan3A_86, %mul3A_93 : i32
      %add3A_95 = arith.constant 0 : i32
      %add3A_96 = arith.addi %mul3A_94, %add3A_95 : i32
      %add3A_97 = arith.constant 2 : i32
      %add3A_98 = arith.addi %add3A_96, %add3A_97 : i32
      %mul3A_99 = arith.constant 128 : i32
      %mul3A_100 = arith.muli %add3A_98, %mul3A_99 : i32
      %add3A_101 = arith.addi %mul3A_4, %mul3A_100 : i32
      "tpu.region"() ({
        %run_scoped3A = tpu.sem_alloc : memref<!tpu.dma_semaphore, #tpu.memory_space<semaphore_mem>>
        %dma_start3A_123 = tpu.memref_slice %arg3[%add3A_101] : memref<327680xi32, #tpu.memory_space<hbm>> -> memref<128xi32, #tpu.memory_space<hbm>>
        %dma_start3A_124 = tpu.memref_slice %arg3[%add3A_101] : memref<327680xi32, #tpu.memory_space<hbm>> -> memref<128xi32, #tpu.memory_space<hbm>>
        tpu.enqueue_dma source(%dma_start3A_124 : memref<128xi32, #tpu.memory_space<hbm>>) target(%arg8 : memref<128xi32, #tpu.memory_space<vmem>>) target_semaphore(%run_scoped3A : memref<!tpu.dma_semaphore, #tpu.memory_space<semaphore_mem>>)
        %dma_wait3A_125 = tpu.memref_slice %arg3[%add3A_101] : memref<327680xi32, #tpu.memory_space<hbm>> -> memref<128xi32, #tpu.memory_space<hbm>>
        %dma_wait3A_126 = tpu.memref_slice %arg3[%add3A_101] : memref<327680xi32, #tpu.memory_space<hbm>> -> memref<128xi32, #tpu.memory_space<hbm>>
        tpu.wait_dma2 semaphore(%run_scoped3A : memref<!tpu.dma_semaphore, #tpu.memory_space<semaphore_mem>>) src(%dma_wait3A_126 : memref<128xi32, #tpu.memory_space<hbm>>) dst(%arg8 : memref<128xi32, #tpu.memory_space<vmem>>)
        tpu.yield
      }) : () -> ()
      "tpu.region"() ({
        %run_scoped3A = tpu.sem_alloc : memref<!tpu.dma_semaphore, #tpu.memory_space<semaphore_mem>>
        %dma_start3A_123 = tpu.memref_slice %arg4[%add3A_101] : memref<327680xi32, #tpu.memory_space<hbm>> -> memref<128xi32, #tpu.memory_space<hbm>>
        %dma_start3A_124 = tpu.memref_slice %arg4[%add3A_101] : memref<327680xi32, #tpu.memory_space<hbm>> -> memref<128xi32, #tpu.memory_space<hbm>>
        tpu.enqueue_dma source(%dma_start3A_124 : memref<128xi32, #tpu.memory_space<hbm>>) target(%arg10 : memref<128xi32, #tpu.memory_space<vmem>>) target_semaphore(%run_scoped3A : memref<!tpu.dma_semaphore, #tpu.memory_space<semaphore_mem>>)
        %dma_wait3A_125 = tpu.memref_slice %arg4[%add3A_101] : memref<327680xi32, #tpu.memory_space<hbm>> -> memref<128xi32, #tpu.memory_space<hbm>>
        %dma_wait3A_126 = tpu.memref_slice %arg4[%add3A_101] : memref<327680xi32, #tpu.memory_space<hbm>> -> memref<128xi32, #tpu.memory_space<hbm>>
        tpu.wait_dma2 semaphore(%run_scoped3A : memref<!tpu.dma_semaphore, #tpu.memory_space<semaphore_mem>>) src(%dma_wait3A_126 : memref<128xi32, #tpu.memory_space<hbm>>) dst(%arg10 : memref<128xi32, #tpu.memory_space<vmem>>)
        tpu.yield
      }) : () -> ()
      %dma_start3A_102 = arith.constant 0 : i32
      %dma_start3A_103 = arith.constant 0 : i32
      %dma_start3A_104 = tpu.memref_slice %arg2[%dma_start3A_102, %dma_start3A_103] : memref<10240x128xf32, #tpu.memory_space<hbm>> -> memref<10240x128xf32, #tpu.memory_space<hbm>>
      tpu.enqueue_indirect_dma source(%dma_start3A_104 : memref<10240x128xf32, #tpu.memory_space<hbm>>) target(%arg6 : memref<128x128xf32, #tpu.memory_space<vmem>>) offsets(%arg8 : memref<128xi32, #tpu.memory_space<vmem>>) semaphore(%arg13 : memref<!tpu.dma_semaphore, #tpu.memory_space<semaphore_mem>>)
      %dma_wait3A_105 = arith.constant 0 : i32
      %dma_wait3A_106 = arith.constant 0 : i32
      %dma_wait3A_107 = tpu.memref_slice %arg2[%dma_wait3A_105, %dma_wait3A_106] : memref<10240x128xf32, #tpu.memory_space<hbm>> -> memref<128x128xf32, #tpu.memory_space<hbm>>
      %dma_wait3A_108 = arith.constant 0 : i32
      %dma_wait3A_109 = arith.constant 0 : i32
      %dma_wait3A_110 = tpu.memref_slice %arg2[%dma_wait3A_108, %dma_wait3A_109] : memref<10240x128xf32, #tpu.memory_space<hbm>> -> memref<128x128xf32, #tpu.memory_space<hbm>>
      tpu.wait_dma2 semaphore(%arg14 : memref<!tpu.dma_semaphore, #tpu.memory_space<semaphore_mem>>) src(%dma_wait3A_110 : memref<128x128xf32, #tpu.memory_space<hbm>>) dst(%arg7 : memref<128x128xf32, #tpu.memory_space<vmem>>)
      "tpu.region"() ({
        %run_scoped3A = tpu.sem_alloc : memref<!tpu.dma_semaphore, #tpu.memory_space<semaphore_mem>>
        %dma_start3A_123 = arith.constant 0 : i32
        %dma_start3A_124 = arith.constant 0 : i32
        %dma_start3A_125 = tpu.memref_slice %arg12[%dma_start3A_123, %dma_start3A_124] : memref<10240x128xf32, #tpu.memory_space<vmem_shared>> -> memref<10240x128xf32, #tpu.memory_space<vmem_shared>>
        tpu.enqueue_indirect_dma source(%arg7 : memref<128x128xf32, #tpu.memory_space<vmem>>) target(%dma_start3A_125 : memref<10240x128xf32, #tpu.memory_space<vmem_shared>>) offsets(%arg11 : memref<128xi32, #tpu.memory_space<vmem>>) semaphore(%run_scoped3A : memref<!tpu.dma_semaphore, #tpu.memory_space<semaphore_mem>>) {add = true}
        %dma_wait3A_126 = arith.constant 0 : i32
        %dma_wait3A_127 = arith.constant 0 : i32
        %dma_wait3A_128 = tpu.memref_slice %arg12[%dma_wait3A_126, %dma_wait3A_127] : memref<10240x128xf32, #tpu.memory_space<vmem_shared>> -> memref<10240x128xf32, #tpu.memory_space<vmem_shared>>
        tpu.wait_indirect_dma semaphore(%run_scoped3A : memref<!tpu.dma_semaphore, #tpu.memory_space<semaphore_mem>>) src(%arg7 : memref<128x128xf32, #tpu.memory_space<vmem>>) dst(%dma_wait3A_128 : memref<10240x128xf32, #tpu.memory_space<vmem_shared>>)
        tpu.yield
      }) : () -> ()
      %mul3A_111 = arith.constant 2 : i32
      %mul3A_112 = arith.muli %scan3A_86, %mul3A_111 : i32
      %add3A_113 = arith.constant 1 : i32
      %add3A_114 = arith.addi %mul3A_112, %add3A_113 : i32
      %add3A_115 = arith.constant 2 : i32
      %add3A_116 = arith.addi %add3A_114, %add3A_115 : i32
      %mul3A_117 = arith.constant 128 : i32
      %mul3A_118 = arith.muli %add3A_116, %mul3A_117 : i32
      %add3A_119 = arith.addi %mul3A_4, %mul3A_118 : i32
      "tpu.region"() ({
        %run_scoped3A = tpu.sem_alloc : memref<!tpu.dma_semaphore, #tpu.memory_space<semaphore_mem>>
        %dma_start3A_123 = tpu.memref_slice %arg3[%add3A_119] : memref<327680xi32, #tpu.memory_space<hbm>> -> memref<128xi32, #tpu.memory_space<hbm>>
        %dma_start3A_124 = tpu.memref_slice %arg3[%add3A_119] : memref<327680xi32, #tpu.memory_space<hbm>> -> memref<128xi32, #tpu.memory_space<hbm>>
        tpu.enqueue_dma source(%dma_start3A_124 : memref<128xi32, #tpu.memory_space<hbm>>) target(%arg9 : memref<128xi32, #tpu.memory_space<vmem>>) target_semaphore(%run_scoped3A : memref<!tpu.dma_semaphore, #tpu.memory_space<semaphore_mem>>)
        %dma_wait3A_125 = tpu.memref_slice %arg3[%add3A_119] : memref<327680xi32, #tpu.memory_space<hbm>> -> memref<128xi32, #tpu.memory_space<hbm>>
        %dma_wait3A_126 = tpu.memref_slice %arg3[%add3A_119] : memref<327680xi32, #tpu.memory_space<hbm>> -> memref<128xi32, #tpu.memory_space<hbm>>
        tpu.wait_dma2 semaphore(%run_scoped3A : memref<!tpu.dma_semaphore, #tpu.memory_space<semaphore_mem>>) src(%dma_wait3A_126 : memref<128xi32, #tpu.memory_space<hbm>>) dst(%arg9 : memref<128xi32, #tpu.memory_space<vmem>>)
        tpu.yield
      }) : () -> ()
      "tpu.region"() ({
        %run_scoped3A = tpu.sem_alloc : memref<!tpu.dma_semaphore, #tpu.memory_space<semaphore_mem>>
        %dma_start3A_123 = tpu.memref_slice %arg4[%add3A_119] : memref<327680xi32, #tpu.memory_space<hbm>> -> memref<128xi32, #tpu.memory_space<hbm>>
        %dma_start3A_124 = tpu.memref_slice %arg4[%add3A_119] : memref<327680xi32, #tpu.memory_space<hbm>> -> memref<128xi32, #tpu.memory_space<hbm>>
        tpu.enqueue_dma source(%dma_start3A_124 : memref<128xi32, #tpu.memory_space<hbm>>) target(%arg11 : memref<128xi32, #tpu.memory_space<vmem>>) target_semaphore(%run_scoped3A : memref<!tpu.dma_semaphore, #tpu.memory_space<semaphore_mem>>)
        %dma_wait3A_125 = tpu.memref_slice %arg4[%add3A_119] : memref<327680xi32, #tpu.memory_space<hbm>> -> memref<128xi32, #tpu.memory_space<hbm>>
        %dma_wait3A_126 = tpu.memref_slice %arg4[%add3A_119] : memref<327680xi32, #tpu.memory_space<hbm>> -> memref<128xi32, #tpu.memory_space<hbm>>
        tpu.wait_dma2 semaphore(%run_scoped3A : memref<!tpu.dma_semaphore, #tpu.memory_space<semaphore_mem>>) src(%dma_wait3A_126 : memref<128xi32, #tpu.memory_space<hbm>>) dst(%arg11 : memref<128xi32, #tpu.memory_space<vmem>>)
        tpu.yield
      }) : () -> ()
      %dma_start3A_120 = arith.constant 0 : i32
      %dma_start3A_121 = arith.constant 0 : i32
      %dma_start3A_122 = tpu.memref_slice %arg2[%dma_start3A_120, %dma_start3A_121] : memref<10240x128xf32, #tpu.memory_space<hbm>> -> memref<10240x128xf32, #tpu.memory_space<hbm>>
      tpu.enqueue_indirect_dma source(%dma_start3A_122 : memref<10240x128xf32, #tpu.memory_space<hbm>>) target(%arg7 : memref<128x128xf32, #tpu.memory_space<vmem>>) offsets(%arg9 : memref<128xi32, #tpu.memory_space<vmem>>) semaphore(%arg14 : memref<!tpu.dma_semaphore, #tpu.memory_space<semaphore_mem>>)
    }
    %scan3A_38 = arith.constant 39 : i32
    %dma_wait3A = arith.constant 0 : i32
    %dma_wait3A_39 = arith.constant 0 : i32
    %dma_wait3A_40 = tpu.memref_slice %arg2[%dma_wait3A, %dma_wait3A_39] : memref<10240x128xf32, #tpu.memory_space<hbm>> -> memref<128x128xf32, #tpu.memory_space<hbm>>
    %dma_wait3A_41 = arith.constant 0 : i32
    %dma_wait3A_42 = arith.constant 0 : i32
    %dma_wait3A_43 = tpu.memref_slice %arg2[%dma_wait3A_41, %dma_wait3A_42] : memref<10240x128xf32, #tpu.memory_space<hbm>> -> memref<128x128xf32, #tpu.memory_space<hbm>>
    tpu.wait_dma2 semaphore(%arg13 : memref<!tpu.dma_semaphore, #tpu.memory_space<semaphore_mem>>) src(%dma_wait3A_43 : memref<128x128xf32, #tpu.memory_space<hbm>>) dst(%arg6 : memref<128x128xf32, #tpu.memory_space<vmem>>)
    "tpu.region"() ({
      %run_scoped3A = tpu.sem_alloc : memref<!tpu.dma_semaphore, #tpu.memory_space<semaphore_mem>>
      %dma_start3A_86 = arith.constant 0 : i32
      %dma_start3A_87 = arith.constant 0 : i32
      %dma_start3A_88 = tpu.memref_slice %arg12[%dma_start3A_86, %dma_start3A_87] : memref<10240x128xf32, #tpu.memory_space<vmem_shared>> -> memref<10240x128xf32, #tpu.memory_space<vmem_shared>>
      tpu.enqueue_indirect_dma source(%arg6 : memref<128x128xf32, #tpu.memory_space<vmem>>) target(%dma_start3A_88 : memref<10240x128xf32, #tpu.memory_space<vmem_shared>>) offsets(%arg10 : memref<128xi32, #tpu.memory_space<vmem>>) semaphore(%run_scoped3A : memref<!tpu.dma_semaphore, #tpu.memory_space<semaphore_mem>>) {add = true}
      %dma_wait3A_89 = arith.constant 0 : i32
      %dma_wait3A_90 = arith.constant 0 : i32
      %dma_wait3A_91 = tpu.memref_slice %arg12[%dma_wait3A_89, %dma_wait3A_90] : memref<10240x128xf32, #tpu.memory_space<vmem_shared>> -> memref<10240x128xf32, #tpu.memory_space<vmem_shared>>
      tpu.wait_indirect_dma semaphore(%run_scoped3A : memref<!tpu.dma_semaphore, #tpu.memory_space<semaphore_mem>>) src(%arg6 : memref<128x128xf32, #tpu.memory_space<vmem>>) dst(%dma_wait3A_91 : memref<10240x128xf32, #tpu.memory_space<vmem_shared>>)
      tpu.yield
    }) : () -> ()
    %dma_wait3A_44 = arith.constant 0 : i32
    %dma_wait3A_45 = arith.constant 0 : i32
    %dma_wait3A_46 = tpu.memref_slice %arg2[%dma_wait3A_44, %dma_wait3A_45] : memref<10240x128xf32, #tpu.memory_space<hbm>> -> memref<128x128xf32, #tpu.memory_space<hbm>>
    %dma_wait3A_47 = arith.constant 0 : i32
    %dma_wait3A_48 = arith.constant 0 : i32
    %dma_wait3A_49 = tpu.memref_slice %arg2[%dma_wait3A_47, %dma_wait3A_48] : memref<10240x128xf32, #tpu.memory_space<hbm>> -> memref<128x128xf32, #tpu.memory_space<hbm>>
    tpu.wait_dma2 semaphore(%arg14 : memref<!tpu.dma_semaphore, #tpu.memory_space<semaphore_mem>>) src(%dma_wait3A_49 : memref<128x128xf32, #tpu.memory_space<hbm>>) dst(%arg7 : memref<128x128xf32, #tpu.memory_space<vmem>>)
    "tpu.region"() ({
      %run_scoped3A = tpu.sem_alloc : memref<!tpu.dma_semaphore, #tpu.memory_space<semaphore_mem>>
      %dma_start3A_86 = arith.constant 0 : i32
      %dma_start3A_87 = arith.constant 0 : i32
      %dma_start3A_88 = tpu.memref_slice %arg12[%dma_start3A_86, %dma_start3A_87] : memref<10240x128xf32, #tpu.memory_space<vmem_shared>> -> memref<10240x128xf32, #tpu.memory_space<vmem_shared>>
      tpu.enqueue_indirect_dma source(%arg7 : memref<128x128xf32, #tpu.memory_space<vmem>>) target(%dma_start3A_88 : memref<10240x128xf32, #tpu.memory_space<vmem_shared>>) offsets(%arg11 : memref<128xi32, #tpu.memory_space<vmem>>) semaphore(%run_scoped3A : memref<!tpu.dma_semaphore, #tpu.memory_space<semaphore_mem>>) {add = true}
      %dma_wait3A_89 = arith.constant 0 : i32
      %dma_wait3A_90 = arith.constant 0 : i32
      %dma_wait3A_91 = tpu.memref_slice %arg12[%dma_wait3A_89, %dma_wait3A_90] : memref<10240x128xf32, #tpu.memory_space<vmem_shared>> -> memref<10240x128xf32, #tpu.memory_space<vmem_shared>>
      tpu.wait_indirect_dma semaphore(%run_scoped3A : memref<!tpu.dma_semaphore, #tpu.memory_space<semaphore_mem>>) src(%arg7 : memref<128x128xf32, #tpu.memory_space<vmem>>) dst(%dma_wait3A_91 : memref<10240x128xf32, #tpu.memory_space<vmem_shared>>)
      tpu.yield
    }) : () -> ()
    %barrier3A_50 = arith.constant 0 : index
    tpu.barrier barrier_id(%barrier3A_50)
    %add3A_51 = arith.constant 0 : i32
    %add3A_52 = arith.addi %mul3A_2, %add3A_51 : i32
    "tpu.region"() ({
      %run_scoped3A = tpu.sem_alloc : memref<!tpu.dma_semaphore, #tpu.memory_space<semaphore_mem>>
      %dma_start3A_86 = arith.constant 0 : i32
      %dma_start3A_87 = tpu.memref_slice %arg12[%add3A_52, %dma_start3A_86] : memref<10240x128xf32, #tpu.memory_space<vmem_shared>> -> memref<128x128xf32, #tpu.memory_space<vmem_shared>>
      %dma_start3A_88 = arith.constant 0 : i32
      %dma_start3A_89 = tpu.memref_slice %arg12[%add3A_52, %dma_start3A_88] : memref<10240x128xf32, #tpu.memory_space<vmem_shared>> -> memref<128x128xf32, #tpu.memory_space<vmem_shared>>
      tpu.enqueue_dma source(%dma_start3A_89 : memref<128x128xf32, #tpu.memory_space<vmem_shared>>) target(%arg6 : memref<128x128xf32, #tpu.memory_space<vmem>>) target_semaphore(%run_scoped3A : memref<!tpu.dma_semaphore, #tpu.memory_space<semaphore_mem>>)
      %dma_wait3A_90 = arith.constant 0 : i32
      %dma_wait3A_91 = tpu.memref_slice %arg12[%add3A_52, %dma_wait3A_90] : memref<10240x128xf32, #tpu.memory_space<vmem_shared>> -> memref<128x128xf32, #tpu.memory_space<vmem_shared>>
      %dma_wait3A_92 = arith.constant 0 : i32
      %dma_wait3A_93 = tpu.memref_slice %arg12[%add3A_52, %dma_wait3A_92] : memref<10240x128xf32, #tpu.memory_space<vmem_shared>> -> memref<128x128xf32, #tpu.memory_space<vmem_shared>>
      tpu.wait_dma2 semaphore(%run_scoped3A : memref<!tpu.dma_semaphore, #tpu.memory_space<semaphore_mem>>) src(%dma_wait3A_93 : memref<128x128xf32, #tpu.memory_space<vmem_shared>>) dst(%arg6 : memref<128x128xf32, #tpu.memory_space<vmem>>)
      tpu.yield
    }) : () -> ()
    %mul3A_53 = arith.constant 10240 : i32
    %mul3A_54 = arith.muli %arg0, %mul3A_53 : i32
    %add3A_55 = arith.addi %mul3A_54, %mul3A_2 : i32
    %add3A_56 = arith.constant 0 : i32
    %add3A_57 = arith.addi %add3A_55, %add3A_56 : i32
    "tpu.region"() ({
      %run_scoped3A = tpu.sem_alloc : memref<!tpu.dma_semaphore, #tpu.memory_space<semaphore_mem>>
      %dma_start3A_86 = arith.constant 0 : i32
      %dma_start3A_87 = tpu.memref_slice %arg5[%add3A_57, %dma_start3A_86] : memref<20480x128xf32, #tpu.memory_space<hbm>> -> memref<128x128xf32, #tpu.memory_space<hbm>>
      %dma_start3A_88 = arith.constant 0 : i32
      %dma_start3A_89 = tpu.memref_slice %arg5[%add3A_57, %dma_start3A_88] : memref<20480x128xf32, #tpu.memory_space<hbm>> -> memref<128x128xf32, #tpu.memory_space<hbm>>
      tpu.enqueue_dma source(%arg6 : memref<128x128xf32, #tpu.memory_space<vmem>>) target(%dma_start3A_89 : memref<128x128xf32, #tpu.memory_space<hbm>>) target_semaphore(%run_scoped3A : memref<!tpu.dma_semaphore, #tpu.memory_space<semaphore_mem>>)
      %dma_wait3A_90 = arith.constant 0 : i32
      %dma_wait3A_91 = tpu.memref_slice %arg5[%add3A_57, %dma_wait3A_90] : memref<20480x128xf32, #tpu.memory_space<hbm>> -> memref<128x128xf32, #tpu.memory_space<hbm>>
      %dma_wait3A_92 = arith.constant 0 : i32
      %dma_wait3A_93 = tpu.memref_slice %arg5[%add3A_57, %dma_wait3A_92] : memref<20480x128xf32, #tpu.memory_space<hbm>> -> memref<128x128xf32, #tpu.memory_space<hbm>>
      tpu.wait_dma2 semaphore(%run_scoped3A : memref<!tpu.dma_semaphore, #tpu.memory_space<semaphore_mem>>) src(%arg6 : memref<128x128xf32, #tpu.memory_space<vmem>>) dst(%dma_wait3A_93 : memref<128x128xf32, #tpu.memory_space<hbm>>)
      tpu.yield
    }) : () -> ()
    %add3A_58 = arith.constant 128 : i32
    %add3A_59 = arith.addi %mul3A_2, %add3A_58 : i32
    "tpu.region"() ({
      %run_scoped3A = tpu.sem_alloc : memref<!tpu.dma_semaphore, #tpu.memory_space<semaphore_mem>>
      %dma_start3A_86 = arith.constant 0 : i32
      %dma_start3A_87 = tpu.memref_slice %arg12[%add3A_59, %dma_start3A_86] : memref<10240x128xf32, #tpu.memory_space<vmem_shared>> -> memref<128x128xf32, #tpu.memory_space<vmem_shared>>
      %dma_start3A_88 = arith.constant 0 : i32
      %dma_start3A_89 = tpu.memref_slice %arg12[%add3A_59, %dma_start3A_88] : memref<10240x128xf32, #tpu.memory_space<vmem_shared>> -> memref<128x128xf32, #tpu.memory_space<vmem_shared>>
      tpu.enqueue_dma source(%dma_start3A_89 : memref<128x128xf32, #tpu.memory_space<vmem_shared>>) target(%arg6 : memref<128x128xf32, #tpu.memory_space<vmem>>) target_semaphore(%run_scoped3A : memref<!tpu.dma_semaphore, #tpu.memory_space<semaphore_mem>>)
      %dma_wait3A_90 = arith.constant 0 : i32
      %dma_wait3A_91 = tpu.memref_slice %arg12[%add3A_59, %dma_wait3A_90] : memref<10240x128xf32, #tpu.memory_space<vmem_shared>> -> memref<128x128xf32, #tpu.memory_space<vmem_shared>>
      %dma_wait3A_92 = arith.constant 0 : i32
      %dma_wait3A_93 = tpu.memref_slice %arg12[%add3A_59, %dma_wait3A_92] : memref<10240x128xf32, #tpu.memory_space<vmem_shared>> -> memref<128x128xf32, #tpu.memory_space<vmem_shared>>
      tpu.wait_dma2 semaphore(%run_scoped3A : memref<!tpu.dma_semaphore, #tpu.memory_space<semaphore_mem>>) src(%dma_wait3A_93 : memref<128x128xf32, #tpu.memory_space<vmem_shared>>) dst(%arg6 : memref<128x128xf32, #tpu.memory_space<vmem>>)
      tpu.yield
    }) : () -> ()
    %mul3A_60 = arith.constant 10240 : i32
    %mul3A_61 = arith.muli %arg0, %mul3A_60 : i32
    %add3A_62 = arith.addi %mul3A_61, %mul3A_2 : i32
    %add3A_63 = arith.constant 128 : i32
    %add3A_64 = arith.addi %add3A_62, %add3A_63 : i32
    "tpu.region"() ({
      %run_scoped3A = tpu.sem_alloc : memref<!tpu.dma_semaphore, #tpu.memory_space<semaphore_mem>>
      %dma_start3A_86 = arith.constant 0 : i32
      %dma_start3A_87 = tpu.memref_slice %arg5[%add3A_64, %dma_start3A_86] : memref<20480x128xf32, #tpu.memory_space<hbm>> -> memref<128x128xf32, #tpu.memory_space<hbm>>
      %dma_start3A_88 = arith.constant 0 : i32
      %dma_start3A_89 = tpu.memref_slice %arg5[%add3A_64, %dma_start3A_88] : memref<20480x128xf32, #tpu.memory_space<hbm>> -> memref<128x128xf32, #tpu.memory_space<hbm>>
      tpu.enqueue_dma source(%arg6 : memref<128x128xf32, #tpu.memory_space<vmem>>) target(%dma_start3A_89 : memref<128x128xf32, #tpu.memory_space<hbm>>) target_semaphore(%run_scoped3A : memref<!tpu.dma_semaphore, #tpu.memory_space<semaphore_mem>>)
      %dma_wait3A_90 = arith.constant 0 : i32
      %dma_wait3A_91 = tpu.memref_slice %arg5[%add3A_64, %dma_wait3A_90] : memref<20480x128xf32, #tpu.memory_space<hbm>> -> memref<128x128xf32, #tpu.memory_space<hbm>>
      %dma_wait3A_92 = arith.constant 0 : i32
      %dma_wait3A_93 = tpu.memref_slice %arg5[%add3A_64, %dma_wait3A_92] : memref<20480x128xf32, #tpu.memory_space<hbm>> -> memref<128x128xf32, #tpu.memory_space<hbm>>
      tpu.wait_dma2 semaphore(%run_scoped3A : memref<!tpu.dma_semaphore, #tpu.memory_space<semaphore_mem>>) src(%arg6 : memref<128x128xf32, #tpu.memory_space<vmem>>) dst(%dma_wait3A_93 : memref<128x128xf32, #tpu.memory_space<hbm>>)
      tpu.yield
    }) : () -> ()
    %add3A_65 = arith.constant 256 : i32
    %add3A_66 = arith.addi %mul3A_2, %add3A_65 : i32
    "tpu.region"() ({
      %run_scoped3A = tpu.sem_alloc : memref<!tpu.dma_semaphore, #tpu.memory_space<semaphore_mem>>
      %dma_start3A_86 = arith.constant 0 : i32
      %dma_start3A_87 = tpu.memref_slice %arg12[%add3A_66, %dma_start3A_86] : memref<10240x128xf32, #tpu.memory_space<vmem_shared>> -> memref<128x128xf32, #tpu.memory_space<vmem_shared>>
      %dma_start3A_88 = arith.constant 0 : i32
      %dma_start3A_89 = tpu.memref_slice %arg12[%add3A_66, %dma_start3A_88] : memref<10240x128xf32, #tpu.memory_space<vmem_shared>> -> memref<128x128xf32, #tpu.memory_space<vmem_shared>>
      tpu.enqueue_dma source(%dma_start3A_89 : memref<128x128xf32, #tpu.memory_space<vmem_shared>>) target(%arg6 : memref<128x128xf32, #tpu.memory_space<vmem>>) target_semaphore(%run_scoped3A : memref<!tpu.dma_semaphore, #tpu.memory_space<semaphore_mem>>)
      %dma_wait3A_90 = arith.constant 0 : i32
      %dma_wait3A_91 = tpu.memref_slice %arg12[%add3A_66, %dma_wait3A_90] : memref<10240x128xf32, #tpu.memory_space<vmem_shared>> -> memref<128x128xf32, #tpu.memory_space<vmem_shared>>
      %dma_wait3A_92 = arith.constant 0 : i32
      %dma_wait3A_93 = tpu.memref_slice %arg12[%add3A_66, %dma_wait3A_92] : memref<10240x128xf32, #tpu.memory_space<vmem_shared>> -> memref<128x128xf32, #tpu.memory_space<vmem_shared>>
      tpu.wait_dma2 semaphore(%run_scoped3A : memref<!tpu.dma_semaphore, #tpu.memory_space<semaphore_mem>>) src(%dma_wait3A_93 : memref<128x128xf32, #tpu.memory_space<vmem_shared>>) dst(%arg6 : memref<128x128xf32, #tpu.memory_space<vmem>>)
      tpu.yield
    }) : () -> ()
    %mul3A_67 = arith.constant 10240 : i32
    %mul3A_68 = arith.muli %arg0, %mul3A_67 : i32
    %add3A_69 = arith.addi %mul3A_68, %mul3A_2 : i32
    %add3A_70 = arith.constant 256 : i32
    %add3A_71 = arith.addi %add3A_69, %add3A_70 : i32
    "tpu.region"() ({
      %run_scoped3A = tpu.sem_alloc : memref<!tpu.dma_semaphore, #tpu.memory_space<semaphore_mem>>
      %dma_start3A_86 = arith.constant 0 : i32
      %dma_start3A_87 = tpu.memref_slice %arg5[%add3A_71, %dma_start3A_86] : memref<20480x128xf32, #tpu.memory_space<hbm>> -> memref<128x128xf32, #tpu.memory_space<hbm>>
      %dma_start3A_88 = arith.constant 0 : i32
      %dma_start3A_89 = tpu.memref_slice %arg5[%add3A_71, %dma_start3A_88] : memref<20480x128xf32, #tpu.memory_space<hbm>> -> memref<128x128xf32, #tpu.memory_space<hbm>>
      tpu.enqueue_dma source(%arg6 : memref<128x128xf32, #tpu.memory_space<vmem>>) target(%dma_start3A_89 : memref<128x128xf32, #tpu.memory_space<hbm>>) target_semaphore(%run_scoped3A : memref<!tpu.dma_semaphore, #tpu.memory_space<semaphore_mem>>)
      %dma_wait3A_90 = arith.constant 0 : i32
      %dma_wait3A_91 = tpu.memref_slice %arg5[%add3A_71, %dma_wait3A_90] : memref<20480x128xf32, #tpu.memory_space<hbm>> -> memref<128x128xf32, #tpu.memory_space<hbm>>
      %dma_wait3A_92 = arith.constant 0 : i32
      %dma_wait3A_93 = tpu.memref_slice %arg5[%add3A_71, %dma_wait3A_92] : memref<20480x128xf32, #tpu.memory_space<hbm>> -> memref<128x128xf32, #tpu.memory_space<hbm>>
      tpu.wait_dma2 semaphore(%run_scoped3A : memref<!tpu.dma_semaphore, #tpu.memory_space<semaphore_mem>>) src(%arg6 : memref<128x128xf32, #tpu.memory_space<vmem>>) dst(%dma_wait3A_93 : memref<128x128xf32, #tpu.memory_space<hbm>>)
      tpu.yield
    }) : () -> ()
    %add3A_72 = arith.constant 384 : i32
    %add3A_73 = arith.addi %mul3A_2, %add3A_72 : i32
    "tpu.region"() ({
      %run_scoped3A = tpu.sem_alloc : memref<!tpu.dma_semaphore, #tpu.memory_space<semaphore_mem>>
      %dma_start3A_86 = arith.constant 0 : i32
      %dma_start3A_87 = tpu.memref_slice %arg12[%add3A_73, %dma_start3A_86] : memref<10240x128xf32, #tpu.memory_space<vmem_shared>> -> memref<128x128xf32, #tpu.memory_space<vmem_shared>>
      %dma_start3A_88 = arith.constant 0 : i32
      %dma_start3A_89 = tpu.memref_slice %arg12[%add3A_73, %dma_start3A_88] : memref<10240x128xf32, #tpu.memory_space<vmem_shared>> -> memref<128x128xf32, #tpu.memory_space<vmem_shared>>
      tpu.enqueue_dma source(%dma_start3A_89 : memref<128x128xf32, #tpu.memory_space<vmem_shared>>) target(%arg6 : memref<128x128xf32, #tpu.memory_space<vmem>>) target_semaphore(%run_scoped3A : memref<!tpu.dma_semaphore, #tpu.memory_space<semaphore_mem>>)
      %dma_wait3A_90 = arith.constant 0 : i32
      %dma_wait3A_91 = tpu.memref_slice %arg12[%add3A_73, %dma_wait3A_90] : memref<10240x128xf32, #tpu.memory_space<vmem_shared>> -> memref<128x128xf32, #tpu.memory_space<vmem_shared>>
      %dma_wait3A_92 = arith.constant 0 : i32
      %dma_wait3A_93 = tpu.memref_slice %arg12[%add3A_73, %dma_wait3A_92] : memref<10240x128xf32, #tpu.memory_space<vmem_shared>> -> memref<128x128xf32, #tpu.memory_space<vmem_shared>>
      tpu.wait_dma2 semaphore(%run_scoped3A : memref<!tpu.dma_semaphore, #tpu.memory_space<semaphore_mem>>) src(%dma_wait3A_93 : memref<128x128xf32, #tpu.memory_space<vmem_shared>>) dst(%arg6 : memref<128x128xf32, #tpu.memory_space<vmem>>)
      tpu.yield
    }) : () -> ()
    %mul3A_74 = arith.constant 10240 : i32
    %mul3A_75 = arith.muli %arg0, %mul3A_74 : i32
    %add3A_76 = arith.addi %mul3A_75, %mul3A_2 : i32
    %add3A_77 = arith.constant 384 : i32
    %add3A_78 = arith.addi %add3A_76, %add3A_77 : i32
    "tpu.region"() ({
      %run_scoped3A = tpu.sem_alloc : memref<!tpu.dma_semaphore, #tpu.memory_space<semaphore_mem>>
      %dma_start3A_86 = arith.constant 0 : i32
      %dma_start3A_87 = tpu.memref_slice %arg5[%add3A_78, %dma_start3A_86] : memref<20480x128xf32, #tpu.memory_space<hbm>> -> memref<128x128xf32, #tpu.memory_space<hbm>>
      %dma_start3A_88 = arith.constant 0 : i32
      %dma_start3A_89 = tpu.memref_slice %arg5[%add3A_78, %dma_start3A_88] : memref<20480x128xf32, #tpu.memory_space<hbm>> -> memref<128x128xf32, #tpu.memory_space<hbm>>
      tpu.enqueue_dma source(%arg6 : memref<128x128xf32, #tpu.memory_space<vmem>>) target(%dma_start3A_89 : memref<128x128xf32, #tpu.memory_space<hbm>>) target_semaphore(%run_scoped3A : memref<!tpu.dma_semaphore, #tpu.memory_space<semaphore_mem>>)
      %dma_wait3A_90 = arith.constant 0 : i32
      %dma_wait3A_91 = tpu.memref_slice %arg5[%add3A_78, %dma_wait3A_90] : memref<20480x128xf32, #tpu.memory_space<hbm>> -> memref<128x128xf32, #tpu.memory_space<hbm>>
      %dma_wait3A_92 = arith.constant 0 : i32
      %dma_wait3A_93 = tpu.memref_slice %arg5[%add3A_78, %dma_wait3A_92] : memref<20480x128xf32, #tpu.memory_space<hbm>> -> memref<128x128xf32, #tpu.memory_space<hbm>>
      tpu.wait_dma2 semaphore(%run_scoped3A : memref<!tpu.dma_semaphore, #tpu.memory_space<semaphore_mem>>) src(%arg6 : memref<128x128xf32, #tpu.memory_space<vmem>>) dst(%dma_wait3A_93 : memref<128x128xf32, #tpu.memory_space<hbm>>)
      tpu.yield
    }) : () -> ()
    %add3A_79 = arith.constant 512 : i32
    %add3A_80 = arith.addi %mul3A_2, %add3A_79 : i32
    "tpu.region"() ({
      %run_scoped3A = tpu.sem_alloc : memref<!tpu.dma_semaphore, #tpu.memory_space<semaphore_mem>>
      %dma_start3A_86 = arith.constant 0 : i32
      %dma_start3A_87 = tpu.memref_slice %arg12[%add3A_80, %dma_start3A_86] : memref<10240x128xf32, #tpu.memory_space<vmem_shared>> -> memref<128x128xf32, #tpu.memory_space<vmem_shared>>
      %dma_start3A_88 = arith.constant 0 : i32
      %dma_start3A_89 = tpu.memref_slice %arg12[%add3A_80, %dma_start3A_88] : memref<10240x128xf32, #tpu.memory_space<vmem_shared>> -> memref<128x128xf32, #tpu.memory_space<vmem_shared>>
      tpu.enqueue_dma source(%dma_start3A_89 : memref<128x128xf32, #tpu.memory_space<vmem_shared>>) target(%arg6 : memref<128x128xf32, #tpu.memory_space<vmem>>) target_semaphore(%run_scoped3A : memref<!tpu.dma_semaphore, #tpu.memory_space<semaphore_mem>>)
      %dma_wait3A_90 = arith.constant 0 : i32
      %dma_wait3A_91 = tpu.memref_slice %arg12[%add3A_80, %dma_wait3A_90] : memref<10240x128xf32, #tpu.memory_space<vmem_shared>> -> memref<128x128xf32, #tpu.memory_space<vmem_shared>>
      %dma_wait3A_92 = arith.constant 0 : i32
      %dma_wait3A_93 = tpu.memref_slice %arg12[%add3A_80, %dma_wait3A_92] : memref<10240x128xf32, #tpu.memory_space<vmem_shared>> -> memref<128x128xf32, #tpu.memory_space<vmem_shared>>
      tpu.wait_dma2 semaphore(%run_scoped3A : memref<!tpu.dma_semaphore, #tpu.memory_space<semaphore_mem>>) src(%dma_wait3A_93 : memref<128x128xf32, #tpu.memory_space<vmem_shared>>) dst(%arg6 : memref<128x128xf32, #tpu.memory_space<vmem>>)
      tpu.yield
    }) : () -> ()
    %mul3A_81 = arith.constant 10240 : i32
    %mul3A_82 = arith.muli %arg0, %mul3A_81 : i32
    %add3A_83 = arith.addi %mul3A_82, %mul3A_2 : i32
    %add3A_84 = arith.constant 512 : i32
    %add3A_85 = arith.addi %add3A_83, %add3A_84 : i32
    "tpu.region"() ({
      %run_scoped3A = tpu.sem_alloc : memref<!tpu.dma_semaphore, #tpu.memory_space<semaphore_mem>>
      %dma_start3A_86 = arith.constant 0 : i32
      %dma_start3A_87 = tpu.memref_slice %arg5[%add3A_85, %dma_start3A_86] : memref<20480x128xf32, #tpu.memory_space<hbm>> -> memref<128x128xf32, #tpu.memory_space<hbm>>
      %dma_start3A_88 = arith.constant 0 : i32
      %dma_start3A_89 = tpu.memref_slice %arg5[%add3A_85, %dma_start3A_88] : memref<20480x128xf32, #tpu.memory_space<hbm>> -> memref<128x128xf32, #tpu.memory_space<hbm>>
      tpu.enqueue_dma source(%arg6 : memref<128x128xf32, #tpu.memory_space<vmem>>) target(%dma_start3A_89 : memref<128x128xf32, #tpu.memory_space<hbm>>) target_semaphore(%run_scoped3A : memref<!tpu.dma_semaphore, #tpu.memory_space<semaphore_mem>>)
      %dma_wait3A_90 = arith.constant 0 : i32
      %dma_wait3A_91 = tpu.memref_slice %arg5[%add3A_85, %dma_wait3A_90] : memref<20480x128xf32, #tpu.memory_space<hbm>> -> memref<128x128xf32, #tpu.memory_space<hbm>>
      %dma_wait3A_92 = arith.constant 0 : i32
      %dma_wait3A_93 = tpu.memref_slice %arg5[%add3A_85, %dma_wait3A_92] : memref<20480x128xf32, #tpu.memory_space<hbm>> -> memref<128x128xf32, #tpu.memory_space<hbm>>
      tpu.wait_dma2 semaphore(%run_scoped3A : memref<!tpu.dma_semaphore, #tpu.memory_space<semaphore_mem>>) src(%arg6 : memref<128x128xf32, #tpu.memory_space<vmem>>) dst(%dma_wait3A_93 : memref<128x128xf32, #tpu.memory_space<hbm>>)
      tpu.yield
    }) : () -> ()
    return
  }
}

#map = affine_map<(d0, d1) -> (0, 0)>
#map1 = affine_map<(d0, d1) -> (0)>
module attributes {stable_mosaic.version = 14 : i64} {
  func.func @_edge_kernel(%arg0: i32, %arg1: i32, %arg2: memref<10240x128xf32, #tpu.memory_space<hbm>>, %arg3: memref<327680xi32, #tpu.memory_space<hbm>>, %arg4: memref<327680xi32, #tpu.memory_space<hbm>>, %arg5: memref<20480x128xf32, #tpu.memory_space<hbm>>, %arg6: memref<128x128xf32, #tpu.memory_space<vmem>>, %arg7: memref<128x128xf32, #tpu.memory_space<vmem>>, %arg8: memref<128xi32, #tpu.memory_space<vmem>>, %arg9: memref<128xi32, #tpu.memory_space<vmem>>, %arg10: memref<128xi32, #tpu.memory_space<vmem>>, %arg11: memref<128xi32, #tpu.memory_space<vmem>>, %arg12: memref<10240x128xf32, #tpu.memory_space<vmem_shared>>, %arg13: memref<!tpu.dma_semaphore, #tpu.memory_space<semaphore_mem>>, %arg14: memref<!tpu.dma_semaphore, #tpu.memory_space<semaphore_mem>>) attributes {dimension_semantics = [#tpu.dimension_semantics<core_parallel>, #tpu.dimension_semantics<subcore_parallel>], iteration_bounds = array<i64: 2, 16>, scalar_prefetch = 0 : i64, scratch_operands = 9 : i64, tpu.core_type = #tpu.core_type<sc_vector_subcore>, window_params = [{transform_indices = #map}, {transform_indices = #map1}, {transform_indices = #map1}, {transform_indices = #map}]} {
    %mul3A = arith.constant 2 : i32
    %mul3A_0 = arith.muli %arg1, %mul3A : i32
    %add3A = arith.addi %mul3A_0, %arg0 : i32
    %mul3A_1 = arith.constant 640 : i32
    %mul3A_2 = arith.muli %arg1, %mul3A_1 : i32
    %mul3A_3 = arith.constant 10240 : i32
    %mul3A_4 = arith.muli %add3A, %mul3A_3 : i32
    %iota3A = tpu.iota {dimensions = array<i32: 0>} : vector<16xi32>
    %lt3A = arith.constant 0 : i32
    %lt3A_5 = vector.broadcast %lt3A : i32 to vector<16xi32>
    %lt3A_6 = arith.cmpi slt, %iota3A, %lt3A_5 : vector<16xi32>
    %jit3A = arith.constant 1.000000e+00 : f32
    %jit3A_7 = arith.constant 0.000000e+00 : f32
    %broadcast_in_dim3A = vector.broadcast %jit3A : f32 to vector<16xf32>
    %broadcast_in_dim3A_8 = vector.broadcast %jit3A_7 : f32 to vector<16xf32>
    %select_n3A = arith.select %lt3A_6, %broadcast_in_dim3A, %broadcast_in_dim3A_8 : vector<16xi1>, vector<16xf32>
    %scan3A = arith.constant 0 : i32
    %scan3A_9 = arith.constant 0 : i32
    %scan3A_10 = arith.constant 1024 : i32
    %scan3A_11 = arith.addi %scan3A_9, %scan3A_10 : i32
    %scan3A_12 = arith.constant 1 : i32
    scf.for %scan3A_86 = %scan3A_9 to %scan3A_11 step %scan3A_12  : i32 {
      %jit3A_87 = arith.constant 8 : i32
      %div3A = arith.divsi %scan3A_86, %jit3A_87 : i32
      %sign3A = arith.constant 0 : i32
      %sign3A_88 = arith.cmpi sgt, %scan3A_86, %sign3A : i32
      %sign3A_89 = arith.extui %sign3A_88 : i1 to i32
      %sign3A_90 = arith.constant 0 : i32
      %sign3A_91 = arith.cmpi slt, %scan3A_86, %sign3A_90 : i32
      %sign3A_92 = arith.extui %sign3A_91 : i1 to i32
      %sign3A_93 = arith.subi %sign3A_89, %sign3A_92 : i32
      %sign3A_94 = arith.constant 0 : i32
      %sign3A_95 = arith.cmpi sgt, %jit3A_87, %sign3A_94 : i32
      %sign3A_96 = arith.extui %sign3A_95 : i1 to i32
      %sign3A_97 = arith.constant 0 : i32
      %sign3A_98 = arith.cmpi slt, %jit3A_87, %sign3A_97 : i32
      %sign3A_99 = arith.extui %sign3A_98 : i1 to i32
      %sign3A_100 = arith.subi %sign3A_96, %sign3A_99 : i32
      %ne3A = arith.cmpi ne, %sign3A_93, %sign3A_100 : i32
      %rem3A = arith.remsi %scan3A_86, %jit3A_87 : i32
      %ne3A_101 = arith.constant 0 : i32
      %ne3A_102 = arith.cmpi ne, %rem3A, %ne3A_101 : i32
      %and3A = arith.andi %ne3A, %ne3A_102 : i1
      %sub3A = arith.constant 1 : i32
      %sub3A_103 = arith.subi %div3A, %sub3A : i32
      %select_n3A_104 = arith.select %and3A, %sub3A_103, %div3A : i32
      %jit3A_105 = arith.constant 8 : i32
      %eq3A = arith.constant 0 : i32
      %eq3A_106 = arith.cmpi eq, %jit3A_105, %eq3A : i32
      %jit3A_107 = arith.constant 1 : i32
      %select_n3A_108 = arith.select %eq3A_106, %jit3A_107, %jit3A_105 : i32
      %rem3A_109 = arith.remsi %scan3A_86, %select_n3A_108 : i32
      %ne3A_110 = arith.constant 0 : i32
      %ne3A_111 = arith.cmpi ne, %rem3A_109, %ne3A_110 : i32
      %lt3A_112 = arith.constant 0 : i32
      %lt3A_113 = arith.cmpi slt, %rem3A_109, %lt3A_112 : i32
      %lt3A_114 = arith.constant 0 : i32
      %lt3A_115 = arith.cmpi slt, %select_n3A_108, %lt3A_114 : i32
      %ne3A_116 = arith.xori %lt3A_113, %lt3A_115 : i1
      %and3A_117 = arith.andi %ne3A_116, %ne3A_111 : i1
      %add3A_118 = arith.addi %rem3A_109, %select_n3A_108 : i32
      %select_n3A_119 = arith.select %and3A_117, %add3A_118, %rem3A_109 : i32
      %mul3A_120 = arith.constant 16 : i32
      %mul3A_121 = arith.muli %select_n3A_119, %mul3A_120 : i32
      %swap3A = arith.index_cast %select_n3A_104 : i32 to index
      %swap3A_122 = arith.index_cast %mul3A_121 : i32 to index
      %swap3A_123 = tpu.vector_load %arg6[%swap3A, %swap3A_122] {strides = array<i32>} : memref<128x128xf32, #tpu.memory_space<vmem>>, vector<1x16xf32>,
      %swap3A_124 = vector.shape_cast %swap3A_123 : vector<1x16xf32> to vector<16xf32>
      %swap3A_125 = vector.shape_cast %select_n3A : vector<16xf32> to vector<1x16xf32>
      tpu.vector_store %arg6[%swap3A, %swap3A_122], %swap3A_125 {strides = array<i32>} : memref<128x128xf32, #tpu.memory_space<vmem>>, vector<1x16xf32>,
    }
    %scan3A_13 = arith.constant 1024 : i32
    %add3A_14 = arith.constant 0 : i32
    %add3A_15 = arith.addi %mul3A_2, %add3A_14 : i32
    "tpu.region"() ({
      %run_scoped3A = tpu.sem_alloc : memref<!tpu.dma_semaphore, #tpu.memory_space<semaphore_mem>>
      %dma_start3A_86 = arith.constant 0 : i32
      %dma_start3A_87 = tpu.memref_slice %arg12[%add3A_15, %dma_start3A_86] : memref<10240x128xf32, #tpu.memory_space<vmem_shared>> -> memref<128x128xf32, #tpu.memory_space<vmem_shared>>
      %dma_start3A_88 = arith.constant 0 : i32
      %dma_start3A_89 = tpu.memref_slice %arg12[%add3A_15, %dma_start3A_88] : memref<10240x128xf32, #tpu.memory_space<vmem_shared>> -> memref<128x128xf32, #tpu.memory_space<vmem_shared>>
      tpu.enqueue_dma source(%arg6 : memref<128x128xf32, #tpu.memory_space<vmem>>) target(%dma_start3A_89 : memref<128x128xf32, #tpu.memory_space<vmem_shared>>) target_semaphore(%run_scoped3A : memref<!tpu.dma_semaphore, #tpu.memory_space<semaphore_mem>>)
      %dma_wait3A_90 = arith.constant 0 : i32
      %dma_wait3A_91 = tpu.memref_slice %arg12[%add3A_15, %dma_wait3A_90] : memref<10240x128xf32, #tpu.memory_space<vmem_shared>> -> memref<128x128xf32, #tpu.memory_space<vmem_shared>>
      %dma_wait3A_92 = arith.constant 0 : i32
      %dma_wait3A_93 = tpu.memref_slice %arg12[%add3A_15, %dma_wait3A_92] : memref<10240x128xf32, #tpu.memory_space<vmem_shared>> -> memref<128x128xf32, #tpu.memory_space<vmem_shared>>
      tpu.wait_dma2 semaphore(%run_scoped3A : memref<!tpu.dma_semaphore, #tpu.memory_space<semaphore_mem>>) src(%arg6 : memref<128x128xf32, #tpu.memory_space<vmem>>) dst(%dma_wait3A_93 : memref<128x128xf32, #tpu.memory_space<vmem_shared>>)
      tpu.yield
    }) : () -> ()
    %add3A_16 = arith.constant 128 : i32
    %add3A_17 = arith.addi %mul3A_2, %add3A_16 : i32
    "tpu.region"() ({
      %run_scoped3A = tpu.sem_alloc : memref<!tpu.dma_semaphore, #tpu.memory_space<semaphore_mem>>
      %dma_start3A_86 = arith.constant 0 : i32
      %dma_start3A_87 = tpu.memref_slice %arg12[%add3A_17, %dma_start3A_86] : memref<10240x128xf32, #tpu.memory_space<vmem_shared>> -> memref<128x128xf32, #tpu.memory_space<vmem_shared>>
      %dma_start3A_88 = arith.constant 0 : i32
      %dma_start3A_89 = tpu.memref_slice %arg12[%add3A_17, %dma_start3A_88] : memref<10240x128xf32, #tpu.memory_space<vmem_shared>> -> memref<128x128xf32, #tpu.memory_space<vmem_shared>>
      tpu.enqueue_dma source(%arg6 : memref<128x128xf32, #tpu.memory_space<vmem>>) target(%dma_start3A_89 : memref<128x128xf32, #tpu.memory_space<vmem_shared>>) target_semaphore(%run_scoped3A : memref<!tpu.dma_semaphore, #tpu.memory_space<semaphore_mem>>)
      %dma_wait3A_90 = arith.constant 0 : i32
      %dma_wait3A_91 = tpu.memref_slice %arg12[%add3A_17, %dma_wait3A_90] : memref<10240x128xf32, #tpu.memory_space<vmem_shared>> -> memref<128x128xf32, #tpu.memory_space<vmem_shared>>
      %dma_wait3A_92 = arith.constant 0 : i32
      %dma_wait3A_93 = tpu.memref_slice %arg12[%add3A_17, %dma_wait3A_92] : memref<10240x128xf32, #tpu.memory_space<vmem_shared>> -> memref<128x128xf32, #tpu.memory_space<vmem_shared>>
      tpu.wait_dma2 semaphore(%run_scoped3A : memref<!tpu.dma_semaphore, #tpu.memory_space<semaphore_mem>>) src(%arg6 : memref<128x128xf32, #tpu.memory_space<vmem>>) dst(%dma_wait3A_93 : memref<128x128xf32, #tpu.memory_space<vmem_shared>>)
      tpu.yield
    }) : () -> ()
    %add3A_18 = arith.constant 256 : i32
    %add3A_19 = arith.addi %mul3A_2, %add3A_18 : i32
    "tpu.region"() ({
      %run_scoped3A = tpu.sem_alloc : memref<!tpu.dma_semaphore, #tpu.memory_space<semaphore_mem>>
      %dma_start3A_86 = arith.constant 0 : i32
      %dma_start3A_87 = tpu.memref_slice %arg12[%add3A_19, %dma_start3A_86] : memref<10240x128xf32, #tpu.memory_space<vmem_shared>> -> memref<128x128xf32, #tpu.memory_space<vmem_shared>>
      %dma_start3A_88 = arith.constant 0 : i32
      %dma_start3A_89 = tpu.memref_slice %arg12[%add3A_19, %dma_start3A_88] : memref<10240x128xf32, #tpu.memory_space<vmem_shared>> -> memref<128x128xf32, #tpu.memory_space<vmem_shared>>
      tpu.enqueue_dma source(%arg6 : memref<128x128xf32, #tpu.memory_space<vmem>>) target(%dma_start3A_89 : memref<128x128xf32, #tpu.memory_space<vmem_shared>>) target_semaphore(%run_scoped3A : memref<!tpu.dma_semaphore, #tpu.memory_space<semaphore_mem>>)
      %dma_wait3A_90 = arith.constant 0 : i32
      %dma_wait3A_91 = tpu.memref_slice %arg12[%add3A_19, %dma_wait3A_90] : memref<10240x128xf32, #tpu.memory_space<vmem_shared>> -> memref<128x128xf32, #tpu.memory_space<vmem_shared>>
      %dma_wait3A_92 = arith.constant 0 : i32
      %dma_wait3A_93 = tpu.memref_slice %arg12[%add3A_19, %dma_wait3A_92] : memref<10240x128xf32, #tpu.memory_space<vmem_shared>> -> memref<128x128xf32, #tpu.memory_space<vmem_shared>>
      tpu.wait_dma2 semaphore(%run_scoped3A : memref<!tpu.dma_semaphore, #tpu.memory_space<semaphore_mem>>) src(%arg6 : memref<128x128xf32, #tpu.memory_space<vmem>>) dst(%dma_wait3A_93 : memref<128x128xf32, #tpu.memory_space<vmem_shared>>)
      tpu.yield
    }) : () -> ()
    %add3A_20 = arith.constant 384 : i32
    %add3A_21 = arith.addi %mul3A_2, %add3A_20 : i32
    "tpu.region"() ({
      %run_scoped3A = tpu.sem_alloc : memref<!tpu.dma_semaphore, #tpu.memory_space<semaphore_mem>>
      %dma_start3A_86 = arith.constant 0 : i32
      %dma_start3A_87 = tpu.memref_slice %arg12[%add3A_21, %dma_start3A_86] : memref<10240x128xf32, #tpu.memory_space<vmem_shared>> -> memref<128x128xf32, #tpu.memory_space<vmem_shared>>
      %dma_start3A_88 = arith.constant 0 : i32
      %dma_start3A_89 = tpu.memref_slice %arg12[%add3A_21, %dma_start3A_88] : memref<10240x128xf32, #tpu.memory_space<vmem_shared>> -> memref<128x128xf32, #tpu.memory_space<vmem_shared>>
      tpu.enqueue_dma source(%arg6 : memref<128x128xf32, #tpu.memory_space<vmem>>) target(%dma_start3A_89 : memref<128x128xf32, #tpu.memory_space<vmem_shared>>) target_semaphore(%run_scoped3A : memref<!tpu.dma_semaphore, #tpu.memory_space<semaphore_mem>>)
      %dma_wait3A_90 = arith.constant 0 : i32
      %dma_wait3A_91 = tpu.memref_slice %arg12[%add3A_21, %dma_wait3A_90] : memref<10240x128xf32, #tpu.memory_space<vmem_shared>> -> memref<128x128xf32, #tpu.memory_space<vmem_shared>>
      %dma_wait3A_92 = arith.constant 0 : i32
      %dma_wait3A_93 = tpu.memref_slice %arg12[%add3A_21, %dma_wait3A_92] : memref<10240x128xf32, #tpu.memory_space<vmem_shared>> -> memref<128x128xf32, #tpu.memory_space<vmem_shared>>
      tpu.wait_dma2 semaphore(%run_scoped3A : memref<!tpu.dma_semaphore, #tpu.memory_space<semaphore_mem>>) src(%arg6 : memref<128x128xf32, #tpu.memory_space<vmem>>) dst(%dma_wait3A_93 : memref<128x128xf32, #tpu.memory_space<vmem_shared>>)
      tpu.yield
    }) : () -> ()
    %add3A_22 = arith.constant 512 : i32
    %add3A_23 = arith.addi %mul3A_2, %add3A_22 : i32
    "tpu.region"() ({
      %run_scoped3A = tpu.sem_alloc : memref<!tpu.dma_semaphore, #tpu.memory_space<semaphore_mem>>
      %dma_start3A_86 = arith.constant 0 : i32
      %dma_start3A_87 = tpu.memref_slice %arg12[%add3A_23, %dma_start3A_86] : memref<10240x128xf32, #tpu.memory_space<vmem_shared>> -> memref<128x128xf32, #tpu.memory_space<vmem_shared>>
      %dma_start3A_88 = arith.constant 0 : i32
      %dma_start3A_89 = tpu.memref_slice %arg12[%add3A_23, %dma_start3A_88] : memref<10240x128xf32, #tpu.memory_space<vmem_shared>> -> memref<128x128xf32, #tpu.memory_space<vmem_shared>>
      tpu.enqueue_dma source(%arg6 : memref<128x128xf32, #tpu.memory_space<vmem>>) target(%dma_start3A_89 : memref<128x128xf32, #tpu.memory_space<vmem_shared>>) target_semaphore(%run_scoped3A : memref<!tpu.dma_semaphore, #tpu.memory_space<semaphore_mem>>)
      %dma_wait3A_90 = arith.constant 0 : i32
      %dma_wait3A_91 = tpu.memref_slice %arg12[%add3A_23, %dma_wait3A_90] : memref<10240x128xf32, #tpu.memory_space<vmem_shared>> -> memref<128x128xf32, #tpu.memory_space<vmem_shared>>
      %dma_wait3A_92 = arith.constant 0 : i32
      %dma_wait3A_93 = tpu.memref_slice %arg12[%add3A_23, %dma_wait3A_92] : memref<10240x128xf32, #tpu.memory_space<vmem_shared>> -> memref<128x128xf32, #tpu.memory_space<vmem_shared>>
      tpu.wait_dma2 semaphore(%run_scoped3A : memref<!tpu.dma_semaphore, #tpu.memory_space<semaphore_mem>>) src(%arg6 : memref<128x128xf32, #tpu.memory_space<vmem>>) dst(%dma_wait3A_93 : memref<128x128xf32, #tpu.memory_space<vmem_shared>>)
      tpu.yield
    }) : () -> ()
    %barrier3A = arith.constant 0 : index
    tpu.barrier barrier_id(%barrier3A)
    %add3A_24 = arith.constant 0 : i32
    %add3A_25 = arith.addi %mul3A_4, %add3A_24 : i32
    "tpu.region"() ({
      %run_scoped3A = tpu.sem_alloc : memref<!tpu.dma_semaphore, #tpu.memory_space<semaphore_mem>>
      %dma_start3A_86 = tpu.memref_slice %arg3[%add3A_25] : memref<327680xi32, #tpu.memory_space<hbm>> -> memref<128xi32, #tpu.memory_space<hbm>>
      %dma_start3A_87 = tpu.memref_slice %arg3[%add3A_25] : memref<327680xi32, #tpu.memory_space<hbm>> -> memref<128xi32, #tpu.memory_space<hbm>>
      tpu.enqueue_dma source(%dma_start3A_87 : memref<128xi32, #tpu.memory_space<hbm>>) target(%arg8 : memref<128xi32, #tpu.memory_space<vmem>>) target_semaphore(%run_scoped3A : memref<!tpu.dma_semaphore, #tpu.memory_space<semaphore_mem>>)
      %dma_wait3A_88 = tpu.memref_slice %arg3[%add3A_25] : memref<327680xi32, #tpu.memory_space<hbm>> -> memref<128xi32, #tpu.memory_space<hbm>>
      %dma_wait3A_89 = tpu.memref_slice %arg3[%add3A_25] : memref<327680xi32, #tpu.memory_space<hbm>> -> memref<128xi32, #tpu.memory_space<hbm>>
      tpu.wait_dma2 semaphore(%run_scoped3A : memref<!tpu.dma_semaphore, #tpu.memory_space<semaphore_mem>>) src(%dma_wait3A_89 : memref<128xi32, #tpu.memory_space<hbm>>) dst(%arg8 : memref<128xi32, #tpu.memory_space<vmem>>)
      tpu.yield
    }) : () -> ()
    "tpu.region"() ({
      %run_scoped3A = tpu.sem_alloc : memref<!tpu.dma_semaphore, #tpu.memory_space<semaphore_mem>>
      %dma_start3A_86 = tpu.memref_slice %arg4[%add3A_25] : memref<327680xi32, #tpu.memory_space<hbm>> -> memref<128xi32, #tpu.memory_space<hbm>>
      %dma_start3A_87 = tpu.memref_slice %arg4[%add3A_25] : memref<327680xi32, #tpu.memory_space<hbm>> -> memref<128xi32, #tpu.memory_space<hbm>>
      tpu.enqueue_dma source(%dma_start3A_87 : memref<128xi32, #tpu.memory_space<hbm>>) target(%arg10 : memref<128xi32, #tpu.memory_space<vmem>>) target_semaphore(%run_scoped3A : memref<!tpu.dma_semaphore, #tpu.memory_space<semaphore_mem>>)
      %dma_wait3A_88 = tpu.memref_slice %arg4[%add3A_25] : memref<327680xi32, #tpu.memory_space<hbm>> -> memref<128xi32, #tpu.memory_space<hbm>>
      %dma_wait3A_89 = tpu.memref_slice %arg4[%add3A_25] : memref<327680xi32, #tpu.memory_space<hbm>> -> memref<128xi32, #tpu.memory_space<hbm>>
      tpu.wait_dma2 semaphore(%run_scoped3A : memref<!tpu.dma_semaphore, #tpu.memory_space<semaphore_mem>>) src(%dma_wait3A_89 : memref<128xi32, #tpu.memory_space<hbm>>) dst(%arg10 : memref<128xi32, #tpu.memory_space<vmem>>)
      tpu.yield
    }) : () -> ()
    %dma_start3A = arith.constant 0 : i32
    %dma_start3A_26 = arith.constant 0 : i32
    %dma_start3A_27 = tpu.memref_slice %arg2[%dma_start3A, %dma_start3A_26] : memref<10240x128xf32, #tpu.memory_space<hbm>> -> memref<10240x128xf32, #tpu.memory_space<hbm>>
    tpu.enqueue_indirect_dma source(%dma_start3A_27 : memref<10240x128xf32, #tpu.memory_space<hbm>>) target(%arg6 : memref<128x128xf32, #tpu.memory_space<vmem>>) offsets(%arg8 : memref<128xi32, #tpu.memory_space<vmem>>) semaphore(%arg13 : memref<!tpu.dma_semaphore, #tpu.memory_space<semaphore_mem>>)
    %add3A_28 = arith.constant 128 : i32
    %add3A_29 = arith.addi %mul3A_4, %add3A_28 : i32
    "tpu.region"() ({
      %run_scoped3A = tpu.sem_alloc : memref<!tpu.dma_semaphore, #tpu.memory_space<semaphore_mem>>
      %dma_start3A_86 = tpu.memref_slice %arg3[%add3A_29] : memref<327680xi32, #tpu.memory_space<hbm>> -> memref<128xi32, #tpu.memory_space<hbm>>
      %dma_start3A_87 = tpu.memref_slice %arg3[%add3A_29] : memref<327680xi32, #tpu.memory_space<hbm>> -> memref<128xi32, #tpu.memory_space<hbm>>
      tpu.enqueue_dma source(%dma_start3A_87 : memref<128xi32, #tpu.memory_space<hbm>>) target(%arg9 : memref<128xi32, #tpu.memory_space<vmem>>) target_semaphore(%run_scoped3A : memref<!tpu.dma_semaphore, #tpu.memory_space<semaphore_mem>>)
      %dma_wait3A_88 = tpu.memref_slice %arg3[%add3A_29] : memref<327680xi32, #tpu.memory_space<hbm>> -> memref<128xi32, #tpu.memory_space<hbm>>
      %dma_wait3A_89 = tpu.memref_slice %arg3[%add3A_29] : memref<327680xi32, #tpu.memory_space<hbm>> -> memref<128xi32, #tpu.memory_space<hbm>>
      tpu.wait_dma2 semaphore(%run_scoped3A : memref<!tpu.dma_semaphore, #tpu.memory_space<semaphore_mem>>) src(%dma_wait3A_89 : memref<128xi32, #tpu.memory_space<hbm>>) dst(%arg9 : memref<128xi32, #tpu.memory_space<vmem>>)
      tpu.yield
    }) : () -> ()
    "tpu.region"() ({
      %run_scoped3A = tpu.sem_alloc : memref<!tpu.dma_semaphore, #tpu.memory_space<semaphore_mem>>
      %dma_start3A_86 = tpu.memref_slice %arg4[%add3A_29] : memref<327680xi32, #tpu.memory_space<hbm>> -> memref<128xi32, #tpu.memory_space<hbm>>
      %dma_start3A_87 = tpu.memref_slice %arg4[%add3A_29] : memref<327680xi32, #tpu.memory_space<hbm>> -> memref<128xi32, #tpu.memory_space<hbm>>
      tpu.enqueue_dma source(%dma_start3A_87 : memref<128xi32, #tpu.memory_space<hbm>>) target(%arg11 : memref<128xi32, #tpu.memory_space<vmem>>) target_semaphore(%run_scoped3A : memref<!tpu.dma_semaphore, #tpu.memory_space<semaphore_mem>>)
      %dma_wait3A_88 = tpu.memref_slice %arg4[%add3A_29] : memref<327680xi32, #tpu.memory_space<hbm>> -> memref<128xi32, #tpu.memory_space<hbm>>
      %dma_wait3A_89 = tpu.memref_slice %arg4[%add3A_29] : memref<327680xi32, #tpu.memory_space<hbm>> -> memref<128xi32, #tpu.memory_space<hbm>>
      tpu.wait_dma2 semaphore(%run_scoped3A : memref<!tpu.dma_semaphore, #tpu.memory_space<semaphore_mem>>) src(%dma_wait3A_89 : memref<128xi32, #tpu.memory_space<hbm>>) dst(%arg11 : memref<128xi32, #tpu.memory_space<vmem>>)
      tpu.yield
    }) : () -> ()
    %dma_start3A_30 = arith.constant 0 : i32
    %dma_start3A_31 = arith.constant 0 : i32
    %dma_start3A_32 = tpu.memref_slice %arg2[%dma_start3A_30, %dma_start3A_31] : memref<10240x128xf32, #tpu.memory_space<hbm>> -> memref<10240x128xf32, #tpu.memory_space<hbm>>
    tpu.enqueue_indirect_dma source(%dma_start3A_32 : memref<10240x128xf32, #tpu.memory_space<hbm>>) target(%arg7 : memref<128x128xf32, #tpu.memory_space<vmem>>) offsets(%arg9 : memref<128xi32, #tpu.memory_space<vmem>>) semaphore(%arg14 : memref<!tpu.dma_semaphore, #tpu.memory_space<semaphore_mem>>)
    %scan3A_33 = arith.constant 0 : i32
    %scan3A_34 = arith.constant 0 : i32
    %scan3A_35 = arith.constant 39 : i32
    %scan3A_36 = arith.addi %scan3A_34, %scan3A_35 : i32
    %scan3A_37 = arith.constant 1 : i32
    scf.for %scan3A_86 = %scan3A_34 to %scan3A_36 step %scan3A_37  : i32 {
      %dma_wait3A_87 = arith.constant 0 : i32
      %dma_wait3A_88 = arith.constant 0 : i32
      %dma_wait3A_89 = tpu.memref_slice %arg2[%dma_wait3A_87, %dma_wait3A_88] : memref<10240x128xf32, #tpu.memory_space<hbm>> -> memref<128x128xf32, #tpu.memory_space<hbm>>
      %dma_wait3A_90 = arith.constant 0 : i32
      %dma_wait3A_91 = arith.constant 0 : i32
      %dma_wait3A_92 = tpu.memref_slice %arg2[%dma_wait3A_90, %dma_wait3A_91] : memref<10240x128xf32, #tpu.memory_space<hbm>> -> memref<128x128xf32, #tpu.memory_space<hbm>>
      tpu.wait_dma2 semaphore(%arg13 : memref<!tpu.dma_semaphore, #tpu.memory_space<semaphore_mem>>) src(%dma_wait3A_92 : memref<128x128xf32, #tpu.memory_space<hbm>>) dst(%arg6 : memref<128x128xf32, #tpu.memory_space<vmem>>)
      "tpu.region"() ({
        %run_scoped3A = tpu.sem_alloc : memref<!tpu.dma_semaphore, #tpu.memory_space<semaphore_mem>>
        %dma_start3A_123 = arith.constant 0 : i32
        %dma_start3A_124 = arith.constant 0 : i32
        %dma_start3A_125 = tpu.memref_slice %arg12[%dma_start3A_123, %dma_start3A_124] : memref<10240x128xf32, #tpu.memory_space<vmem_shared>> -> memref<10240x128xf32, #tpu.memory_space<vmem_shared>>
        tpu.enqueue_indirect_dma source(%arg6 : memref<128x128xf32, #tpu.memory_space<vmem>>) target(%dma_start3A_125 : memref<10240x128xf32, #tpu.memory_space<vmem_shared>>) offsets(%arg10 : memref<128xi32, #tpu.memory_space<vmem>>) semaphore(%run_scoped3A : memref<!tpu.dma_semaphore, #tpu.memory_space<semaphore_mem>>) {add = true}
        %dma_wait3A_126 = arith.constant 0 : i32
        %dma_wait3A_127 = arith.constant 0 : i32
        %dma_wait3A_128 = tpu.memref_slice %arg12[%dma_wait3A_126, %dma_wait3A_127] : memref<10240x128xf32, #tpu.memory_space<vmem_shared>> -> memref<10240x128xf32, #tpu.memory_space<vmem_shared>>
        tpu.wait_indirect_dma semaphore(%run_scoped3A : memref<!tpu.dma_semaphore, #tpu.memory_space<semaphore_mem>>) src(%arg6 : memref<128x128xf32, #tpu.memory_space<vmem>>) dst(%dma_wait3A_128 : memref<10240x128xf32, #tpu.memory_space<vmem_shared>>)
        tpu.yield
      }) : () -> ()
      %mul3A_93 = arith.constant 2 : i32
      %mul3A_94 = arith.muli %scan3A_86, %mul3A_93 : i32
      %add3A_95 = arith.constant 0 : i32
      %add3A_96 = arith.addi %mul3A_94, %add3A_95 : i32
      %add3A_97 = arith.constant 2 : i32
      %add3A_98 = arith.addi %add3A_96, %add3A_97 : i32
      %mul3A_99 = arith.constant 128 : i32
      %mul3A_100 = arith.muli %add3A_98, %mul3A_99 : i32
      %add3A_101 = arith.addi %mul3A_4, %mul3A_100 : i32
      "tpu.region"() ({
        %run_scoped3A = tpu.sem_alloc : memref<!tpu.dma_semaphore, #tpu.memory_space<semaphore_mem>>
        %dma_start3A_123 = tpu.memref_slice %arg3[%add3A_101] : memref<327680xi32, #tpu.memory_space<hbm>> -> memref<128xi32, #tpu.memory_space<hbm>>
        %dma_start3A_124 = tpu.memref_slice %arg3[%add3A_101] : memref<327680xi32, #tpu.memory_space<hbm>> -> memref<128xi32, #tpu.memory_space<hbm>>
        tpu.enqueue_dma source(%dma_start3A_124 : memref<128xi32, #tpu.memory_space<hbm>>) target(%arg8 : memref<128xi32, #tpu.memory_space<vmem>>) target_semaphore(%run_scoped3A : memref<!tpu.dma_semaphore, #tpu.memory_space<semaphore_mem>>)
        %dma_wait3A_125 = tpu.memref_slice %arg3[%add3A_101] : memref<327680xi32, #tpu.memory_space<hbm>> -> memref<128xi32, #tpu.memory_space<hbm>>
        %dma_wait3A_126 = tpu.memref_slice %arg3[%add3A_101] : memref<327680xi32, #tpu.memory_space<hbm>> -> memref<128xi32, #tpu.memory_space<hbm>>
        tpu.wait_dma2 semaphore(%run_scoped3A : memref<!tpu.dma_semaphore, #tpu.memory_space<semaphore_mem>>) src(%dma_wait3A_126 : memref<128xi32, #tpu.memory_space<hbm>>) dst(%arg8 : memref<128xi32, #tpu.memory_space<vmem>>)
        tpu.yield
      }) : () -> ()
      "tpu.region"() ({
        %run_scoped3A = tpu.sem_alloc : memref<!tpu.dma_semaphore, #tpu.memory_space<semaphore_mem>>
        %dma_start3A_123 = tpu.memref_slice %arg4[%add3A_101] : memref<327680xi32, #tpu.memory_space<hbm>> -> memref<128xi32, #tpu.memory_space<hbm>>
        %dma_start3A_124 = tpu.memref_slice %arg4[%add3A_101] : memref<327680xi32, #tpu.memory_space<hbm>> -> memref<128xi32, #tpu.memory_space<hbm>>
        tpu.enqueue_dma source(%dma_start3A_124 : memref<128xi32, #tpu.memory_space<hbm>>) target(%arg10 : memref<128xi32, #tpu.memory_space<vmem>>) target_semaphore(%run_scoped3A : memref<!tpu.dma_semaphore, #tpu.memory_space<semaphore_mem>>)
        %dma_wait3A_125 = tpu.memref_slice %arg4[%add3A_101] : memref<327680xi32, #tpu.memory_space<hbm>> -> memref<128xi32, #tpu.memory_space<hbm>>
        %dma_wait3A_126 = tpu.memref_slice %arg4[%add3A_101] : memref<327680xi32, #tpu.memory_space<hbm>> -> memref<128xi32, #tpu.memory_space<hbm>>
        tpu.wait_dma2 semaphore(%run_scoped3A : memref<!tpu.dma_semaphore, #tpu.memory_space<semaphore_mem>>) src(%dma_wait3A_126 : memref<128xi32, #tpu.memory_space<hbm>>) dst(%arg10 : memref<128xi32, #tpu.memory_space<vmem>>)
        tpu.yield
      }) : () -> ()
      %dma_start3A_102 = arith.constant 0 : i32
      %dma_start3A_103 = arith.constant 0 : i32
      %dma_start3A_104 = tpu.memref_slice %arg2[%dma_start3A_102, %dma_start3A_103] : memref<10240x128xf32, #tpu.memory_space<hbm>> -> memref<10240x128xf32, #tpu.memory_space<hbm>>
      tpu.enqueue_indirect_dma source(%dma_start3A_104 : memref<10240x128xf32, #tpu.memory_space<hbm>>) target(%arg6 : memref<128x128xf32, #tpu.memory_space<vmem>>) offsets(%arg8 : memref<128xi32, #tpu.memory_space<vmem>>) semaphore(%arg13 : memref<!tpu.dma_semaphore, #tpu.memory_space<semaphore_mem>>)
      %dma_wait3A_105 = arith.constant 0 : i32
      %dma_wait3A_106 = arith.constant 0 : i32
      %dma_wait3A_107 = tpu.memref_slice %arg2[%dma_wait3A_105, %dma_wait3A_106] : memref<10240x128xf32, #tpu.memory_space<hbm>> -> memref<128x128xf32, #tpu.memory_space<hbm>>
      %dma_wait3A_108 = arith.constant 0 : i32
      %dma_wait3A_109 = arith.constant 0 : i32
      %dma_wait3A_110 = tpu.memref_slice %arg2[%dma_wait3A_108, %dma_wait3A_109] : memref<10240x128xf32, #tpu.memory_space<hbm>> -> memref<128x128xf32, #tpu.memory_space<hbm>>
      tpu.wait_dma2 semaphore(%arg14 : memref<!tpu.dma_semaphore, #tpu.memory_space<semaphore_mem>>) src(%dma_wait3A_110 : memref<128x128xf32, #tpu.memory_space<hbm>>) dst(%arg7 : memref<128x128xf32, #tpu.memory_space<vmem>>)
      "tpu.region"() ({
        %run_scoped3A = tpu.sem_alloc : memref<!tpu.dma_semaphore, #tpu.memory_space<semaphore_mem>>
        %dma_start3A_123 = arith.constant 0 : i32
        %dma_start3A_124 = arith.constant 0 : i32
        %dma_start3A_125 = tpu.memref_slice %arg12[%dma_start3A_123, %dma_start3A_124] : memref<10240x128xf32, #tpu.memory_space<vmem_shared>> -> memref<10240x128xf32, #tpu.memory_space<vmem_shared>>
        tpu.enqueue_indirect_dma source(%arg7 : memref<128x128xf32, #tpu.memory_space<vmem>>) target(%dma_start3A_125 : memref<10240x128xf32, #tpu.memory_space<vmem_shared>>) offsets(%arg11 : memref<128xi32, #tpu.memory_space<vmem>>) semaphore(%run_scoped3A : memref<!tpu.dma_semaphore, #tpu.memory_space<semaphore_mem>>) {add = true}
        %dma_wait3A_126 = arith.constant 0 : i32
        %dma_wait3A_127 = arith.constant 0 : i32
        %dma_wait3A_128 = tpu.memref_slice %arg12[%dma_wait3A_126, %dma_wait3A_127] : memref<10240x128xf32, #tpu.memory_space<vmem_shared>> -> memref<10240x128xf32, #tpu.memory_space<vmem_shared>>
        tpu.wait_indirect_dma semaphore(%run_scoped3A : memref<!tpu.dma_semaphore, #tpu.memory_space<semaphore_mem>>) src(%arg7 : memref<128x128xf32, #tpu.memory_space<vmem>>) dst(%dma_wait3A_128 : memref<10240x128xf32, #tpu.memory_space<vmem_shared>>)
        tpu.yield
      }) : () -> ()
      %mul3A_111 = arith.constant 2 : i32
      %mul3A_112 = arith.muli %scan3A_86, %mul3A_111 : i32
      %add3A_113 = arith.constant 1 : i32
      %add3A_114 = arith.addi %mul3A_112, %add3A_113 : i32
      %add3A_115 = arith.constant 2 : i32
      %add3A_116 = arith.addi %add3A_114, %add3A_115 : i32
      %mul3A_117 = arith.constant 128 : i32
      %mul3A_118 = arith.muli %add3A_116, %mul3A_117 : i32
      %add3A_119 = arith.addi %mul3A_4, %mul3A_118 : i32
      "tpu.region"() ({
        %run_scoped3A = tpu.sem_alloc : memref<!tpu.dma_semaphore, #tpu.memory_space<semaphore_mem>>
        %dma_start3A_123 = tpu.memref_slice %arg3[%add3A_119] : memref<327680xi32, #tpu.memory_space<hbm>> -> memref<128xi32, #tpu.memory_space<hbm>>
        %dma_start3A_124 = tpu.memref_slice %arg3[%add3A_119] : memref<327680xi32, #tpu.memory_space<hbm>> -> memref<128xi32, #tpu.memory_space<hbm>>
        tpu.enqueue_dma source(%dma_start3A_124 : memref<128xi32, #tpu.memory_space<hbm>>) target(%arg9 : memref<128xi32, #tpu.memory_space<vmem>>) target_semaphore(%run_scoped3A : memref<!tpu.dma_semaphore, #tpu.memory_space<semaphore_mem>>)
        %dma_wait3A_125 = tpu.memref_slice %arg3[%add3A_119] : memref<327680xi32, #tpu.memory_space<hbm>> -> memref<128xi32, #tpu.memory_space<hbm>>
        %dma_wait3A_126 = tpu.memref_slice %arg3[%add3A_119] : memref<327680xi32, #tpu.memory_space<hbm>> -> memref<128xi32, #tpu.memory_space<hbm>>
        tpu.wait_dma2 semaphore(%run_scoped3A : memref<!tpu.dma_semaphore, #tpu.memory_space<semaphore_mem>>) src(%dma_wait3A_126 : memref<128xi32, #tpu.memory_space<hbm>>) dst(%arg9 : memref<128xi32, #tpu.memory_space<vmem>>)
        tpu.yield
      }) : () -> ()
      "tpu.region"() ({
        %run_scoped3A = tpu.sem_alloc : memref<!tpu.dma_semaphore, #tpu.memory_space<semaphore_mem>>
        %dma_start3A_123 = tpu.memref_slice %arg4[%add3A_119] : memref<327680xi32, #tpu.memory_space<hbm>> -> memref<128xi32, #tpu.memory_space<hbm>>
        %dma_start3A_124 = tpu.memref_slice %arg4[%add3A_119] : memref<327680xi32, #tpu.memory_space<hbm>> -> memref<128xi32, #tpu.memory_space<hbm>>
        tpu.enqueue_dma source(%dma_start3A_124 : memref<128xi32, #tpu.memory_space<hbm>>) target(%arg11 : memref<128xi32, #tpu.memory_space<vmem>>) target_semaphore(%run_scoped3A : memref<!tpu.dma_semaphore, #tpu.memory_space<semaphore_mem>>)
        %dma_wait3A_125 = tpu.memref_slice %arg4[%add3A_119] : memref<327680xi32, #tpu.memory_space<hbm>> -> memref<128xi32, #tpu.memory_space<hbm>>
        %dma_wait3A_126 = tpu.memref_slice %arg4[%add3A_119] : memref<327680xi32, #tpu.memory_space<hbm>> -> memref<128xi32, #tpu.memory_space<hbm>>
        tpu.wait_dma2 semaphore(%run_scoped3A : memref<!tpu.dma_semaphore, #tpu.memory_space<semaphore_mem>>) src(%dma_wait3A_126 : memref<128xi32, #tpu.memory_space<hbm>>) dst(%arg11 : memref<128xi32, #tpu.memory_space<vmem>>)
        tpu.yield
      }) : () -> ()
      %dma_start3A_120 = arith.constant 0 : i32
      %dma_start3A_121 = arith.constant 0 : i32
      %dma_start3A_122 = tpu.memref_slice %arg2[%dma_start3A_120, %dma_start3A_121] : memref<10240x128xf32, #tpu.memory_space<hbm>> -> memref<10240x128xf32, #tpu.memory_space<hbm>>
      tpu.enqueue_indirect_dma source(%dma_start3A_122 : memref<10240x128xf32, #tpu.memory_space<hbm>>) target(%arg7 : memref<128x128xf32, #tpu.memory_space<vmem>>) offsets(%arg9 : memref<128xi32, #tpu.memory_space<vmem>>) semaphore(%arg14 : memref<!tpu.dma_semaphore, #tpu.memory_space<semaphore_mem>>)
    }
    %scan3A_38 = arith.constant 39 : i32
    %dma_wait3A = arith.constant 0 : i32
    %dma_wait3A_39 = arith.constant 0 : i32
    %dma_wait3A_40 = tpu.memref_slice %arg2[%dma_wait3A, %dma_wait3A_39] : memref<10240x128xf32, #tpu.memory_space<hbm>> -> memref<128x128xf32, #tpu.memory_space<hbm>>
    %dma_wait3A_41 = arith.constant 0 : i32
    %dma_wait3A_42 = arith.constant 0 : i32
    %dma_wait3A_43 = tpu.memref_slice %arg2[%dma_wait3A_41, %dma_wait3A_42] : memref<10240x128xf32, #tpu.memory_space<hbm>> -> memref<128x128xf32, #tpu.memory_space<hbm>>
    tpu.wait_dma2 semaphore(%arg13 : memref<!tpu.dma_semaphore, #tpu.memory_space<semaphore_mem>>) src(%dma_wait3A_43 : memref<128x128xf32, #tpu.memory_space<hbm>>) dst(%arg6 : memref<128x128xf32, #tpu.memory_space<vmem>>)
    "tpu.region"() ({
      %run_scoped3A = tpu.sem_alloc : memref<!tpu.dma_semaphore, #tpu.memory_space<semaphore_mem>>
      %dma_start3A_86 = arith.constant 0 : i32
      %dma_start3A_87 = arith.constant 0 : i32
      %dma_start3A_88 = tpu.memref_slice %arg12[%dma_start3A_86, %dma_start3A_87] : memref<10240x128xf32, #tpu.memory_space<vmem_shared>> -> memref<10240x128xf32, #tpu.memory_space<vmem_shared>>
      tpu.enqueue_indirect_dma source(%arg6 : memref<128x128xf32, #tpu.memory_space<vmem>>) target(%dma_start3A_88 : memref<10240x128xf32, #tpu.memory_space<vmem_shared>>) offsets(%arg10 : memref<128xi32, #tpu.memory_space<vmem>>) semaphore(%run_scoped3A : memref<!tpu.dma_semaphore, #tpu.memory_space<semaphore_mem>>) {add = true}
      %dma_wait3A_89 = arith.constant 0 : i32
      %dma_wait3A_90 = arith.constant 0 : i32
      %dma_wait3A_91 = tpu.memref_slice %arg12[%dma_wait3A_89, %dma_wait3A_90] : memref<10240x128xf32, #tpu.memory_space<vmem_shared>> -> memref<10240x128xf32, #tpu.memory_space<vmem_shared>>
      tpu.wait_indirect_dma semaphore(%run_scoped3A : memref<!tpu.dma_semaphore, #tpu.memory_space<semaphore_mem>>) src(%arg6 : memref<128x128xf32, #tpu.memory_space<vmem>>) dst(%dma_wait3A_91 : memref<10240x128xf32, #tpu.memory_space<vmem_shared>>)
      tpu.yield
    }) : () -> ()
    %dma_wait3A_44 = arith.constant 0 : i32
    %dma_wait3A_45 = arith.constant 0 : i32
    %dma_wait3A_46 = tpu.memref_slice %arg2[%dma_wait3A_44, %dma_wait3A_45] : memref<10240x128xf32, #tpu.memory_space<hbm>> -> memref<128x128xf32, #tpu.memory_space<hbm>>
    %dma_wait3A_47 = arith.constant 0 : i32
    %dma_wait3A_48 = arith.constant 0 : i32
    %dma_wait3A_49 = tpu.memref_slice %arg2[%dma_wait3A_47, %dma_wait3A_48] : memref<10240x128xf32, #tpu.memory_space<hbm>> -> memref<128x128xf32, #tpu.memory_space<hbm>>
    tpu.wait_dma2 semaphore(%arg14 : memref<!tpu.dma_semaphore, #tpu.memory_space<semaphore_mem>>) src(%dma_wait3A_49 : memref<128x128xf32, #tpu.memory_space<hbm>>) dst(%arg7 : memref<128x128xf32, #tpu.memory_space<vmem>>)
    "tpu.region"() ({
      %run_scoped3A = tpu.sem_alloc : memref<!tpu.dma_semaphore, #tpu.memory_space<semaphore_mem>>
      %dma_start3A_86 = arith.constant 0 : i32
      %dma_start3A_87 = arith.constant 0 : i32
      %dma_start3A_88 = tpu.memref_slice %arg12[%dma_start3A_86, %dma_start3A_87] : memref<10240x128xf32, #tpu.memory_space<vmem_shared>> -> memref<10240x128xf32, #tpu.memory_space<vmem_shared>>
      tpu.enqueue_indirect_dma source(%arg7 : memref<128x128xf32, #tpu.memory_space<vmem>>) target(%dma_start3A_88 : memref<10240x128xf32, #tpu.memory_space<vmem_shared>>) offsets(%arg11 : memref<128xi32, #tpu.memory_space<vmem>>) semaphore(%run_scoped3A : memref<!tpu.dma_semaphore, #tpu.memory_space<semaphore_mem>>) {add = true}
      %dma_wait3A_89 = arith.constant 0 : i32
      %dma_wait3A_90 = arith.constant 0 : i32
      %dma_wait3A_91 = tpu.memref_slice %arg12[%dma_wait3A_89, %dma_wait3A_90] : memref<10240x128xf32, #tpu.memory_space<vmem_shared>> -> memref<10240x128xf32, #tpu.memory_space<vmem_shared>>
      tpu.wait_indirect_dma semaphore(%run_scoped3A : memref<!tpu.dma_semaphore, #tpu.memory_space<semaphore_mem>>) src(%arg7 : memref<128x128xf32, #tpu.memory_space<vmem>>) dst(%dma_wait3A_91 : memref<10240x128xf32, #tpu.memory_space<vmem_shared>>)
      tpu.yield
    }) : () -> ()
    %barrier3A_50 = arith.constant 0 : index
    tpu.barrier barrier_id(%barrier3A_50)
    %add3A_51 = arith.constant 0 : i32
    %add3A_52 = arith.addi %mul3A_2, %add3A_51 : i32
    "tpu.region"() ({
      %run_scoped3A = tpu.sem_alloc : memref<!tpu.dma_semaphore, #tpu.memory_space<semaphore_mem>>
      %dma_start3A_86 = arith.constant 0 : i32
      %dma_start3A_87 = tpu.memref_slice %arg12[%add3A_52, %dma_start3A_86] : memref<10240x128xf32, #tpu.memory_space<vmem_shared>> -> memref<128x128xf32, #tpu.memory_space<vmem_shared>>
      %dma_start3A_88 = arith.constant 0 : i32
      %dma_start3A_89 = tpu.memref_slice %arg12[%add3A_52, %dma_start3A_88] : memref<10240x128xf32, #tpu.memory_space<vmem_shared>> -> memref<128x128xf32, #tpu.memory_space<vmem_shared>>
      tpu.enqueue_dma source(%dma_start3A_89 : memref<128x128xf32, #tpu.memory_space<vmem_shared>>) target(%arg6 : memref<128x128xf32, #tpu.memory_space<vmem>>) target_semaphore(%run_scoped3A : memref<!tpu.dma_semaphore, #tpu.memory_space<semaphore_mem>>)
      %dma_wait3A_90 = arith.constant 0 : i32
      %dma_wait3A_91 = tpu.memref_slice %arg12[%add3A_52, %dma_wait3A_90] : memref<10240x128xf32, #tpu.memory_space<vmem_shared>> -> memref<128x128xf32, #tpu.memory_space<vmem_shared>>
      %dma_wait3A_92 = arith.constant 0 : i32
      %dma_wait3A_93 = tpu.memref_slice %arg12[%add3A_52, %dma_wait3A_92] : memref<10240x128xf32, #tpu.memory_space<vmem_shared>> -> memref<128x128xf32, #tpu.memory_space<vmem_shared>>
      tpu.wait_dma2 semaphore(%run_scoped3A : memref<!tpu.dma_semaphore, #tpu.memory_space<semaphore_mem>>) src(%dma_wait3A_93 : memref<128x128xf32, #tpu.memory_space<vmem_shared>>) dst(%arg6 : memref<128x128xf32, #tpu.memory_space<vmem>>)
      tpu.yield
    }) : () -> ()
    %mul3A_53 = arith.constant 10240 : i32
    %mul3A_54 = arith.muli %arg0, %mul3A_53 : i32
    %add3A_55 = arith.addi %mul3A_54, %mul3A_2 : i32
    %add3A_56 = arith.constant 0 : i32
    %add3A_57 = arith.addi %add3A_55, %add3A_56 : i32
    "tpu.region"() ({
      %run_scoped3A = tpu.sem_alloc : memref<!tpu.dma_semaphore, #tpu.memory_space<semaphore_mem>>
      %dma_start3A_86 = arith.constant 0 : i32
      %dma_start3A_87 = tpu.memref_slice %arg5[%add3A_57, %dma_start3A_86] : memref<20480x128xf32, #tpu.memory_space<hbm>> -> memref<128x128xf32, #tpu.memory_space<hbm>>
      %dma_start3A_88 = arith.constant 0 : i32
      %dma_start3A_89 = tpu.memref_slice %arg5[%add3A_57, %dma_start3A_88] : memref<20480x128xf32, #tpu.memory_space<hbm>> -> memref<128x128xf32, #tpu.memory_space<hbm>>
      tpu.enqueue_dma source(%arg6 : memref<128x128xf32, #tpu.memory_space<vmem>>) target(%dma_start3A_89 : memref<128x128xf32, #tpu.memory_space<hbm>>) target_semaphore(%run_scoped3A : memref<!tpu.dma_semaphore, #tpu.memory_space<semaphore_mem>>)
      %dma_wait3A_90 = arith.constant 0 : i32
      %dma_wait3A_91 = tpu.memref_slice %arg5[%add3A_57, %dma_wait3A_90] : memref<20480x128xf32, #tpu.memory_space<hbm>> -> memref<128x128xf32, #tpu.memory_space<hbm>>
      %dma_wait3A_92 = arith.constant 0 : i32
      %dma_wait3A_93 = tpu.memref_slice %arg5[%add3A_57, %dma_wait3A_92] : memref<20480x128xf32, #tpu.memory_space<hbm>> -> memref<128x128xf32, #tpu.memory_space<hbm>>
      tpu.wait_dma2 semaphore(%run_scoped3A : memref<!tpu.dma_semaphore, #tpu.memory_space<semaphore_mem>>) src(%arg6 : memref<128x128xf32, #tpu.memory_space<vmem>>) dst(%dma_wait3A_93 : memref<128x128xf32, #tpu.memory_space<hbm>>)
      tpu.yield
    }) : () -> ()
    %add3A_58 = arith.constant 128 : i32
    %add3A_59 = arith.addi %mul3A_2, %add3A_58 : i32
    "tpu.region"() ({
      %run_scoped3A = tpu.sem_alloc : memref<!tpu.dma_semaphore, #tpu.memory_space<semaphore_mem>>
      %dma_start3A_86 = arith.constant 0 : i32
      %dma_start3A_87 = tpu.memref_slice %arg12[%add3A_59, %dma_start3A_86] : memref<10240x128xf32, #tpu.memory_space<vmem_shared>> -> memref<128x128xf32, #tpu.memory_space<vmem_shared>>
      %dma_start3A_88 = arith.constant 0 : i32
      %dma_start3A_89 = tpu.memref_slice %arg12[%add3A_59, %dma_start3A_88] : memref<10240x128xf32, #tpu.memory_space<vmem_shared>> -> memref<128x128xf32, #tpu.memory_space<vmem_shared>>
      tpu.enqueue_dma source(%dma_start3A_89 : memref<128x128xf32, #tpu.memory_space<vmem_shared>>) target(%arg6 : memref<128x128xf32, #tpu.memory_space<vmem>>) target_semaphore(%run_scoped3A : memref<!tpu.dma_semaphore, #tpu.memory_space<semaphore_mem>>)
      %dma_wait3A_90 = arith.constant 0 : i32
      %dma_wait3A_91 = tpu.memref_slice %arg12[%add3A_59, %dma_wait3A_90] : memref<10240x128xf32, #tpu.memory_space<vmem_shared>> -> memref<128x128xf32, #tpu.memory_space<vmem_shared>>
      %dma_wait3A_92 = arith.constant 0 : i32
      %dma_wait3A_93 = tpu.memref_slice %arg12[%add3A_59, %dma_wait3A_92] : memref<10240x128xf32, #tpu.memory_space<vmem_shared>> -> memref<128x128xf32, #tpu.memory_space<vmem_shared>>
      tpu.wait_dma2 semaphore(%run_scoped3A : memref<!tpu.dma_semaphore, #tpu.memory_space<semaphore_mem>>) src(%dma_wait3A_93 : memref<128x128xf32, #tpu.memory_space<vmem_shared>>) dst(%arg6 : memref<128x128xf32, #tpu.memory_space<vmem>>)
      tpu.yield
    }) : () -> ()
    %mul3A_60 = arith.constant 10240 : i32
    %mul3A_61 = arith.muli %arg0, %mul3A_60 : i32
    %add3A_62 = arith.addi %mul3A_61, %mul3A_2 : i32
    %add3A_63 = arith.constant 128 : i32
    %add3A_64 = arith.addi %add3A_62, %add3A_63 : i32
    "tpu.region"() ({
      %run_scoped3A = tpu.sem_alloc : memref<!tpu.dma_semaphore, #tpu.memory_space<semaphore_mem>>
      %dma_start3A_86 = arith.constant 0 : i32
      %dma_start3A_87 = tpu.memref_slice %arg5[%add3A_64, %dma_start3A_86] : memref<20480x128xf32, #tpu.memory_space<hbm>> -> memref<128x128xf32, #tpu.memory_space<hbm>>
      %dma_start3A_88 = arith.constant 0 : i32
      %dma_start3A_89 = tpu.memref_slice %arg5[%add3A_64, %dma_start3A_88] : memref<20480x128xf32, #tpu.memory_space<hbm>> -> memref<128x128xf32, #tpu.memory_space<hbm>>
      tpu.enqueue_dma source(%arg6 : memref<128x128xf32, #tpu.memory_space<vmem>>) target(%dma_start3A_89 : memref<128x128xf32, #tpu.memory_space<hbm>>) target_semaphore(%run_scoped3A : memref<!tpu.dma_semaphore, #tpu.memory_space<semaphore_mem>>)
      %dma_wait3A_90 = arith.constant 0 : i32
      %dma_wait3A_91 = tpu.memref_slice %arg5[%add3A_64, %dma_wait3A_90] : memref<20480x128xf32, #tpu.memory_space<hbm>> -> memref<128x128xf32, #tpu.memory_space<hbm>>
      %dma_wait3A_92 = arith.constant 0 : i32
      %dma_wait3A_93 = tpu.memref_slice %arg5[%add3A_64, %dma_wait3A_92] : memref<20480x128xf32, #tpu.memory_space<hbm>> -> memref<128x128xf32, #tpu.memory_space<hbm>>
      tpu.wait_dma2 semaphore(%run_scoped3A : memref<!tpu.dma_semaphore, #tpu.memory_space<semaphore_mem>>) src(%arg6 : memref<128x128xf32, #tpu.memory_space<vmem>>) dst(%dma_wait3A_93 : memref<128x128xf32, #tpu.memory_space<hbm>>)
      tpu.yield
    }) : () -> ()
    %add3A_65 = arith.constant 256 : i32
    %add3A_66 = arith.addi %mul3A_2, %add3A_65 : i32
    "tpu.region"() ({
      %run_scoped3A = tpu.sem_alloc : memref<!tpu.dma_semaphore, #tpu.memory_space<semaphore_mem>>
      %dma_start3A_86 = arith.constant 0 : i32
      %dma_start3A_87 = tpu.memref_slice %arg12[%add3A_66, %dma_start3A_86] : memref<10240x128xf32, #tpu.memory_space<vmem_shared>> -> memref<128x128xf32, #tpu.memory_space<vmem_shared>>
      %dma_start3A_88 = arith.constant 0 : i32
      %dma_start3A_89 = tpu.memref_slice %arg12[%add3A_66, %dma_start3A_88] : memref<10240x128xf32, #tpu.memory_space<vmem_shared>> -> memref<128x128xf32, #tpu.memory_space<vmem_shared>>
      tpu.enqueue_dma source(%dma_start3A_89 : memref<128x128xf32, #tpu.memory_space<vmem_shared>>) target(%arg6 : memref<128x128xf32, #tpu.memory_space<vmem>>) target_semaphore(%run_scoped3A : memref<!tpu.dma_semaphore, #tpu.memory_space<semaphore_mem>>)
      %dma_wait3A_90 = arith.constant 0 : i32
      %dma_wait3A_91 = tpu.memref_slice %arg12[%add3A_66, %dma_wait3A_90] : memref<10240x128xf32, #tpu.memory_space<vmem_shared>> -> memref<128x128xf32, #tpu.memory_space<vmem_shared>>
      %dma_wait3A_92 = arith.constant 0 : i32
      %dma_wait3A_93 = tpu.memref_slice %arg12[%add3A_66, %dma_wait3A_92] : memref<10240x128xf32, #tpu.memory_space<vmem_shared>> -> memref<128x128xf32, #tpu.memory_space<vmem_shared>>
      tpu.wait_dma2 semaphore(%run_scoped3A : memref<!tpu.dma_semaphore, #tpu.memory_space<semaphore_mem>>) src(%dma_wait3A_93 : memref<128x128xf32, #tpu.memory_space<vmem_shared>>) dst(%arg6 : memref<128x128xf32, #tpu.memory_space<vmem>>)
      tpu.yield
    }) : () -> ()
    %mul3A_67 = arith.constant 10240 : i32
    %mul3A_68 = arith.muli %arg0, %mul3A_67 : i32
    %add3A_69 = arith.addi %mul3A_68, %mul3A_2 : i32
    %add3A_70 = arith.constant 256 : i32
    %add3A_71 = arith.addi %add3A_69, %add3A_70 : i32
    "tpu.region"() ({
      %run_scoped3A = tpu.sem_alloc : memref<!tpu.dma_semaphore, #tpu.memory_space<semaphore_mem>>
      %dma_start3A_86 = arith.constant 0 : i32
      %dma_start3A_87 = tpu.memref_slice %arg5[%add3A_71, %dma_start3A_86] : memref<20480x128xf32, #tpu.memory_space<hbm>> -> memref<128x128xf32, #tpu.memory_space<hbm>>
      %dma_start3A_88 = arith.constant 0 : i32
      %dma_start3A_89 = tpu.memref_slice %arg5[%add3A_71, %dma_start3A_88] : memref<20480x128xf32, #tpu.memory_space<hbm>> -> memref<128x128xf32, #tpu.memory_space<hbm>>
      tpu.enqueue_dma source(%arg6 : memref<128x128xf32, #tpu.memory_space<vmem>>) target(%dma_start3A_89 : memref<128x128xf32, #tpu.memory_space<hbm>>) target_semaphore(%run_scoped3A : memref<!tpu.dma_semaphore, #tpu.memory_space<semaphore_mem>>)
      %dma_wait3A_90 = arith.constant 0 : i32
      %dma_wait3A_91 = tpu.memref_slice %arg5[%add3A_71, %dma_wait3A_90] : memref<20480x128xf32, #tpu.memory_space<hbm>> -> memref<128x128xf32, #tpu.memory_space<hbm>>
      %dma_wait3A_92 = arith.constant 0 : i32
      %dma_wait3A_93 = tpu.memref_slice %arg5[%add3A_71, %dma_wait3A_92] : memref<20480x128xf32, #tpu.memory_space<hbm>> -> memref<128x128xf32, #tpu.memory_space<hbm>>
      tpu.wait_dma2 semaphore(%run_scoped3A : memref<!tpu.dma_semaphore, #tpu.memory_space<semaphore_mem>>) src(%arg6 : memref<128x128xf32, #tpu.memory_space<vmem>>) dst(%dma_wait3A_93 : memref<128x128xf32, #tpu.memory_space<hbm>>)
      tpu.yield
    }) : () -> ()
    %add3A_72 = arith.constant 384 : i32
    %add3A_73 = arith.addi %mul3A_2, %add3A_72 : i32
    "tpu.region"() ({
      %run_scoped3A = tpu.sem_alloc : memref<!tpu.dma_semaphore, #tpu.memory_space<semaphore_mem>>
      %dma_start3A_86 = arith.constant 0 : i32
      %dma_start3A_87 = tpu.memref_slice %arg12[%add3A_73, %dma_start3A_86] : memref<10240x128xf32, #tpu.memory_space<vmem_shared>> -> memref<128x128xf32, #tpu.memory_space<vmem_shared>>
      %dma_start3A_88 = arith.constant 0 : i32
      %dma_start3A_89 = tpu.memref_slice %arg12[%add3A_73, %dma_start3A_88] : memref<10240x128xf32, #tpu.memory_space<vmem_shared>> -> memref<128x128xf32, #tpu.memory_space<vmem_shared>>
      tpu.enqueue_dma source(%dma_start3A_89 : memref<128x128xf32, #tpu.memory_space<vmem_shared>>) target(%arg6 : memref<128x128xf32, #tpu.memory_space<vmem>>) target_semaphore(%run_scoped3A : memref<!tpu.dma_semaphore, #tpu.memory_space<semaphore_mem>>)
      %dma_wait3A_90 = arith.constant 0 : i32
      %dma_wait3A_91 = tpu.memref_slice %arg12[%add3A_73, %dma_wait3A_90] : memref<10240x128xf32, #tpu.memory_space<vmem_shared>> -> memref<128x128xf32, #tpu.memory_space<vmem_shared>>
      %dma_wait3A_92 = arith.constant 0 : i32
      %dma_wait3A_93 = tpu.memref_slice %arg12[%add3A_73, %dma_wait3A_92] : memref<10240x128xf32, #tpu.memory_space<vmem_shared>> -> memref<128x128xf32, #tpu.memory_space<vmem_shared>>
      tpu.wait_dma2 semaphore(%run_scoped3A : memref<!tpu.dma_semaphore, #tpu.memory_space<semaphore_mem>>) src(%dma_wait3A_93 : memref<128x128xf32, #tpu.memory_space<vmem_shared>>) dst(%arg6 : memref<128x128xf32, #tpu.memory_space<vmem>>)
      tpu.yield
    }) : () -> ()
    %mul3A_74 = arith.constant 10240 : i32
    %mul3A_75 = arith.muli %arg0, %mul3A_74 : i32
    %add3A_76 = arith.addi %mul3A_75, %mul3A_2 : i32
    %add3A_77 = arith.constant 384 : i32
    %add3A_78 = arith.addi %add3A_76, %add3A_77 : i32
    "tpu.region"() ({
      %run_scoped3A = tpu.sem_alloc : memref<!tpu.dma_semaphore, #tpu.memory_space<semaphore_mem>>
      %dma_start3A_86 = arith.constant 0 : i32
      %dma_start3A_87 = tpu.memref_slice %arg5[%add3A_78, %dma_start3A_86] : memref<20480x128xf32, #tpu.memory_space<hbm>> -> memref<128x128xf32, #tpu.memory_space<hbm>>
      %dma_start3A_88 = arith.constant 0 : i32
      %dma_start3A_89 = tpu.memref_slice %arg5[%add3A_78, %dma_start3A_88] : memref<20480x128xf32, #tpu.memory_space<hbm>> -> memref<128x128xf32, #tpu.memory_space<hbm>>
      tpu.enqueue_dma source(%arg6 : memref<128x128xf32, #tpu.memory_space<vmem>>) target(%dma_start3A_89 : memref<128x128xf32, #tpu.memory_space<hbm>>) target_semaphore(%run_scoped3A : memref<!tpu.dma_semaphore, #tpu.memory_space<semaphore_mem>>)
      %dma_wait3A_90 = arith.constant 0 : i32
      %dma_wait3A_91 = tpu.memref_slice %arg5[%add3A_78, %dma_wait3A_90] : memref<20480x128xf32, #tpu.memory_space<hbm>> -> memref<128x128xf32, #tpu.memory_space<hbm>>
      %dma_wait3A_92 = arith.constant 0 : i32
      %dma_wait3A_93 = tpu.memref_slice %arg5[%add3A_78, %dma_wait3A_92] : memref<20480x128xf32, #tpu.memory_space<hbm>> -> memref<128x128xf32, #tpu.memory_space<hbm>>
      tpu.wait_dma2 semaphore(%run_scoped3A : memref<!tpu.dma_semaphore, #tpu.memory_space<semaphore_mem>>) src(%arg6 : memref<128x128xf32, #tpu.memory_space<vmem>>) dst(%dma_wait3A_93 : memref<128x128xf32, #tpu.memory_space<hbm>>)
      tpu.yield
    }) : () -> ()
    %add3A_79 = arith.constant 512 : i32
    %add3A_80 = arith.addi %mul3A_2, %add3A_79 : i32
    "tpu.region"() ({
      %run_scoped3A = tpu.sem_alloc : memref<!tpu.dma_semaphore, #tpu.memory_space<semaphore_mem>>
      %dma_start3A_86 = arith.constant 0 : i32
      %dma_start3A_87 = tpu.memref_slice %arg12[%add3A_80, %dma_start3A_86] : memref<10240x128xf32, #tpu.memory_space<vmem_shared>> -> memref<128x128xf32, #tpu.memory_space<vmem_shared>>
      %dma_start3A_88 = arith.constant 0 : i32
      %dma_start3A_89 = tpu.memref_slice %arg12[%add3A_80, %dma_start3A_88] : memref<10240x128xf32, #tpu.memory_space<vmem_shared>> -> memref<128x128xf32, #tpu.memory_space<vmem_shared>>
      tpu.enqueue_dma source(%dma_start3A_89 : memref<128x128xf32, #tpu.memory_space<vmem_shared>>) target(%arg6 : memref<128x128xf32, #tpu.memory_space<vmem>>) target_semaphore(%run_scoped3A : memref<!tpu.dma_semaphore, #tpu.memory_space<semaphore_mem>>)
      %dma_wait3A_90 = arith.constant 0 : i32
      %dma_wait3A_91 = tpu.memref_slice %arg12[%add3A_80, %dma_wait3A_90] : memref<10240x128xf32, #tpu.memory_space<vmem_shared>> -> memref<128x128xf32, #tpu.memory_space<vmem_shared>>
      %dma_wait3A_92 = arith.constant 0 : i32
      %dma_wait3A_93 = tpu.memref_slice %arg12[%add3A_80, %dma_wait3A_92] : memref<10240x128xf32, #tpu.memory_space<vmem_shared>> -> memref<128x128xf32, #tpu.memory_space<vmem_shared>>
      tpu.wait_dma2 semaphore(%run_scoped3A : memref<!tpu.dma_semaphore, #tpu.memory_space<semaphore_mem>>) src(%dma_wait3A_93 : memref<128x128xf32, #tpu.memory_space<vmem_shared>>) dst(%arg6 : memref<128x128xf32, #tpu.memory_space<vmem>>)
      tpu.yield
    }) : () -> ()
    %mul3A_81 = arith.constant 10240 : i32
    %mul3A_82 = arith.muli %arg0, %mul3A_81 : i32
    %add3A_83 = arith.addi %mul3A_82, %mul3A_2 : i32
    %add3A_84 = arith.constant 512 : i32
    %add3A_85 = arith.addi %add3A_83, %add3A_84 : i32
    "tpu.region"() ({
      %run_scoped3A = tpu.sem_alloc : memref<!tpu.dma_semaphore, #tpu.memory_space<semaphore_mem>>
      %dma_start3A_86 = arith.constant 0 : i32
      %dma_start3A_87 = tpu.memref_slice %arg5[%add3A_85, %dma_start3A_86] : memref<20480x128xf32, #tpu.memory_space<hbm>> -> memref<128x128xf32, #tpu.memory_space<hbm>>
      %dma_start3A_88 = arith.constant 0 : i32
      %dma_start3A_89 = tpu.memref_slice %arg5[%add3A_85, %dma_start3A_88] : memref<20480x128xf32, #tpu.memory_space<hbm>> -> memref<128x128xf32, #tpu.memory_space<hbm>>
      tpu.enqueue_dma source(%arg6 : memref<128x128xf32, #tpu.memory_space<vmem>>) target(%dma_start3A_89 : memref<128x128xf32, #tpu.memory_space<hbm>>) target_semaphore(%run_scoped3A : memref<!tpu.dma_semaphore, #tpu.memory_space<semaphore_mem>>)
      %dma_wait3A_90 = arith.constant 0 : i32
      %dma_wait3A_91 = tpu.memref_slice %arg5[%add3A_85, %dma_wait3A_90] : memref<20480x128xf32, #tpu.memory_space<hbm>> -> memref<128x128xf32, #tpu.memory_space<hbm>>
      %dma_wait3A_92 = arith.constant 0 : i32
      %dma_wait3A_93 = tpu.memref_slice %arg5[%add3A_85, %dma_wait3A_92] : memref<20480x128xf32, #tpu.memory_space<hbm>> -> memref<128x128xf32, #tpu.memory_space<hbm>>
      tpu.wait_dma2 semaphore(%run_scoped3A : memref<!tpu.dma_semaphore, #tpu.memory_space<semaphore_mem>>) src(%arg6 : memref<128x128xf32, #tpu.memory_space<vmem>>) dst(%dma_wait3A_93 : memref<128x128xf32, #tpu.memory_space<hbm>>)
      tpu.yield
    }) : () -> ()
    return
  }
}

module attributes {stable_mosaic.version = 14 : i64} {
  func.func @_tc1_body(%arg0: i32, %arg1: memref<400x4xf32, #tpu.memory_space<vmem>>, %arg2: memref<400x128xf32, #tpu.memory_space<vmem>>, %arg3: memref<128x128xf32, #tpu.memory_space<vmem>>, %arg4: memref<400x128xf32, #tpu.memory_space<vmem>>, %arg5: memref<400x1xf32, #tpu.memory_space<vmem>>, %arg6: memref<400x1xf32, #tpu.memory_space<vmem>>) attributes {dimension_semantics = [#tpu.dimension_semantics<arbitrary>], iteration_bounds = array<i64: 25>, scalar_prefetch = 0 : i64, scratch_operands = 0 : i64, tpu.core_type = #tpu.core_type<tc>, window_params = [{transform_indices = @transform_0, window_bounds = array<i64: 400, 4>}, {transform_indices = @transform_1, window_bounds = array<i64: 400, 128>}, {pipeline_mode = #tpu.pipeline_mode<synchronous>, transform_indices = @transform_2, window_bounds = array<i64: 128, 128>}, {transform_indices = @transform_3, window_bounds = array<i64: 400, 128>}, {transform_indices = @transform_4, window_bounds = array<i64: 400, 1>}, {transform_indices = @transform_5, window_bounds = array<i64: 400, 1>}]} {
    %get3A = arith.constant 0 : index
    %get3A_0 = arith.constant 0 : index
    %get3A_1 = vector.load %arg1[%get3A, %get3A_0] : memref<400x4xf32, #tpu.memory_space<vmem>>, vector<400x4xf32>
    %slice3A = vector.extract_strided_slice %get3A_1 {offsets = [0, 0], sizes = [400, 1], strides = [1, 1]} : vector<400x4xf32> to vector<400x1xf32>
    %slice3A_2 = vector.extract_strided_slice %get3A_1 {offsets = [0, 2], sizes = [400, 1], strides = [1, 1]} : vector<400x4xf32> to vector<400x1xf32>
    %add3A = arith.addf %slice3A, %slice3A_2 : vector<400x1xf32>
    %slice3A_3 = vector.extract_strided_slice %get3A_1 {offsets = [0, 1], sizes = [400, 1], strides = [1, 1]} : vector<400x4xf32> to vector<400x1xf32>
    %slice3A_4 = vector.extract_strided_slice %get3A_1 {offsets = [0, 3], sizes = [400, 1], strides = [1, 1]} : vector<400x4xf32> to vector<400x1xf32>
    %add3A_5 = arith.addf %slice3A_3, %slice3A_4 : vector<400x1xf32>
    %gt3A = arith.constant 0.000000e+00 : f32
    %gt3A_6 = vector.broadcast %gt3A : f32 to vector<400x1xf32>
    %gt3A_7 = arith.cmpf ogt, %add3A, %gt3A_6 : vector<400x1xf32>
    %jit3A = arith.constant 1.000000e+00 : f32
    %broadcast_in_dim3A = vector.broadcast %jit3A : f32 to vector<400x1xf32>
    %select_n3A = arith.select %gt3A_7, %add3A, %broadcast_in_dim3A : vector<400x1xi1>, vector<400x1xf32>
    %rsqrt3A = math.rsqrt %select_n3A : vector<400x1xf32>
    %gt3A_8 = arith.constant 0.000000e+00 : f32
    %gt3A_9 = vector.broadcast %gt3A_8 : f32 to vector<400x1xf32>
    %gt3A_10 = arith.cmpf ogt, %add3A_5, %gt3A_9 : vector<400x1xf32>
    %jit3A_11 = arith.constant 1.000000e+00 : f32
    %broadcast_in_dim3A_12 = vector.broadcast %jit3A_11 : f32 to vector<400x1xf32>
    %select_n3A_13 = arith.select %gt3A_10, %add3A_5, %broadcast_in_dim3A_12 : vector<400x1xi1>, vector<400x1xf32>
    %rsqrt3A_14 = math.rsqrt %select_n3A_13 : vector<400x1xf32>
    %swap3A = arith.constant 0 : index
    %swap3A_15 = arith.constant 0 : index
    %swap3A_16 = vector.load %arg5[%swap3A, %swap3A_15] : memref<400x1xf32, #tpu.memory_space<vmem>>, vector<400x1xf32>
    tpu.vector_store %arg5[%swap3A, %swap3A_15], %rsqrt3A {strides = array<i32>} : memref<400x1xf32, #tpu.memory_space<vmem>>, vector<400x1xf32>,
    %swap3A_17 = arith.constant 0 : index
    %swap3A_18 = arith.constant 0 : index
    %swap3A_19 = vector.load %arg6[%swap3A_17, %swap3A_18] : memref<400x1xf32, #tpu.memory_space<vmem>>, vector<400x1xf32>
    tpu.vector_store %arg6[%swap3A_17, %swap3A_18], %rsqrt3A_14 {strides = array<i32>} : memref<400x1xf32, #tpu.memory_space<vmem>>, vector<400x1xf32>,
    %get3A_20 = arith.constant 0 : index
    %get3A_21 = arith.constant 0 : index
    %get3A_22 = vector.load %arg2[%get3A_20, %get3A_21] : memref<400x128xf32, #tpu.memory_space<vmem>>, vector<400x128xf32>
    %mul3A = vector.broadcast %rsqrt3A : vector<400x1xf32> to vector<400x128xf32>
    %mul3A_23 = arith.mulf %get3A_22, %mul3A : vector<400x128xf32>
    %get3A_24 = arith.constant 0 : index
    %get3A_25 = arith.constant 0 : index
    %get3A_26 = vector.load %arg3[%get3A_24, %get3A_25] : memref<128x128xf32, #tpu.memory_space<vmem>>, vector<128x128xf32>
    %dot_general3A = arith.constant dense<0.000000e+00> : vector<400x128xf32>
    %dot_general3A_27 = tpu.matmul %mul3A_23, %get3A_26, %dot_general3A {dimension_numbers = #tpu.dot_dimension_numbers<[1], [0], [0], [1], [0, 0, 1, 1], [], []>, transpose_lhs_hint = false} : vector<400x128xf32>, vector<128x128xf32>, vector<400x128xf32> -> vector<400x128xf32>
    %swap3A_28 = arith.constant 0 : index
    %swap3A_29 = arith.constant 0 : index
    %swap3A_30 = vector.load %arg4[%swap3A_28, %swap3A_29] : memref<400x128xf32, #tpu.memory_space<vmem>>, vector<400x128xf32>
    tpu.vector_store %arg4[%swap3A_28, %swap3A_29], %dot_general3A_27 {strides = array<i32>} : memref<400x128xf32, #tpu.memory_space<vmem>>, vector<400x128xf32>,
    return
  }
  func.func @transform_0(%arg0: i32) -> (i32, i32) {
    %c0_i32 = arith.constant 0 : i32
    %c0_i32_0 = arith.constant 0 : i32
    return %arg0, %c0_i32 : i32, i32
  }
  func.func @transform_1(%arg0: i32) -> (i32, i32) {
    %c0_i32 = arith.constant 0 : i32
    %c0_i32_0 = arith.constant 0 : i32
    return %arg0, %c0_i32 : i32, i32
  }
  func.func @transform_2(%arg0: i32) -> (i32, i32) {
    %c0_i32 = arith.constant 0 : i32
    %c0_i32_0 = arith.constant 0 : i32
    %c0_i32_1 = arith.constant 0 : i32
    return %c0_i32, %c0_i32_0 : i32, i32
  }
  func.func @transform_3(%arg0: i32) -> (i32, i32) {
    %c0_i32 = arith.constant 0 : i32
    %c0_i32_0 = arith.constant 0 : i32
    return %arg0, %c0_i32 : i32, i32
  }
  func.func @transform_4(%arg0: i32) -> (i32, i32) {
    %c0_i32 = arith.constant 0 : i32
    %c0_i32_0 = arith.constant 0 : i32
    return %arg0, %c0_i32 : i32, i32
  }
  func.func @transform_5(%arg0: i32) -> (i32, i32) {
    %c0_i32 = arith.constant 0 : i32
    %c0_i32_0 = arith.constant 0 : i32
    return %arg0, %c0_i32 : i32, i32
  }
}

module attributes {stable_mosaic.version = 14 : i64} {
  func.func @_tc2_body(%arg0: i32, %arg1: memref<2x400x128xf32, #tpu.memory_space<vmem>>, %arg2: memref<400x1xf32, #tpu.memory_space<vmem>>, %arg3: memref<400x1xf32, #tpu.memory_space<vmem>>, %arg4: memref<1x128xf32, #tpu.memory_space<vmem>>, %arg5: memref<128x128xf32, #tpu.memory_space<vmem>>, %arg6: memref<400x128xf32, #tpu.memory_space<vmem>>) attributes {dimension_semantics = [#tpu.dimension_semantics<arbitrary>], iteration_bounds = array<i64: 25>, scalar_prefetch = 0 : i64, scratch_operands = 0 : i64, tpu.core_type = #tpu.core_type<tc>, window_params = [{transform_indices = @transform_0, window_bounds = array<i64: 2, 400, 128>}, {transform_indices = @transform_1, window_bounds = array<i64: 400, 1>}, {transform_indices = @transform_2, window_bounds = array<i64: 400, 1>}, {pipeline_mode = #tpu.pipeline_mode<synchronous>, transform_indices = @transform_3, window_bounds = array<i64: 1, 128>}, {pipeline_mode = #tpu.pipeline_mode<synchronous>, transform_indices = @transform_4, window_bounds = array<i64: 128, 128>}, {transform_indices = @transform_5, window_bounds = array<i64: 400, 128>}]} {
    %get3A = arith.constant 0 : index
    %get3A_0 = arith.constant 0 : index
    %get3A_1 = arith.constant 0 : index
    %get3A_2 = vector.load %arg1[%get3A, %get3A_0, %get3A_1] : memref<2x400x128xf32, #tpu.memory_space<vmem>>, vector<1x400x128xf32>
    %get3A_3 = vector.shape_cast %get3A_2 : vector<1x400x128xf32> to vector<400x128xf32>
    %get3A_4 = arith.constant 1 : index
    %get3A_5 = arith.constant 0 : index
    %get3A_6 = arith.constant 0 : index
    %get3A_7 = vector.load %arg1[%get3A_4, %get3A_5, %get3A_6] : memref<2x400x128xf32, #tpu.memory_space<vmem>>, vector<1x400x128xf32>
    %get3A_8 = vector.shape_cast %get3A_7 : vector<1x400x128xf32> to vector<400x128xf32>
    %add3A = arith.addf %get3A_3, %get3A_8 : vector<400x128xf32>
    %get3A_9 = arith.constant 0 : index
    %get3A_10 = arith.constant 0 : index
    %get3A_11 = vector.load %arg3[%get3A_9, %get3A_10] : memref<400x1xf32, #tpu.memory_space<vmem>>, vector<400x1xf32>
    %mul3A = vector.broadcast %get3A_11 : vector<400x1xf32> to vector<400x128xf32>
    %mul3A_12 = arith.mulf %add3A, %mul3A : vector<400x128xf32>
    %get3A_13 = arith.constant 0 : index
    %get3A_14 = arith.constant 0 : index
    %get3A_15 = vector.load %arg4[%get3A_13, %get3A_14] : memref<1x128xf32, #tpu.memory_space<vmem>>, vector<1x128xf32>
    %add3A_16 = vector.broadcast %get3A_15 : vector<1x128xf32> to vector<400x128xf32>
    %add3A_17 = arith.addf %mul3A_12, %add3A_16 : vector<400x128xf32>
    %max3A = arith.constant 0.000000e+00 : f32
    %max3A_18 = vector.broadcast %max3A : f32 to vector<400x128xf32>
    %max3A_19 = arith.maximumf %add3A_17, %max3A_18 : vector<400x128xf32>
    %get3A_20 = arith.constant 0 : index
    %get3A_21 = arith.constant 0 : index
    %get3A_22 = vector.load %arg2[%get3A_20, %get3A_21] : memref<400x1xf32, #tpu.memory_space<vmem>>, vector<400x1xf32>
    %mul3A_23 = vector.broadcast %get3A_22 : vector<400x1xf32> to vector<400x128xf32>
    %mul3A_24 = arith.mulf %max3A_19, %mul3A_23 : vector<400x128xf32>
    %get3A_25 = arith.constant 0 : index
    %get3A_26 = arith.constant 0 : index
    %get3A_27 = vector.load %arg5[%get3A_25, %get3A_26] : memref<128x128xf32, #tpu.memory_space<vmem>>, vector<128x128xf32>
    %dot_general3A = arith.constant dense<0.000000e+00> : vector<400x128xf32>
    %dot_general3A_28 = tpu.matmul %mul3A_24, %get3A_27, %dot_general3A {dimension_numbers = #tpu.dot_dimension_numbers<[1], [0], [0], [1], [0, 0, 1, 1], [], []>, transpose_lhs_hint = false} : vector<400x128xf32>, vector<128x128xf32>, vector<400x128xf32> -> vector<400x128xf32>
    %swap3A = arith.constant 0 : index
    %swap3A_29 = arith.constant 0 : index
    %swap3A_30 = vector.load %arg6[%swap3A, %swap3A_29] : memref<400x128xf32, #tpu.memory_space<vmem>>, vector<400x128xf32>
    tpu.vector_store %arg6[%swap3A, %swap3A_29], %dot_general3A_28 {strides = array<i32>} : memref<400x128xf32, #tpu.memory_space<vmem>>, vector<400x128xf32>,
    return
  }
  func.func @transform_0(%arg0: i32) -> (i32, i32, i32) {
    %c0_i32 = arith.constant 0 : i32
    %c0_i32_0 = arith.constant 0 : i32
    %c0_i32_1 = arith.constant 0 : i32
    return %c0_i32, %arg0, %c0_i32_0 : i32, i32, i32
  }
  func.func @transform_1(%arg0: i32) -> (i32, i32) {
    %c0_i32 = arith.constant 0 : i32
    %c0_i32_0 = arith.constant 0 : i32
    return %arg0, %c0_i32 : i32, i32
  }
  func.func @transform_2(%arg0: i32) -> (i32, i32) {
    %c0_i32 = arith.constant 0 : i32
    %c0_i32_0 = arith.constant 0 : i32
    return %arg0, %c0_i32 : i32, i32
  }
  func.func @transform_3(%arg0: i32) -> (i32, i32) {
    %c0_i32 = arith.constant 0 : i32
    %c0_i32_0 = arith.constant 0 : i32
    %c0_i32_1 = arith.constant 0 : i32
    return %c0_i32, %c0_i32_0 : i32, i32
  }
  func.func @transform_4(%arg0: i32) -> (i32, i32) {
    %c0_i32 = arith.constant 0 : i32
    %c0_i32_0 = arith.constant 0 : i32
    %c0_i32_1 = arith.constant 0 : i32
    return %c0_i32, %c0_i32_0 : i32, i32
  }
  func.func @transform_5(%arg0: i32) -> (i32, i32) {
    %c0_i32 = arith.constant 0 : i32
    %c0_i32_0 = arith.constant 0 : i32
    return %arg0, %c0_i32 : i32, i32
  }
}

module attributes {stable_mosaic.version = 14 : i64} {
  func.func @_tc3_body(%arg0: i32, %arg1: memref<2x400x128xf32, #tpu.memory_space<vmem>>, %arg2: memref<400x1xf32, #tpu.memory_space<vmem>>, %arg3: memref<1x128xf32, #tpu.memory_space<vmem>>, %arg4: memref<400x128xf32, #tpu.memory_space<vmem>>) attributes {dimension_semantics = [#tpu.dimension_semantics<arbitrary>], iteration_bounds = array<i64: 25>, scalar_prefetch = 0 : i64, scratch_operands = 0 : i64, tpu.core_type = #tpu.core_type<tc>, window_params = [{transform_indices = @transform_0, window_bounds = array<i64: 2, 400, 128>}, {transform_indices = @transform_1, window_bounds = array<i64: 400, 1>}, {pipeline_mode = #tpu.pipeline_mode<synchronous>, transform_indices = @transform_2, window_bounds = array<i64: 1, 128>}, {transform_indices = @transform_3, window_bounds = array<i64: 400, 128>}]} {
    %get3A = arith.constant 0 : index
    %get3A_0 = arith.constant 0 : index
    %get3A_1 = arith.constant 0 : index
    %get3A_2 = vector.load %arg1[%get3A, %get3A_0, %get3A_1] : memref<2x400x128xf32, #tpu.memory_space<vmem>>, vector<1x400x128xf32>
    %get3A_3 = vector.shape_cast %get3A_2 : vector<1x400x128xf32> to vector<400x128xf32>
    %get3A_4 = arith.constant 1 : index
    %get3A_5 = arith.constant 0 : index
    %get3A_6 = arith.constant 0 : index
    %get3A_7 = vector.load %arg1[%get3A_4, %get3A_5, %get3A_6] : memref<2x400x128xf32, #tpu.memory_space<vmem>>, vector<1x400x128xf32>
    %get3A_8 = vector.shape_cast %get3A_7 : vector<1x400x128xf32> to vector<400x128xf32>
    %add3A = arith.addf %get3A_3, %get3A_8 : vector<400x128xf32>
    %get3A_9 = arith.constant 0 : index
    %get3A_10 = arith.constant 0 : index
    %get3A_11 = vector.load %arg2[%get3A_9, %get3A_10] : memref<400x1xf32, #tpu.memory_space<vmem>>, vector<400x1xf32>
    %mul3A = vector.broadcast %get3A_11 : vector<400x1xf32> to vector<400x128xf32>
    %mul3A_12 = arith.mulf %add3A, %mul3A : vector<400x128xf32>
    %get3A_13 = arith.constant 0 : index
    %get3A_14 = arith.constant 0 : index
    %get3A_15 = vector.load %arg3[%get3A_13, %get3A_14] : memref<1x128xf32, #tpu.memory_space<vmem>>, vector<1x128xf32>
    %add3A_16 = vector.broadcast %get3A_15 : vector<1x128xf32> to vector<400x128xf32>
    %add3A_17 = arith.addf %mul3A_12, %add3A_16 : vector<400x128xf32>
    %swap3A = arith.constant 0 : index
    %swap3A_18 = arith.constant 0 : index
    %swap3A_19 = vector.load %arg4[%swap3A, %swap3A_18] : memref<400x128xf32, #tpu.memory_space<vmem>>, vector<400x128xf32>
    tpu.vector_store %arg4[%swap3A, %swap3A_18], %add3A_17 {strides = array<i32>} : memref<400x128xf32, #tpu.memory_space<vmem>>, vector<400x128xf32>,
    return
  }
  func.func @transform_0(%arg0: i32) -> (i32, i32, i32) {
    %c0_i32 = arith.constant 0 : i32
    %c0_i32_0 = arith.constant 0 : i32
    %c0_i32_1 = arith.constant 0 : i32
    return %c0_i32, %arg0, %c0_i32_0 : i32, i32, i32
  }
  func.func @transform_1(%arg0: i32) -> (i32, i32) {
    %c0_i32 = arith.constant 0 : i32
    %c0_i32_0 = arith.constant 0 : i32
    return %arg0, %c0_i32 : i32, i32
  }
  func.func @transform_2(%arg0: i32) -> (i32, i32) {
    %c0_i32 = arith.constant 0 : i32
    %c0_i32_0 = arith.constant 0 : i32
    %c0_i32_1 = arith.constant 0 : i32
    return %c0_i32, %c0_i32_0 : i32, i32
  }
  func.func @transform_3(%arg0: i32) -> (i32, i32) {
    %c0_i32 = arith.constant 0 : i32
    %c0_i32_0 = arith.constant 0 : i32
    return %arg0, %c0_i32 : i32, i32
  }
}

</mosaic_0001>

<sc_bundles>
// kernel: kernel.11.cloned.1.call-start
scs
__scs_entry_jumppad:
0x0: {  	(pc) =	sbr.rel $0x88, $3  }
0x1: {  	(tag) =	ssettag $0x0;
	lr =	simm.s32 $0x1  }
0x2: {  	[smem:$0x3F9B] =	sst lr;
	_ =	strace $0xD0000000  }
0x3: {  	_ = 	snop  }
0x4: {  	_ = 	snop  }
0x5: {  	_ = 	snop  }
0x6: {  	_ = 	snop  }
0x7: {  	_ = 	snop  }
__scs_overlays_trampoline_lowered:
0x8: {  	[smem:$0x3FAA] =	sst s0  }
0x9: {  	[smem:$0x3FAB] =	sst s1  }
0xa: {  	[smem:$0x3FAC] =	sst s2  }
0xb: {  	[smem:$0x3FAD] =	sst s3  }
0xc: {  	[smem:$0x3FAE] =	sst s4  }
0xd: {  	[smem:$0x3FAF] =	sst s5  }
0xe: {  	[smem:$0x3FB0] =	sst s6  }
0xf: {  	[smem:$0x3FB1] =	sst s7  }
0x10: {  	[smem:$0x3FB2] =	sst s8  }
0x11: {  	[smem:$0x3FB3] =	sst s9;
	s0 =	simm.s32 @!p0 $0x0  }
0x12: {  	s1 =	sld [smem:$0x3F99];
	s0 =	simm.s32 @p0 $0x1  }
0x13: {  	[smem:$0x3FB4] =	sst s0;
	s0 =	simm.s32 @!p1 $0x0  }
0x14: {  	s2 =	sld [smem:$0x3F98];
	s0 =	simm.s32 @p1 $0x1  }
0x15: {  	[smem:$0x3FB5] =	sst s0;
	s0 =	simm.s32 @!p2 $0x0  }
0x16: {  	s3 =	sld [smem:$0x3FDB];
	s0 =	simm.s32 @p2 $0x1  }
0x17: {  	s4 =	simm.s32 $0x1BF5;
	[smem:$0x3FB7] =	sst s0  }
0x18: {  	s0 =	sld [smem:$0x3F9A];
	_ =	swait.ge [sflag:s4], $0x0  }
0x19: {  	s7 =	sld [smem:$0x3F9B]  }
0x1a: {  	s8 =	sadd.s32 $0xFFFFE003, lr  }
0x1b: {  	s9 =	sadd.s32 $0xFFFFFEF7, lr;
	s5 =	simm.s32 $0xFFFFFFFF;
	p2 =	slt.u32 s8, $0xFFFFF086  }
0x1c: {  	p1 =	slt.u32 s9, $0xF7A;
	s5 =	simm.s32 @!p2 $0x0  }
0x1d: {  	s5 =	simm.s32 @p1 $0x1;
	p0 =	seq.s32 s7, s2  }
0x1e: {  	s7 =	smul.u32 @!p0 $0xF7A, s2;
	p2 =	seq.s32 @!p0 s5, $0x0  }
0x1f: {  	s9 =	smul.u32 $0xF7A, s1;
	s8 =	simm.s32 @!p0 $0x1BF5;
	p2 =	por !p2, p0  }
0x20: {  	[sflag:s8] =	ssyncset.s32 @!p0 $0xFFFFF086;
	s6 =	sadd.s32 @!p0 s3, s7;
	s7 =	simm.s32 @!p0 $0x108  }
0x21: {  	s3 =	sadd.s32 s3, s9;
	s6 =	sadd.s32 @!p0 $0x88, s6;
	s7 =	simm.s32 @p2 $0x1082  }
0x22: {  	[simem:s7], [sflag:s8] =	dma.local @!p0 [hbm:s6], $0xF7A  }
0x23: {  	s9 =	sor.u32 $0xD0000000, s2;
	s6 =	simm.s32 $0x108;
	_ =	swait.ge @!p0 [sflag:s8], $0x0  }
0x24: {  	s3 =	sadd.s32 $0x88, s3;
	s6 =	simm.s32 @!p1 $0x1082;
	[sflag:s4] =	ssyncset.s32 $0xFFFFF086  }
0x25: {  	[simem:s6], [sflag:s4] =	dma.local [hbm:s3], $0xF7A  }
0x26: {  	[smem:$0x3F9B] =	sst s1;
	(tag) =	ssettag s2;
	_ =	strace s9  }
0x27: {  	s1 =	sld [smem:$0x3FAB]  }
0x28: {  	s2 =	sld [smem:$0x3FAC]  }
0x29: {  	s4 =	sld [smem:$0x3FAE]  }
0x2a: {  	p0 =	seq.s32 s5, $0x0;
	s5 =	sld [smem:$0x3FAF]  }
0x2b: {  	s6 =	sld [smem:$0x3FB0]  }
0x2c: {  	s7 =	sld [smem:$0x3FB1]  }
0x2d: {  	s3 =	simm.s32 $0x108;
	s8 =	sld [smem:$0x3FB2]  }
0x2e: {  	s3 =	simm.s32 @!p0 $0x1082;
	s9 =	sld [smem:$0x3FB3]  }
0x2f: {  	lr =	sadd.s32 s0, s3;
	s0 =	sld [smem:$0x3FAA]  }
0x30: {  	s3 =	sld [smem:$0x3FAD]  }
0x31: {  	[smem:$0x3FB6] =	sst s10  }
0x32: {  	s10 =	sld [smem:$0x3FB4];
	_ =	sdelay $0x3  }
0x33: {  	p0 =	seq.s32 s10, $0x1;
	s10 =	sld [smem:$0x3FB6];
	_ =	sdelay $0x3  }
0x34: {  	[smem:$0x3FB6] =	sst s10  }
0x35: {  	s10 =	sld [smem:$0x3FB5];
	_ =	sdelay $0x3  }
0x36: {  	p1 =	seq.s32 s10, $0x1;
	s10 =	sld [smem:$0x3FB6];
	_ =	sdelay $0x3  }
0x37: {  	[smem:$0x3FB6] =	sst s10  }
0x38: {  	s10 =	sld [smem:$0x3FB7]  }
0x39: {  	_ = 	snop;
	(pc) =	sbr.ind lr, $3  }
0x3a: {  	_ = 	snop  }
0x3b: {  	_ = 	snop  }
0x3c: {  	p2 =	seq.s32 s10, $0x1;
	s10 =	sld [smem:$0x3FB6]  }
0x3d: {  	_ =	shalt  }
0x3e: {  	_ =	shalt  }
0x3f: {  	_ =	shalt  }
0x40: {  	_ =	shalt  }
0x41: {  	_ =	shalt  }
0x42: {  	_ =	shalt  }
0x43: {  	_ =	shalt  }
0x44: {  	_ =	shalt  }
0x45: {  	_ =	shalt  }
0x46: {  	_ =	shalt  }
0x47: {  	_ =	shalt  }
0x48: {  	_ =	shalt  }
0x49: {  	_ =	shalt  }
0x4a: {  	_ =	shalt  }
0x4b: {  	_ =	shalt  }
0x4c: {  	_ =	shalt  }
0x4d: {  	_ =	shalt  }
0x4e: {  	_ =	shalt  }
0x4f: {  	_ =	shalt  }
0x50: {  	_ =	shalt  }
0x51: {  	_ =	shalt  }
0x52: {  	_ =	shalt  }
0x53: {  	_ =	shalt  }
0x54: {  	_ =	shalt  }
0x55: {  	_ =	shalt  }
0x56: {  	_ =	shalt  }
0x57: {  	_ =	shalt  }
0x58: {  	_ =	shalt  }
0x59: {  	_ =	shalt  }
0x5a: {  	_ =	shalt  }
0x5b: {  	_ =	shalt  }
0x5c: {  	_ =	shalt  }
0x5d: {  	_ =	shalt  }
0x5e: {  	_ =	shalt  }
0x5f: {  	_ =	shalt  }
0x60: {  	_ =	shalt  }
0x61: {  	_ =	shalt  }
0x62: {  	_ =	shalt  }
0x63: {  	_ =	shalt  }
0x64: {  	_ =	shalt  }
0x65: {  	_ =	shalt  }
0x66: {  	_ =	shalt  }
0x67: {  	_ =	shalt  }
0x68: {  	_ =	shalt  }
0x69: {  	_ =	shalt  }
0x6a: {  	_ =	shalt  }
0x6b: {  	_ =	shalt  }
0x6c: {  	_ =	shalt  }
0x6d: {  	_ =	shalt  }
0x6e: {  	_ =	shalt  }
0x6f: {  	_ =	shalt  }
0x70: {  	_ =	shalt  }
0x71: {  	_ =	shalt  }
0x72: {  	_ =	shalt  }
0x73: {  	_ =	shalt  }
0x74: {  	_ =	shalt  }
0x75: {  	_ =	shalt  }
0x76: {  	_ =	shalt  }
0x77: {  	_ =	shalt  }
0x78: {  	_ =	shalt  }
0x79: {  	_ =	shalt  }
0x7a: {  	_ =	shalt  }
0x7b: {  	_ =	shalt  }
0x7c: {  	_ =	shalt  }
0x7d: {  	_ =	shalt  }
0x7e: {  	_ =	shalt  }
0x7f: {  	_ =	shalt  }
0x80: {  	_ =	shalt  }
0x81: {  	_ =	shalt  }
0x82: {  	_ =	shalt  }
0x83: {  	_ =	shalt  }
0x84: {  	_ =	shalt  }
0x85: {  	_ =	shalt  }
0x86: {  	_ =	shalt  }
0x87: {  	_ =	shalt  }
.Lfunc_end0:
.L_simem_size_0:
called_computation.1_lowered:
.L_overlay_start_0:
0x88: {  	s2 =	sld [smem:$0x3FD9]  }
0x89: {  	s3 =	sld [smem:$0x3FFE];
	_ =	sdelay $0x1  }
0x8a: {  	s1 =	srdreg.scid  }
0x8b: {  	s0 =	sand.u32 $0x1, s1  }
0x8c: {  	s17 =	sshll.u32 s0, $0xA;
	s2 =	sadd.s32 s3, s2  }
0x8d: {  	s2 =	sadd.s32 s2, s17  }
0x8e: {  	[smem:$0x3FC2] =	sst s2  }
0x8f: {  	_ = 	snop  }
0x90: {  	s2 =	sld [smem:$0x3FD0];
	(tm) =	ssettm $0x1  }
0x91: {  	s18 =	sld [smem:$0x3FFB];
	_ =	sdelay $0x3  }
0x92: {  	_ =	strace s18  }
0x93: {  	s3 =	sld [smem:$0x3FFC];
	_ =	sdelay $0x3  }
0x94: {  	_ =	strace s3  }
0x95: {  	s3 =	sld [smem:$0x3FFD];
	_ =	sdelay $0x3  }
0x96: {  	_ =	strace s3  }
0x97: {  	_ =	strace $0x8FFFFFFF  }
0x98: {  	s19 =	sld [smem:$0x3FDB];
	_ =	sdelay $0x1  }
0x99: {  	s4 =	simm.s32 $_scs_section_size  }
0x9a: {  	s5 =	simm.s32 $_size__tile_overlayer_lowered;
	s6 =	simm.s32 $_tile_overlayer_lowered  }
0x9b: {  	s22 =	simm.s32 $0x1BFF;
	s21 =	sshll.u32 s6, $0x1;
	s3 =	sadd.s32 s4, s19  }
0x9c: {  	s7 =	simm.s32 $0x0;
	s20 =	sshll.u32 s5, $0x1;
	s5 =	sadd.s32 s21, s3  }
0x9d: {  	[timem:s7], [sflag:s22] =	dma.local [hbm:s5], s20  }
0x9e: {  	_ =	swait.ge [sflag:s22], s20  }
0x9f: {  	s4 =	ssub.s32 $0x0, s20;
	[sflag:s22] =	ssyncset.done $0x0  }
0xa0: {  	[sflag:s22] =	ssyncadd.s32 s4;
	_ =	sdelay $0x1  }
0xa1: {  	s23 =	simm.s32 $0x1B8B  }
0xa2: {  	_ =	swait.ge [sflag:s23], $0x1  }
0xa3: {  	[sflag:s23] =	ssyncset.done $0x0  }
0xa4: {  	s25 =	simm.s32 $0x1B8E;
	s24 =	sld [smem:$0x3FFE];
	[sflag:s23] =	ssyncadd.s32 $0xFFFFFFFF  }
0xa5: {  	s26 =	simm.s32 $execute0_lowered;
	[smem:$0x3FD2] =	sst s25  }
0xa6: {  	s5 =	sshll.u32 s26, $0x1;
	_ =	strace $0x80000049;
	[dreg:$0x1] =	wrdreg $0xFFFFFFFF  }
0xa7: {  	s28 =	simm.s32 $_size_execute0_lowered;
	s3 =	sadd.s32 s3, s5;
	[dreg:$0x0] =	wrdreg $0x0  }
0xa8: {  	s5 =	sshll.u32 s28, $0x1;
	[dreg:$0x2] =	wrdreg s3  }
0xa9: {  	[dreg:$0x3] =	wrdreg s5  }
0xaa: {  	[dreg:$0x4] =	wrdreg $0xC0  }
0xab: {  	_ =	task [dreg:s7], $0x5FFFF  }
0xac: {  	[dreg:$0x1] =	wrdreg $0xFFFFFFFF  }
0xad: {  	[dreg:$0x0] =	wrdreg $0x60  }
0xae: {  	[dreg:$0x2] =	wrdreg s24  }
0xaf: {  	[dreg:$0x3] =	wrdreg s2  }
0xb0: {  	[dreg:$0x4] =	wrdreg $0x82000  }
0xb1: {  	[dreg:$0x5] =	wrdreg $0x9  }
0xb2: {  	_ =	task.clear_ibuf [dreg:s7], $0x6FFFF;
	_ =	strace $0x90000049  }
0xb3: {  	s29 =	simm.s32 $0x9;
	_ =	strace $0x8000004B  }
0xb4: {  	_ =	swait.ge [sflag:s29], $0x1  }
0xb5: {  	[sflag:s29] =	ssyncadd.s32 $0xFFFFFFFF  }
0xb6: {  	_ =	strace $0x9000004B  }
0xb7: {  	_ =	sfence  }
0xb8: {  	s30 =	sld [smem:$0x0];
	_ =	sdelay $0x2  }
0xb9: {  	s31 =	sshll.u32 s1, $0xD;
	s1 =	sshrl.u32 s1, $0x2  }
0xba: {  	s3 =	sand.u32 $0x4000, s31;
	s1 =	sadd.s32 s1, s30  }
0xbb: {  	s0 =	sor.u32 s3, s0;
	s1 =	sshll.u32 s1, $0x11  }
0xbc: {  	s0 =	sor.u32 s1, s0  }
0xbd: {  	s0 =	sadd.s32 $0x8F2B, s0  }
0xbe: {  	[sflag:s0] =	ssyncadd.remote.s32 $0x1  }
0xbf: {  	_ =	sfence.sel $0xFFFF  }
0xc0: {  	[dreg:$0x0] =	wrdreg $0xFFFFFFFF;
	(pc) =	sbr.abs _section_cstart, $3  }
0xc1: {  	[dreg:$0x1] =	wrdreg $0xFFFFFFFF  }
0xc2: {  	_ =	task.clear_ibuf [dreg:s7], $0x2FFFF;
	_ =	strace $0x9FFFFFFF  }
0xc3: {  	(tm) =	ssettm $0x7FFFFFFF  }
tec
execute0_lowered:
.L_overlay_start_1:
0x0: {  	(tag) =	ssettag $0x1  }
0x1: {  	s0 =	rddreg [dreg:$0x0]  }
0x2: {  	s1 =	rddreg [dreg:$0x1]  }
0x3: {  	s2 =	rddreg [dreg:$0x2]  }
0x4: {  	s4 =	srdreg.scid;
	s14 =	stileid.u32;
	s3 =	simm.s32 $0x0  }
0x5: {  	s28 =	simm.s32 $0x80;
	s29 =	simm.s32 $0x8080;
	s30 =	simm.s32 $0x8180  }
0x6: {  	s31 =	simm.s32 $0x4000;
	s5 =	sand.u32 $0x1, s4;
	s6 =	smul.u32 $0x280, s14  }
0x7: {  	[smem:$0x7FF] =	sst s3;
	s4 =	sadd.s32 $0xBC00, s0;
	s8 =	smul.u32 $0x50000, s14  }
0x8: {  	s11 =	sadd.s32 $0x1C00, s0;
	s7 =	sshll.u32 s14, $0x1;
	s17 =	smul.u32 $0x5000, s14  }
0x9: {  	s10 =	smul.u32 $0x2800, s5;
	s9 =	ssub.s32 $0x2, s5;
	s5 =	sor.u32 s5, s7  }
0xa: {  	_ =	strace $0x8000004A;
	s20 =	sshrl.u32 s9, $0x1;
	s12 =	smul.u32 $0x2800, s5  }
0xb: {  	s21 =	sshrl.u32 s8, $0x2;
	s6 =	sadd.s32 s6, s10;
	s13 =	ssub.s32 s9, s20  }
0xc: {  	s5 =	sadd.s32 s21, s2;
	s10 =	sadd.s32 s10, s17;
	s6 =	sshll.u32 s6, $0x4  }
0xd: {  	s7 =	sadd.s32 $0x8000, s5;
	s12 =	sshrl.u32 s12, $0x3;
	s8 =	sadd.s32 $0xC000, s5  }
0xe: {  	s9 =	sadd.s32 $0x10000, s5;
	s25 =	sor.u32 $0x180, s10;
	s19 =	smax.u32 s13, $0x1  }
0xf: {  	s10 =	sor.u32 $0x100, s10;
	s0 =	sadd.s32 s6, s0;
	s6 =	sadd.s32 $0x4000, s5  }
0x10: {  	s15 =	sadd.s32 s1, s12;
	s22 =	sadd.s32 s11, s12;
	s12 =	sor.u32 $0x10, s12  }
0x11: {  	s26 =	sshrl.u32 s10, $0x3;
	s10 =	simm.s32 $0x0;
	[dreg:$0x4] =	wrdreg s15  }
0x12: {  	[dreg:$0x5] =	wrdreg s22;
	s23 =	sadd.s32 s1, s12;
	s12 =	sadd.s32 s11, s12  }
0x13: {  	s24 =	sadd.s32 $0x33C00, s0;
	s15 =	sadd.s32 $0x34400, s0;
	s16 =	sadd.s32 $0x34C00, s0  }
0x14: {  	s17 =	sadd.s32 $0x35400, s0;
	s18 =	sadd.s32 $0x35C00, s0;
	[dreg:$0x6] =	wrdreg s23  }
0x15: {  	s0 =	sshrl.u32 s25, $0x3;
	s22 =	sadd.s32 s26, s11;
	[dreg:$0x7] =	wrdreg s12  }
0x16: {  	s25 =	simm.s32 $0x8000;
	[dreg:$0x8] =	wrdreg s24;
	s20 =	sadd.s32 s0, s11  }
0x17: {  	s21 =	sadd.s32 s0, s1;
	s23 =	sadd.s32 s26, s1;
	s24 =	simm.s32 $0x3  }
0x18: {  	v0 =	vimm.f32 $0.0e+00;
	s26 =	simm.s32 $0x8100;
	s0 =	simm.s32 $0x1;
	s1 =	simm.s32 $0x2  }
.LBB2_1:
0x19: {  	s11 =	sand.u32 $0xFE00, s3  }
0x1a: {  	s12 =	sand.u32 $0x70, s3;
	s13 =	sshrl.u32 s11, $0x2  }
0x1b: {  	s11 =	simm.s32 $0x40;
	s13 =	sor.u32 s12, s13;
	s12 =	simm.s32 $0x0  }
.LBB2_2:
0x1c: {  	p0 =	sne.s32 s11, $0xFFC0  }
0x1d: {  	[tilespmem:s13+$0x0] =	vst v0;
	s12 =	sadd.s32 $0x10, s12;
	s13 =	smov.u32 s11;
	s11 =	sadd.s32 $0x40, s11  }
.Ltmp0:
0x1e: {  	(pc) =	sbr.rel @p0 .LBB2_2-.Ltmp0, $4  }
0x1f: {  	_ = 	snop  }
0x20: {  	s13 =	sand.u32 $0xFE00, s13  }
0x21: {  	s14 =	sand.u32 $0x70, s12;
	s13 =	sshrl.u32 s13, $0x2  }
0x22: {  	s13 =	sor.u32 s14, s13  }
0x23: {  	[tilespmem:s13+$0x0] =	vst v0;
	s11 =	simm.s32 $0x0  }
0x24: {  	[spmem:s5] =	stream.linear.scatter [tilespmem:s11], [sflag:$0x3], $0x4000, $0x38;
	[tilespmem:$0x1C200] =	vst v63  }
0x25: {  	_ =	swait.ge [sflag:s24], $0x4000  }
0x26: {  	[sflag:s24] =	ssyncset.done $0x0  }
0x27: {  	[sflag:s24] =	ssyncadd.s32 $0xFFFFC000  }
0x28: {  	[spmem:s6] =	stream.linear.scatter [tilespmem:s11], [sflag:$0x3], $0x4000, $0x38;
	[tilespmem:$0x1C200] =	vst v63  }
0x29: {  	_ =	swait.ge [sflag:s24], $0x4000  }
0x2a: {  	[sflag:s24] =	ssyncset.done $0x0  }
0x2b: {  	[sflag:s24] =	ssyncadd.s32 $0xFFFFC000  }
0x2c: {  	[spmem:s7] =	stream.linear.scatter [tilespmem:s11], [sflag:$0x3], $0x4000, $0x38;
	[tilespmem:$0x1C200] =	vst v63  }
0x2d: {  	_ =	swait.ge [sflag:s24], $0x4000  }
0x2e: {  	[sflag:s24] =	ssyncset.done $0x0  }
0x2f: {  	[sflag:s24] =	ssyncadd.s32 $0xFFFFC000  }
0x30: {  	[spmem:s8] =	stream.linear.scatter [tilespmem:s11], [sflag:$0x3], $0x4000, $0x38;
	[tilespmem:$0x1C200] =	vst v63  }
0x31: {  	_ =	swait.ge [sflag:s24], $0x4000  }
0x32: {  	[sflag:s24] =	ssyncset.done $0x0  }
0x33: {  	[sflag:s24] =	ssyncadd.s32 $0xFFFFC000  }
0x34: {  	[spmem:s9] =	stream.linear.scatter [tilespmem:s11], [sflag:$0x3], $0x4000, $0x38;
	[tilespmem:$0x1C200] =	vst v63  }
0x35: {  	_ =	swait.ge [sflag:s24], $0x4000  }
0x36: {  	[sflag:s24] =	ssyncset.done $0x0  }
0x37: {  	[sflag:s24] =	ssyncadd.s32 $0xFFFFC000  }
0x38: {  	[bflag:$0x0] =	sbarrier.arrive $0xFFFF  }
0x39: {  	s12 =	rddreg [dreg:$0x4]  }
0x3a: {  	[tilespmem:s25], [sflag:$0x3] =	stream.linear.gather [hbm4b:s12+s11], $0x80, $0x38;
	[tilespmem:$0x1C200] =	vst v63  }
0x3b: {  	_ =	swait.ge [sflag:s24], $0x80  }
0x3c: {  	[sflag:s24] =	ssyncset.done $0x0  }
0x3d: {  	s13 =	rddreg [dreg:$0x5];
	[sflag:s24] =	ssyncadd.s32 $0xFFFFFF80  }
0x3e: {  	[tilespmem:s26], [sflag:$0x3] =	stream.linear.gather [hbm4b:s13+s11], $0x80, $0x38;
	[tilespmem:$0x1C200] =	vst v63  }
0x3f: {  	_ =	swait.ge [sflag:s24], $0x80  }
0x40: {  	[sflag:s24] =	ssyncset.done $0x0  }
0x41: {  	[sflag:s24] =	ssyncadd.s32 $0xFFFFFF80  }
0x42: {  	[tilespmem:s11], [sflag:$0x1] =	stream.indirect.gather [hbm4b:s4+s28], $0x80, s25, s28, $0xb8;
	[tilespmem:$0x1C200] =	vst v63  }
0x43: {  	s14 =	rddreg [dreg:$0x6]  }
0x44: {  	[tilespmem:s29], [sflag:$0x3] =	stream.linear.gather [hbm4b:s14+s11], $0x80, $0x38;
	[tilespmem:$0x1C200] =	vst v63  }
0x45: {  	_ =	swait.ge [sflag:s24], $0x80  }
0x46: {  	[sflag:s24] =	ssyncset.done $0x0  }
0x47: {  	s13 =	rddreg [dreg:$0x7];
	[sflag:s24] =	ssyncadd.s32 $0xFFFFFF80  }
0x48: {  	[tilespmem:s30], [sflag:$0x3] =	stream.linear.gather [hbm4b:s13+s11], $0x80, $0x38;
	[tilespmem:$0x1C200] =	vst v63  }
0x49: {  	_ =	swait.ge [sflag:s24], $0x80  }
0x4a: {  	[sflag:s24] =	ssyncset.done $0x0  }
0x4b: {  	[sflag:s24] =	ssyncadd.s32 $0xFFFFFF80  }
0x4c: {  	[tilespmem:s31], [sflag:$0x2] =	stream.indirect.gather [hbm4b:s4+s28], $0x80, s29, s28, $0xb8;
	[tilespmem:$0x1C200] =	vst v63  }
0x4d: {  	_ =	swait.ge [sflag:s0], $0x4000  }
0x4e: {  	[sflag:s0] =	ssyncset.done $0x0  }
0x4f: {  	[sflag:s0] =	ssyncadd.s32 $0xFFFFC000  }
0x50: {  	[spmem:s2] =	stream.indirect.scatter.add.f32 [tilespmem:s3], [sflag:$0x3], $0x80, s26, s28, $0xb8;
	[tilespmem:$0x1C200] =	vst v63  }
0x51: {  	_ =	swait.ge [sflag:s24], $0x4000  }
0x52: {  	[sflag:s24] =	ssyncset.done $0x0  }
0x53: {  	s14 =	sadd.s32 $0x0, s23;
	[sflag:s24] =	ssyncadd.s32 $0xFFFFC000  }
0x54: {  	[tilespmem:s25], [sflag:$0x3] =	stream.linear.gather [hbm4b:s14+s3], $0x80, $0x38;
	[tilespmem:$0x1C200] =	vst v63  }
0x55: {  	_ =	swait.ge [sflag:s24], $0x80  }
0x56: {  	[sflag:s24] =	ssyncset.done $0x0  }
0x57: {  	s12 =	sadd.s32 $0x0, s22;
	[sflag:s24] =	ssyncadd.s32 $0xFFFFFF80  }
0x58: {  	[tilespmem:s26], [sflag:$0x3] =	stream.linear.gather [hbm4b:s12+s3], $0x80, $0x38;
	[tilespmem:$0x1C200] =	vst v63  }
0x59: {  	_ =	swait.ge [sflag:s24], $0x80  }
0x5a: {  	[sflag:s24] =	ssyncset.done $0x0  }
0x5b: {  	[sflag:s24] =	ssyncadd.s32 $0xFFFFFF80  }
0x5c: {  	[tilespmem:s3], [sflag:$0x1] =	stream.indirect.gather [hbm4b:s4+s28], $0x80, s25, s28, $0xb8;
	[tilespmem:$0x1C200] =	vst v63  }
0x5d: {  	_ =	swait.ge [sflag:s1], $0x4000  }
0x5e: {  	[sflag:s1] =	ssyncset.done $0x0  }
0x5f: {  	[sflag:s1] =	ssyncadd.s32 $0xFFFFC000  }
0x60: {  	[spmem:s2] =	stream.indirect.scatter.add.f32 [tilespmem:s31], [sflag:$0x3], $0x80, s30, s28, $0xb8;
	[tilespmem:$0x1C200] =	vst v63  }
0x61: {  	_ =	swait.ge [sflag:s24], $0x4000  }
0x62: {  	[sflag:s24] =	ssyncset.done $0x0  }
0x63: {  	s13 =	sadd.s32 $0x0, s21;
	[sflag:s24] =	ssyncadd.s32 $0xFFFFC000  }
0x64: {  	[tilespmem:s29], [sflag:$0x3] =	stream.linear.gather [hbm4b:s13+s3], $0x80, $0x38;
	[tilespmem:$0x1C200] =	vst v63  }
0x65: {  	_ =	swait.ge [sflag:s24], $0x80  }
0x66: {  	[sflag:s24] =	ssyncset.done $0x0  }
0x67: {  	s14 =	sadd.s32 $0x0, s20;
	[sflag:s24] =	ssyncadd.s32 $0xFFFFFF80  }
0x68: {  	[tilespmem:s30], [sflag:$0x3] =	stream.linear.gather [hbm4b:s14+s3], $0x80, $0x38;
	[tilespmem:$0x1C200] =	vst v63  }
0x69: {  	_ =	swait.ge [sflag:s24], $0x80  }
0x6a: {  	[sflag:s24] =	ssyncset.done $0x0  }
0x6b: {  	s11 =	simm.s32 $0x20;
	[sflag:s24] =	ssyncadd.s32 $0xFFFFFF80  }
.LBB2_4:
0x6c: {  	[tilespmem:s31], [sflag:$0x2] =	stream.indirect.gather [hbm4b:s4+s28], $0x80, s29, s28, $0xb8;
	[tilespmem:$0x1C200] =	vst v63  }
0x6d: {  	s12 =	smov.u32 s11  }
0x6e: {  	p0 =	sne.s32 s11, $0x4C0;
	s11 =	sadd.s32 $0x20, s11;
	_ =	swait.ge [sflag:s0], $0x4000  }
0x6f: {  	[sflag:s0] =	ssyncset.done $0x0  }
0x70: {  	[sflag:s0] =	ssyncadd.s32 $0xFFFFC000  }
0x71: {  	[spmem:s2] =	stream.indirect.scatter.add.f32 [tilespmem:s3], [sflag:$0x3], $0x80, s26, s28, $0xb8;
	[tilespmem:$0x1C200] =	vst v63  }
0x72: {  	_ =	swait.ge [sflag:s24], $0x4000  }
0x73: {  	[sflag:s24] =	ssyncset.done $0x0  }
0x74: {  	s13 =	sadd.s32 s12, s23;
	[sflag:s24] =	ssyncadd.s32 $0xFFFFC000  }
0x75: {  	[tilespmem:s25], [sflag:$0x3] =	stream.linear.gather [hbm4b:s13+s3], $0x80, $0x38;
	[tilespmem:$0x1C200] =	vst v63  }
0x76: {  	_ =	swait.ge [sflag:s24], $0x80  }
0x77: {  	[sflag:s24] =	ssyncset.done $0x0  }
0x78: {  	s13 =	sadd.s32 s12, s22;
	[sflag:s24] =	ssyncadd.s32 $0xFFFFFF80  }
0x79: {  	[tilespmem:s26], [sflag:$0x3] =	stream.linear.gather [hbm4b:s13+s3], $0x80, $0x38;
	[tilespmem:$0x1C200] =	vst v63  }
0x7a: {  	_ =	swait.ge [sflag:s24], $0x80  }
0x7b: {  	[sflag:s24] =	ssyncset.done $0x0  }
0x7c: {  	[sflag:s24] =	ssyncadd.s32 $0xFFFFFF80  }
0x7d: {  	[tilespmem:s3], [sflag:$0x1] =	stream.indirect.gather [hbm4b:s4+s28], $0x80, s25, s28, $0xb8;
	[tilespmem:$0x1C200] =	vst v63  }
0x7e: {  	_ =	swait.ge [sflag:s1], $0x4000  }
0x7f: {  	[sflag:s1] =	ssyncset.done $0x0  }
0x80: {  	[sflag:s1] =	ssyncadd.s32 $0xFFFFC000  }
0x81: {  	[spmem:s2] =	stream.indirect.scatter.add.f32 [tilespmem:s31], [sflag:$0x3], $0x80, s30, s28, $0xb8;
	[tilespmem:$0x1C200] =	vst v63  }
0x82: {  	_ =	swait.ge [sflag:s24], $0x4000  }
0x83: {  	[sflag:s24] =	ssyncset.done $0x0  }
0x84: {  	s13 =	sadd.s32 s12, s21;
	[sflag:s24] =	ssyncadd.s32 $0xFFFFC000  }
0x85: {  	[tilespmem:s29], [sflag:$0x3] =	stream.linear.gather [hbm4b:s13+s3], $0x80, $0x38;
	[tilespmem:$0x1C200] =	vst v63  }
0x86: {  	_ =	swait.ge [sflag:s24], $0x80  }
0x87: {  	[sflag:s24] =	ssyncset.done $0x0  }
.Ltmp1:
0x88: {  	s12 =	sadd.s32 s12, s20;
	[sflag:s24] =	ssyncadd.s32 $0xFFFFFF80;
	(pc) =	sbr.rel @p0 .LBB2_4-.Ltmp1, $4  }
0x89: {  	[tilespmem:s30], [sflag:$0x3] =	stream.linear.gather [hbm4b:s12+s3], $0x80, $0x38;
	[tilespmem:$0x1C200] =	vst v63  }
0x8a: {  	_ =	swait.ge [sflag:s24], $0x80  }
0x8b: {  	[sflag:s24] =	ssyncset.done $0x0  }
0x8c: {  	[sflag:s24] =	ssyncadd.s32 $0xFFFFFF80  }
0x8d: {  	[tilespmem:s31], [sflag:$0x2] =	stream.indirect.gather [hbm4b:s4+s28], $0x80, s29, s28, $0xb8;
	[tilespmem:$0x1C200] =	vst v63  }
0x8e: {  	_ =	swait.ge [sflag:s0], $0x4000  }
0x8f: {  	[sflag:s0] =	ssyncset.done $0x0  }
0x90: {  	[sflag:s0] =	ssyncadd.s32 $0xFFFFC000  }
0x91: {  	[spmem:s2] =	stream.indirect.scatter.add.f32 [tilespmem:s3], [sflag:$0x3], $0x80, s26, s28, $0xb8;
	[tilespmem:$0x1C200] =	vst v63  }
0x92: {  	_ =	swait.ge [sflag:s24], $0x4000  }
0x93: {  	[sflag:s24] =	ssyncset.done $0x0  }
0x94: {  	[sflag:s24] =	ssyncadd.s32 $0xFFFFC000  }
0x95: {  	_ =	swait.ge [sflag:s1], $0x4000  }
0x96: {  	[sflag:s1] =	ssyncset.done $0x0  }
0x97: {  	[sflag:s1] =	ssyncadd.s32 $0xFFFFC000  }
0x98: {  	[spmem:s2] =	stream.indirect.scatter.add.f32 [tilespmem:s31], [sflag:$0x3], $0x80, s30, s28, $0xb8;
	[tilespmem:$0x1C200] =	vst v63  }
0x99: {  	_ =	swait.ge [sflag:s24], $0x4000  }
0x9a: {  	[sflag:s24] =	ssyncset.done $0x0  }
0x9b: {  	[sflag:s24] =	ssyncadd.s32 $0xFFFFC000  }
0x9c: {  	[bflag:$0x0] =	sbarrier.arrive $0xFFFF  }
0x9d: {  	[tilespmem:s3], [sflag:$0x3] =	stream.linear.gather [spmem:s5], $0x4000, $0x38;
	[tilespmem:$0x1C200] =	vst v63  }
0x9e: {  	_ =	swait.ge [sflag:s24], $0x4000  }
0x9f: {  	[sflag:s24] =	ssyncset.done $0x0  }
0xa0: {  	s11 =	rddreg [dreg:$0x8];
	[sflag:s24] =	ssyncadd.s32 $0xFFFFC000  }
0xa1: {  	[hbm4b:s11+s3] =	stream.linear.scatter [tilespmem:s3], [sflag:$0x3], $0x4000, $0x38;
	[tilespmem:$0x1C200] =	vst v63  }
0xa2: {  	_ =	swait.ge [sflag:s24], $0x4000  }
0xa3: {  	[sflag:s24] =	ssyncset.done $0x0  }
0xa4: {  	[sflag:s24] =	ssyncadd.s32 $0xFFFFC000  }
0xa5: {  	[tilespmem:s3], [sflag:$0x3] =	stream.linear.gather [spmem:s6], $0x4000, $0x38;
	[tilespmem:$0x1C200] =	vst v63  }
0xa6: {  	_ =	swait.ge [sflag:s24], $0x4000  }
0xa7: {  	[sflag:s24] =	ssyncset.done $0x0  }
0xa8: {  	[sflag:s24] =	ssyncadd.s32 $0xFFFFC000  }
0xa9: {  	[hbm4b:s15+s3] =	stream.linear.scatter [tilespmem:s3], [sflag:$0x3], $0x4000, $0x38;
	[tilespmem:$0x1C200] =	vst v63  }
0xaa: {  	_ =	swait.ge [sflag:s24], $0x4000  }
0xab: {  	[sflag:s24] =	ssyncset.done $0x0  }
0xac: {  	[sflag:s24] =	ssyncadd.s32 $0xFFFFC000  }
0xad: {  	[tilespmem:s3], [sflag:$0x3] =	stream.linear.gather [spmem:s7], $0x4000, $0x38;
	[tilespmem:$0x1C200] =	vst v63  }
0xae: {  	_ =	swait.ge [sflag:s24], $0x4000  }
0xaf: {  	[sflag:s24] =	ssyncset.done $0x0  }
0xb0: {  	[sflag:s24] =	ssyncadd.s32 $0xFFFFC000  }
0xb1: {  	[hbm4b:s16+s3] =	stream.linear.scatter [tilespmem:s3], [sflag:$0x3], $0x4000, $0x38;
	[tilespmem:$0x1C200] =	vst v63  }
0xb2: {  	_ =	swait.ge [sflag:s24], $0x4000  }
0xb3: {  	[sflag:s24] =	ssyncset.done $0x0  }
0xb4: {  	[sflag:s24] =	ssyncadd.s32 $0xFFFFC000  }
0xb5: {  	[tilespmem:s3], [sflag:$0x3] =	stream.linear.gather [spmem:s8], $0x4000, $0x38;
	[tilespmem:$0x1C200] =	vst v63  }
0xb6: {  	_ =	swait.ge [sflag:s24], $0x4000  }
0xb7: {  	[sflag:s24] =	ssyncset.done $0x0  }
0xb8: {  	[sflag:s24] =	ssyncadd.s32 $0xFFFFC000  }
0xb9: {  	[hbm4b:s17+s3] =	stream.linear.scatter [tilespmem:s3], [sflag:$0x3], $0x4000, $0x38;
	[tilespmem:$0x1C200] =	vst v63  }
0xba: {  	_ =	swait.ge [sflag:s24], $0x4000  }
0xbb: {  	[sflag:s24] =	ssyncset.done $0x0  }
0xbc: {  	[sflag:s24] =	ssyncadd.s32 $0xFFFFC000  }
0xbd: {  	[tilespmem:s3], [sflag:$0x3] =	stream.linear.gather [spmem:s9], $0x4000, $0x38;
	[tilespmem:$0x1C200] =	vst v63  }
0xbe: {  	s10 =	sadd.s32 $0x1, s10;
	_ =	swait.ge [sflag:s24], $0x4000  }
0xbf: {  	p0 =	sne.s32 s10, s19;
	[sflag:s24] =	ssyncset.done $0x0  }
.Ltmp2:
0xc0: {  	[sflag:s24] =	ssyncadd.s32 $0xFFFFC000;
	(pc) =	sbr.rel @p0 .LBB2_1-.Ltmp2, $4  }
0xc1: {  	[hbm4b:s18+s3] =	stream.linear.scatter [tilespmem:s3], [sflag:$0x3], $0x4000, $0x38;
	[tilespmem:$0x1C200] =	vst v63  }
0xc2: {  	_ =	swait.ge [sflag:s24], $0x4000  }
0xc3: {  	[sflag:s24] =	ssyncset.done $0x0  }
0xc4: {  	[sflag:s24] =	ssyncadd.s32 $0xFFFFC000  }
0xc5: {  	_ =	sfence.sel $0x180000  }
0xc6: {  	[bflag:$0x0] =	sbarrier.arrive $0xFFFF  }
0xc7: {  	_ =	strace $0x9000004A  }
0xc8: {  	s0 =	stileid.u32;
	[bflag:$0x2] =	sbarrier.arrive $0xFFFF  }
0xc9: {  	p0 =	sne.s32 s0, $0x0;
	s0 =	rddreg [dreg:$0x3]  }
0xca: {  	s0 =	sadd.s32 @!p0 $0x100000, s0  }
0xcb: {  	[sflag:s0] =	ssyncadd.tile.s32 @!p0 $0x1;
	_ =	shalt  }
.Lfunc_end2:
_tile_overlayer_lowered:
.L_overlay_start_2:
0xcc: {  	(tag) =	ssettag $0x2  }
0xcd: {  	s0 =	rddreg [dreg:$0x0];
	s2 =	stileid.u32  }
0xce: {  	s1 =	rddreg [dreg:$0x1];
	p0 =	sne.s32 s2, $0x0  }
0xcf: {  	s3 =	rddreg [dreg:$0x2];
	[bflag:$0x3] =	sbarrier.arrive $0xFFFF;
	s2 =	simm.s32 @!p0 $0x1C03  }
0xd0: {  	[timem:s3], [sflag:s2] =	dma.local @!p0 [hbm:s0], s1  }
0xd1: {  	s0 =	simm.s32 @!p0 $0x3  }
0xd2: {  	_ =	swait.ge @!p0 [sflag:s0], s1  }
0xd3: {  	s1 =	ssub.s32 @!p0 $0x0, s1;
	[sflag:s0] =	ssyncset.done @!p0 $0x0  }
0xd4: {  	[sflag:s0] =	ssyncadd.s32 @!p0 s1  }
0xd5: {  	[bflag:$0x3] =	sbarrier.arrive $0xFFFF  }
0xd6: {  	_ =	shalt  }

// kernel: kernel.14.cloned.1.call-start
scs
__scs_entry_jumppad:
0x0: {  	(pc) =	sbr.rel $0x88, $3  }
0x1: {  	(tag) =	ssettag $0x0;
	lr =	simm.s32 $0x1  }
0x2: {  	[smem:$0x3F9B] =	sst lr;
	_ =	strace $0xD0000000  }
0x3: {  	_ = 	snop  }
0x4: {  	_ = 	snop  }
0x5: {  	_ = 	snop  }
0x6: {  	_ = 	snop  }
0x7: {  	_ = 	snop  }
__scs_overlays_trampoline_lowered:
0x8: {  	[smem:$0x3FAA] =	sst s0  }
0x9: {  	[smem:$0x3FAB] =	sst s1  }
0xa: {  	[smem:$0x3FAC] =	sst s2  }
0xb: {  	[smem:$0x3FAD] =	sst s3  }
0xc: {  	[smem:$0x3FAE] =	sst s4  }
0xd: {  	[smem:$0x3FAF] =	sst s5  }
0xe: {  	[smem:$0x3FB0] =	sst s6  }
0xf: {  	[smem:$0x3FB1] =	sst s7  }
0x10: {  	[smem:$0x3FB2] =	sst s8  }
0x11: {  	[smem:$0x3FB3] =	sst s9;
	s0 =	simm.s32 @!p0 $0x0  }
0x12: {  	s1 =	sld [smem:$0x3F99];
	s0 =	simm.s32 @p0 $0x1  }
0x13: {  	[smem:$0x3FB4] =	sst s0;
	s0 =	simm.s32 @!p1 $0x0  }
0x14: {  	s2 =	sld [smem:$0x3F98];
	s0 =	simm.s32 @p1 $0x1  }
0x15: {  	[smem:$0x3FB5] =	sst s0;
	s0 =	simm.s32 @!p2 $0x0  }
0x16: {  	s3 =	sld [smem:$0x3FDB];
	s0 =	simm.s32 @p2 $0x1  }
0x17: {  	s4 =	simm.s32 $0x1BF5;
	[smem:$0x3FB7] =	sst s0  }
0x18: {  	s0 =	sld [smem:$0x3F9A];
	_ =	swait.ge [sflag:s4], $0x0  }
0x19: {  	s7 =	sld [smem:$0x3F9B]  }
0x1a: {  	s8 =	sadd.s32 $0xFFFFE003, lr  }
0x1b: {  	s9 =	sadd.s32 $0xFFFFFEF7, lr;
	s5 =	simm.s32 $0xFFFFFFFF;
	p2 =	slt.u32 s8, $0xFFFFF086  }
0x1c: {  	p1 =	slt.u32 s9, $0xF7A;
	s5 =	simm.s32 @!p2 $0x0  }
0x1d: {  	s5 =	simm.s32 @p1 $0x1;
	p0 =	seq.s32 s7, s2  }
0x1e: {  	s7 =	smul.u32 @!p0 $0xF7A, s2;
	p2 =	seq.s32 @!p0 s5, $0x0  }
0x1f: {  	s9 =	smul.u32 $0xF7A, s1;
	s8 =	simm.s32 @!p0 $0x1BF5;
	p2 =	por !p2, p0  }
0x20: {  	[sflag:s8] =	ssyncset.s32 @!p0 $0xFFFFF086;
	s6 =	sadd.s32 @!p0 s3, s7;
	s7 =	simm.s32 @!p0 $0x108  }
0x21: {  	s3 =	sadd.s32 s3, s9;
	s6 =	sadd.s32 @!p0 $0x88, s6;
	s7 =	simm.s32 @p2 $0x1082  }
0x22: {  	[simem:s7], [sflag:s8] =	dma.local @!p0 [hbm:s6], $0xF7A  }
0x23: {  	s9 =	sor.u32 $0xD0000000, s2;
	s6 =	simm.s32 $0x108;
	_ =	swait.ge @!p0 [sflag:s8], $0x0  }
0x24: {  	s3 =	sadd.s32 $0x88, s3;
	s6 =	simm.s32 @!p1 $0x1082;
	[sflag:s4] =	ssyncset.s32 $0xFFFFF086  }
0x25: {  	[simem:s6], [sflag:s4] =	dma.local [hbm:s3], $0xF7A  }
0x26: {  	[smem:$0x3F9B] =	sst s1;
	(tag) =	ssettag s2;
	_ =	strace s9  }
0x27: {  	s1 =	sld [smem:$0x3FAB]  }
0x28: {  	s2 =	sld [smem:$0x3FAC]  }
0x29: {  	s4 =	sld [smem:$0x3FAE]  }
0x2a: {  	p0 =	seq.s32 s5, $0x0;
	s5 =	sld [smem:$0x3FAF]  }
0x2b: {  	s6 =	sld [smem:$0x3FB0]  }
0x2c: {  	s7 =	sld [smem:$0x3FB1]  }
0x2d: {  	s3 =	simm.s32 $0x108;
	s8 =	sld [smem:$0x3FB2]  }
0x2e: {  	s3 =	simm.s32 @!p0 $0x1082;
	s9 =	sld [smem:$0x3FB3]  }
0x2f: {  	lr =	sadd.s32 s0, s3;
	s0 =	sld [smem:$0x3FAA]  }
0x30: {  	s3 =	sld [smem:$0x3FAD]  }
0x31: {  	[smem:$0x3FB6] =	sst s10  }
0x32: {  	s10 =	sld [smem:$0x3FB4];
	_ =	sdelay $0x3  }
0x33: {  	p0 =	seq.s32 s10, $0x1;
	s10 =	sld [smem:$0x3FB6];
	_ =	sdelay $0x3  }
0x34: {  	[smem:$0x3FB6] =	sst s10  }
0x35: {  	s10 =	sld [smem:$0x3FB5];
	_ =	sdelay $0x3  }
0x36: {  	p1 =	seq.s32 s10, $0x1;
	s10 =	sld [smem:$0x3FB6];
	_ =	sdelay $0x3  }
0x37: {  	[smem:$0x3FB6] =	sst s10  }
0x38: {  	s10 =	sld [smem:$0x3FB7]  }
0x39: {  	_ = 	snop;
	(pc) =	sbr.ind lr, $3  }
0x3a: {  	_ = 	snop  }
0x3b: {  	_ = 	snop  }
0x3c: {  	p2 =	seq.s32 s10, $0x1;
	s10 =	sld [smem:$0x3FB6]  }
0x3d: {  	_ =	shalt  }
0x3e: {  	_ =	shalt  }
0x3f: {  	_ =	shalt  }
0x40: {  	_ =	shalt  }
0x41: {  	_ =	shalt  }
0x42: {  	_ =	shalt  }
0x43: {  	_ =	shalt  }
0x44: {  	_ =	shalt  }
0x45: {  	_ =	shalt  }
0x46: {  	_ =	shalt  }
0x47: {  	_ =	shalt  }
0x48: {  	_ =	shalt  }
0x49: {  	_ =	shalt  }
0x4a: {  	_ =	shalt  }
0x4b: {  	_ =	shalt  }
0x4c: {  	_ =	shalt  }
0x4d: {  	_ =	shalt  }
0x4e: {  	_ =	shalt  }
0x4f: {  	_ =	shalt  }
0x50: {  	_ =	shalt  }
0x51: {  	_ =	shalt  }
0x52: {  	_ =	shalt  }
0x53: {  	_ =	shalt  }
0x54: {  	_ =	shalt  }
0x55: {  	_ =	shalt  }
0x56: {  	_ =	shalt  }
0x57: {  	_ =	shalt  }
0x58: {  	_ =	shalt  }
0x59: {  	_ =	shalt  }
0x5a: {  	_ =	shalt  }
0x5b: {  	_ =	shalt  }
0x5c: {  	_ =	shalt  }
0x5d: {  	_ =	shalt  }
0x5e: {  	_ =	shalt  }
0x5f: {  	_ =	shalt  }
0x60: {  	_ =	shalt  }
0x61: {  	_ =	shalt  }
0x62: {  	_ =	shalt  }
0x63: {  	_ =	shalt  }
0x64: {  	_ =	shalt  }
0x65: {  	_ =	shalt  }
0x66: {  	_ =	shalt  }
0x67: {  	_ =	shalt  }
0x68: {  	_ =	shalt  }
0x69: {  	_ =	shalt  }
0x6a: {  	_ =	shalt  }
0x6b: {  	_ =	shalt  }
0x6c: {  	_ =	shalt  }
0x6d: {  	_ =	shalt  }
0x6e: {  	_ =	shalt  }
0x6f: {  	_ =	shalt  }
0x70: {  	_ =	shalt  }
0x71: {  	_ =	shalt  }
0x72: {  	_ =	shalt  }
0x73: {  	_ =	shalt  }
0x74: {  	_ =	shalt  }
0x75: {  	_ =	shalt  }
0x76: {  	_ =	shalt  }
0x77: {  	_ =	shalt  }
0x78: {  	_ =	shalt  }
0x79: {  	_ =	shalt  }
0x7a: {  	_ =	shalt  }
0x7b: {  	_ =	shalt  }
0x7c: {  	_ =	shalt  }
0x7d: {  	_ =	shalt  }
0x7e: {  	_ =	shalt  }
0x7f: {  	_ =	shalt  }
0x80: {  	_ =	shalt  }
0x81: {  	_ =	shalt  }
0x82: {  	_ =	shalt  }
0x83: {  	_ =	shalt  }
0x84: {  	_ =	shalt  }
0x85: {  	_ =	shalt  }
0x86: {  	_ =	shalt  }
0x87: {  	_ =	shalt  }
.Lfunc_end0:
.L_simem_size_0:
called_computation.2_lowered:
.L_overlay_start_0:
0x88: {  	s2 =	sld [smem:$0x3FD9]  }
0x89: {  	s3 =	sld [smem:$0x3FFE];
	_ =	sdelay $0x1  }
0x8a: {  	s1 =	srdreg.scid  }
0x8b: {  	s0 =	sand.u32 $0x1, s1  }
0x8c: {  	s17 =	sshll.u32 s0, $0xA;
	s2 =	sadd.s32 s3, s2  }
0x8d: {  	s2 =	sadd.s32 s2, s17  }
0x8e: {  	[smem:$0x3FC2] =	sst s2  }
0x8f: {  	_ = 	snop  }
0x90: {  	s2 =	sld [smem:$0x3FD0];
	(tm) =	ssettm $0x1  }
0x91: {  	s18 =	sld [smem:$0x3FFB];
	_ =	sdelay $0x3  }
0x92: {  	_ =	strace s18  }
0x93: {  	s3 =	sld [smem:$0x3FFC];
	_ =	sdelay $0x3  }
0x94: {  	_ =	strace s3  }
0x95: {  	s3 =	sld [smem:$0x3FFD];
	_ =	sdelay $0x3  }
0x96: {  	_ =	strace s3  }
0x97: {  	_ =	strace $0x8FFFFFFF  }
0x98: {  	s19 =	sld [smem:$0x3FDB];
	_ =	sdelay $0x1  }
0x99: {  	s4 =	simm.s32 $_scs_section_size  }
0x9a: {  	s5 =	simm.s32 $_size__tile_overlayer_lowered;
	s6 =	simm.s32 $_tile_overlayer_lowered  }
0x9b: {  	s22 =	simm.s32 $0x1BFF;
	s21 =	sshll.u32 s6, $0x1;
	s3 =	sadd.s32 s4, s19  }
0x9c: {  	s7 =	simm.s32 $0x0;
	s20 =	sshll.u32 s5, $0x1;
	s5 =	sadd.s32 s21, s3  }
0x9d: {  	[timem:s7], [sflag:s22] =	dma.local [hbm:s5], s20  }
0x9e: {  	_ =	swait.ge [sflag:s22], s20  }
0x9f: {  	s4 =	ssub.s32 $0x0, s20;
	[sflag:s22] =	ssyncset.done $0x0  }
0xa0: {  	[sflag:s22] =	ssyncadd.s32 s4;
	_ =	sdelay $0x1  }
0xa1: {  	s23 =	simm.s32 $0x1B8B  }
0xa2: {  	_ =	swait.ge [sflag:s23], $0x1  }
0xa3: {  	[sflag:s23] =	ssyncset.done $0x0  }
0xa4: {  	s25 =	simm.s32 $0x1B8E;
	s24 =	sld [smem:$0x3FFE];
	[sflag:s23] =	ssyncadd.s32 $0xFFFFFFFF  }
0xa5: {  	s26 =	simm.s32 $execute0_lowered;
	[smem:$0x3FD2] =	sst s25  }
0xa6: {  	s5 =	sshll.u32 s26, $0x1;
	_ =	strace $0x8000004C;
	[dreg:$0x1] =	wrdreg $0xFFFFFFFF  }
0xa7: {  	s28 =	simm.s32 $_size_execute0_lowered;
	s3 =	sadd.s32 s3, s5;
	[dreg:$0x0] =	wrdreg $0x0  }
0xa8: {  	s5 =	sshll.u32 s28, $0x1;
	[dreg:$0x2] =	wrdreg s3  }
0xa9: {  	[dreg:$0x3] =	wrdreg s5  }
0xaa: {  	[dreg:$0x4] =	wrdreg $0xC0  }
0xab: {  	_ =	task [dreg:s7], $0x5FFFF  }
0xac: {  	[dreg:$0x1] =	wrdreg $0xFFFFFFFF  }
0xad: {  	[dreg:$0x0] =	wrdreg $0x60  }
0xae: {  	[dreg:$0x2] =	wrdreg s24  }
0xaf: {  	[dreg:$0x3] =	wrdreg s2  }
0xb0: {  	[dreg:$0x4] =	wrdreg $0x82000  }
0xb1: {  	[dreg:$0x5] =	wrdreg $0x9  }
0xb2: {  	_ =	task.clear_ibuf [dreg:s7], $0x6FFFF;
	_ =	strace $0x9000004C  }
0xb3: {  	s29 =	simm.s32 $0x9;
	_ =	strace $0x8000004E  }
0xb4: {  	_ =	swait.ge [sflag:s29], $0x1  }
0xb5: {  	[sflag:s29] =	ssyncadd.s32 $0xFFFFFFFF  }
0xb6: {  	_ =	strace $0x9000004E  }
0xb7: {  	_ =	sfence  }
0xb8: {  	s30 =	sld [smem:$0x0];
	_ =	sdelay $0x2  }
0xb9: {  	s31 =	sshll.u32 s1, $0xD;
	s1 =	sshrl.u32 s1, $0x2  }
0xba: {  	s3 =	sand.u32 $0x4000, s31;
	s1 =	sadd.s32 s1, s30  }
0xbb: {  	s0 =	sor.u32 s3, s0;
	s1 =	sshll.u32 s1, $0x11  }
0xbc: {  	s0 =	sor.u32 s1, s0  }
0xbd: {  	s0 =	sadd.s32 $0x8F2B, s0  }
0xbe: {  	[sflag:s0] =	ssyncadd.remote.s32 $0x1  }
0xbf: {  	_ =	sfence.sel $0xFFFF  }
0xc0: {  	[dreg:$0x0] =	wrdreg $0xFFFFFFFF;
	(pc) =	sbr.abs _section_cstart, $3  }
0xc1: {  	[dreg:$0x1] =	wrdreg $0xFFFFFFFF  }
0xc2: {  	_ =	task.clear_ibuf [dreg:s7], $0x2FFFF;
	_ =	strace $0x9FFFFFFF  }
0xc3: {  	(tm) =	ssettm $0x7FFFFFFF  }
tec
execute0_lowered:
.L_overlay_start_1:
0x0: {  	(tag) =	ssettag $0x1  }
0x1: {  	s0 =	rddreg [dreg:$0x0]  }
0x2: {  	s1 =	rddreg [dreg:$0x1]  }
0x3: {  	s2 =	rddreg [dreg:$0x2]  }
0x4: {  	s4 =	srdreg.scid;
	s14 =	stileid.u32;
	s3 =	simm.s32 $0x0  }
0x5: {  	s28 =	simm.s32 $0x80;
	s29 =	simm.s32 $0x8080;
	s30 =	simm.s32 $0x8180  }
0x6: {  	s31 =	simm.s32 $0x4000;
	s5 =	sand.u32 $0x1, s4;
	s6 =	smul.u32 $0x280, s14  }
0x7: {  	[smem:$0x7FF] =	sst s3;
	s4 =	sadd.s32 $0xBC00, s0;
	s8 =	smul.u32 $0x50000, s14  }
0x8: {  	s11 =	sadd.s32 $0x1C00, s0;
	s7 =	sshll.u32 s14, $0x1;
	s17 =	smul.u32 $0x5000, s14  }
0x9: {  	s10 =	smul.u32 $0x2800, s5;
	s9 =	ssub.s32 $0x2, s5;
	s5 =	sor.u32 s5, s7  }
0xa: {  	_ =	strace $0x8000004D;
	s20 =	sshrl.u32 s9, $0x1;
	s12 =	smul.u32 $0x2800, s5  }
0xb: {  	s21 =	sshrl.u32 s8, $0x2;
	s6 =	sadd.s32 s6, s10;
	s13 =	ssub.s32 s9, s20  }
0xc: {  	s5 =	sadd.s32 s21, s2;
	s10 =	sadd.s32 s10, s17;
	s6 =	sshll.u32 s6, $0x4  }
0xd: {  	s7 =	sadd.s32 $0x8000, s5;
	s12 =	sshrl.u32 s12, $0x3;
	s8 =	sadd.s32 $0xC000, s5  }
0xe: {  	s9 =	sadd.s32 $0x10000, s5;
	s25 =	sor.u32 $0x180, s10;
	s19 =	smax.u32 s13, $0x1  }
0xf: {  	s10 =	sor.u32 $0x100, s10;
	s0 =	sadd.s32 s6, s0;
	s6 =	sadd.s32 $0x4000, s5  }
0x10: {  	s15 =	sadd.s32 s1, s12;
	s22 =	sadd.s32 s11, s12;
	s12 =	sor.u32 $0x10, s12  }
0x11: {  	s26 =	sshrl.u32 s10, $0x3;
	s10 =	simm.s32 $0x0;
	[dreg:$0x4] =	wrdreg s15  }
0x12: {  	[dreg:$0x5] =	wrdreg s22;
	s23 =	sadd.s32 s1, s12;
	s12 =	sadd.s32 s11, s12  }
0x13: {  	s24 =	sadd.s32 $0x33C00, s0;
	s15 =	sadd.s32 $0x34400, s0;
	s16 =	sadd.s32 $0x34C00, s0  }
0x14: {  	s17 =	sadd.s32 $0x35400, s0;
	s18 =	sadd.s32 $0x35C00, s0;
	[dreg:$0x6] =	wrdreg s23  }
0x15: {  	s0 =	sshrl.u32 s25, $0x3;
	s22 =	sadd.s32 s26, s11;
	[dreg:$0x7] =	wrdreg s12  }
0x16: {  	s25 =	simm.s32 $0x8000;
	[dreg:$0x8] =	wrdreg s24;
	s20 =	sadd.s32 s0, s11  }
0x17: {  	s21 =	sadd.s32 s0, s1;
	s23 =	sadd.s32 s26, s1;
	s24 =	simm.s32 $0x3  }
0x18: {  	v0 =	vimm.f32 $0.0e+00;
	s26 =	simm.s32 $0x8100;
	s0 =	simm.s32 $0x1;
	s1 =	simm.s32 $0x2  }
.LBB2_1:
0x19: {  	s11 =	sand.u32 $0xFE00, s3  }
0x1a: {  	s12 =	sand.u32 $0x70, s3;
	s13 =	sshrl.u32 s11, $0x2  }
0x1b: {  	s11 =	simm.s32 $0x40;
	s13 =	sor.u32 s12, s13;
	s12 =	simm.s32 $0x0  }
.LBB2_2:
0x1c: {  	p0 =	sne.s32 s11, $0xFFC0  }
0x1d: {  	[tilespmem:s13+$0x0] =	vst v0;
	s12 =	sadd.s32 $0x10, s12;
	s13 =	smov.u32 s11;
	s11 =	sadd.s32 $0x40, s11  }
.Ltmp0:
0x1e: {  	(pc) =	sbr.rel @p0 .LBB2_2-.Ltmp0, $4  }
0x1f: {  	_ = 	snop  }
0x20: {  	s13 =	sand.u32 $0xFE00, s13  }
0x21: {  	s14 =	sand.u32 $0x70, s12;
	s13 =	sshrl.u32 s13, $0x2  }
0x22: {  	s13 =	sor.u32 s14, s13  }
0x23: {  	[tilespmem:s13+$0x0] =	vst v0;
	s11 =	simm.s32 $0x0  }
0x24: {  	[spmem:s5] =	stream.linear.scatter [tilespmem:s11], [sflag:$0x3], $0x4000, $0x38;
	[tilespmem:$0x1C200] =	vst v63  }
0x25: {  	_ =	swait.ge [sflag:s24], $0x4000  }
0x26: {  	[sflag:s24] =	ssyncset.done $0x0  }
0x27: {  	[sflag:s24] =	ssyncadd.s32 $0xFFFFC000  }
0x28: {  	[spmem:s6] =	stream.linear.scatter [tilespmem:s11], [sflag:$0x3], $0x4000, $0x38;
	[tilespmem:$0x1C200] =	vst v63  }
0x29: {  	_ =	swait.ge [sflag:s24], $0x4000  }
0x2a: {  	[sflag:s24] =	ssyncset.done $0x0  }
0x2b: {  	[sflag:s24] =	ssyncadd.s32 $0xFFFFC000  }
0x2c: {  	[spmem:s7] =	stream.linear.scatter [tilespmem:s11], [sflag:$0x3], $0x4000, $0x38;
	[tilespmem:$0x1C200] =	vst v63  }
0x2d: {  	_ =	swait.ge [sflag:s24], $0x4000  }
0x2e: {  	[sflag:s24] =	ssyncset.done $0x0  }
0x2f: {  	[sflag:s24] =	ssyncadd.s32 $0xFFFFC000  }
0x30: {  	[spmem:s8] =	stream.linear.scatter [tilespmem:s11], [sflag:$0x3], $0x4000, $0x38;
	[tilespmem:$0x1C200] =	vst v63  }
0x31: {  	_ =	swait.ge [sflag:s24], $0x4000  }
0x32: {  	[sflag:s24] =	ssyncset.done $0x0  }
0x33: {  	[sflag:s24] =	ssyncadd.s32 $0xFFFFC000  }
0x34: {  	[spmem:s9] =	stream.linear.scatter [tilespmem:s11], [sflag:$0x3], $0x4000, $0x38;
	[tilespmem:$0x1C200] =	vst v63  }
0x35: {  	_ =	swait.ge [sflag:s24], $0x4000  }
0x36: {  	[sflag:s24] =	ssyncset.done $0x0  }
0x37: {  	[sflag:s24] =	ssyncadd.s32 $0xFFFFC000  }
0x38: {  	[bflag:$0x0] =	sbarrier.arrive $0xFFFF  }
0x39: {  	s12 =	rddreg [dreg:$0x4]  }
0x3a: {  	[tilespmem:s25], [sflag:$0x3] =	stream.linear.gather [hbm4b:s12+s11], $0x80, $0x38;
	[tilespmem:$0x1C200] =	vst v63  }
0x3b: {  	_ =	swait.ge [sflag:s24], $0x80  }
0x3c: {  	[sflag:s24] =	ssyncset.done $0x0  }
0x3d: {  	s13 =	rddreg [dreg:$0x5];
	[sflag:s24] =	ssyncadd.s32 $0xFFFFFF80  }
0x3e: {  	[tilespmem:s26], [sflag:$0x3] =	stream.linear.gather [hbm4b:s13+s11], $0x80, $0x38;
	[tilespmem:$0x1C200] =	vst v63  }
0x3f: {  	_ =	swait.ge [sflag:s24], $0x80  }
0x40: {  	[sflag:s24] =	ssyncset.done $0x0  }
0x41: {  	[sflag:s24] =	ssyncadd.s32 $0xFFFFFF80  }
0x42: {  	[tilespmem:s11], [sflag:$0x1] =	stream.indirect.gather [hbm4b:s4+s28], $0x80, s25, s28, $0xb8;
	[tilespmem:$0x1C200] =	vst v63  }
0x43: {  	s14 =	rddreg [dreg:$0x6]  }
0x44: {  	[tilespmem:s29], [sflag:$0x3] =	stream.linear.gather [hbm4b:s14+s11], $0x80, $0x38;
	[tilespmem:$0x1C200] =	vst v63  }
0x45: {  	_ =	swait.ge [sflag:s24], $0x80  }
0x46: {  	[sflag:s24] =	ssyncset.done $0x0  }
0x47: {  	s13 =	rddreg [dreg:$0x7];
	[sflag:s24] =	ssyncadd.s32 $0xFFFFFF80  }
0x48: {  	[tilespmem:s30], [sflag:$0x3] =	stream.linear.gather [hbm4b:s13+s11], $0x80, $0x38;
	[tilespmem:$0x1C200] =	vst v63  }
0x49: {  	_ =	swait.ge [sflag:s24], $0x80  }
0x4a: {  	[sflag:s24] =	ssyncset.done $0x0  }
0x4b: {  	[sflag:s24] =	ssyncadd.s32 $0xFFFFFF80  }
0x4c: {  	[tilespmem:s31], [sflag:$0x2] =	stream.indirect.gather [hbm4b:s4+s28], $0x80, s29, s28, $0xb8;
	[tilespmem:$0x1C200] =	vst v63  }
0x4d: {  	_ =	swait.ge [sflag:s0], $0x4000  }
0x4e: {  	[sflag:s0] =	ssyncset.done $0x0  }
0x4f: {  	[sflag:s0] =	ssyncadd.s32 $0xFFFFC000  }
0x50: {  	[spmem:s2] =	stream.indirect.scatter.add.f32 [tilespmem:s3], [sflag:$0x3], $0x80, s26, s28, $0xb8;
	[tilespmem:$0x1C200] =	vst v63  }
0x51: {  	_ =	swait.ge [sflag:s24], $0x4000  }
0x52: {  	[sflag:s24] =	ssyncset.done $0x0  }
0x53: {  	s14 =	sadd.s32 $0x0, s23;
	[sflag:s24] =	ssyncadd.s32 $0xFFFFC000  }
0x54: {  	[tilespmem:s25], [sflag:$0x3] =	stream.linear.gather [hbm4b:s14+s3], $0x80, $0x38;
	[tilespmem:$0x1C200] =	vst v63  }
0x55: {  	_ =	swait.ge [sflag:s24], $0x80  }
0x56: {  	[sflag:s24] =	ssyncset.done $0x0  }
0x57: {  	s12 =	sadd.s32 $0x0, s22;
	[sflag:s24] =	ssyncadd.s32 $0xFFFFFF80  }
0x58: {  	[tilespmem:s26], [sflag:$0x3] =	stream.linear.gather [hbm4b:s12+s3], $0x80, $0x38;
	[tilespmem:$0x1C200] =	vst v63  }
0x59: {  	_ =	swait.ge [sflag:s24], $0x80  }
0x5a: {  	[sflag:s24] =	ssyncset.done $0x0  }
0x5b: {  	[sflag:s24] =	ssyncadd.s32 $0xFFFFFF80  }
0x5c: {  	[tilespmem:s3], [sflag:$0x1] =	stream.indirect.gather [hbm4b:s4+s28], $0x80, s25, s28, $0xb8;
	[tilespmem:$0x1C200] =	vst v63  }
0x5d: {  	_ =	swait.ge [sflag:s1], $0x4000  }
0x5e: {  	[sflag:s1] =	ssyncset.done $0x0  }
0x5f: {  	[sflag:s1] =	ssyncadd.s32 $0xFFFFC000  }
0x60: {  	[spmem:s2] =	stream.indirect.scatter.add.f32 [tilespmem:s31], [sflag:$0x3], $0x80, s30, s28, $0xb8;
	[tilespmem:$0x1C200] =	vst v63  }
0x61: {  	_ =	swait.ge [sflag:s24], $0x4000  }
0x62: {  	[sflag:s24] =	ssyncset.done $0x0  }
0x63: {  	s13 =	sadd.s32 $0x0, s21;
	[sflag:s24] =	ssyncadd.s32 $0xFFFFC000  }
0x64: {  	[tilespmem:s29], [sflag:$0x3] =	stream.linear.gather [hbm4b:s13+s3], $0x80, $0x38;
	[tilespmem:$0x1C200] =	vst v63  }
0x65: {  	_ =	swait.ge [sflag:s24], $0x80  }
0x66: {  	[sflag:s24] =	ssyncset.done $0x0  }
0x67: {  	s14 =	sadd.s32 $0x0, s20;
	[sflag:s24] =	ssyncadd.s32 $0xFFFFFF80  }
0x68: {  	[tilespmem:s30], [sflag:$0x3] =	stream.linear.gather [hbm4b:s14+s3], $0x80, $0x38;
	[tilespmem:$0x1C200] =	vst v63  }
0x69: {  	_ =	swait.ge [sflag:s24], $0x80  }
0x6a: {  	[sflag:s24] =	ssyncset.done $0x0  }
0x6b: {  	s11 =	simm.s32 $0x20;
	[sflag:s24] =	ssyncadd.s32 $0xFFFFFF80  }
.LBB2_4:
0x6c: {  	[tilespmem:s31], [sflag:$0x2] =	stream.indirect.gather [hbm4b:s4+s28], $0x80, s29, s28, $0xb8;
	[tilespmem:$0x1C200] =	vst v63  }
0x6d: {  	s12 =	smov.u32 s11  }
0x6e: {  	p0 =	sne.s32 s11, $0x4C0;
	s11 =	sadd.s32 $0x20, s11;
	_ =	swait.ge [sflag:s0], $0x4000  }
0x6f: {  	[sflag:s0] =	ssyncset.done $0x0  }
0x70: {  	[sflag:s0] =	ssyncadd.s32 $0xFFFFC000  }
0x71: {  	[spmem:s2] =	stream.indirect.scatter.add.f32 [tilespmem:s3], [sflag:$0x3], $0x80, s26, s28, $0xb8;
	[tilespmem:$0x1C200] =	vst v63  }
0x72: {  	_ =	swait.ge [sflag:s24], $0x4000  }
0x73: {  	[sflag:s24] =	ssyncset.done $0x0  }
0x74: {  	s13 =	sadd.s32 s12, s23;
	[sflag:s24] =	ssyncadd.s32 $0xFFFFC000  }
0x75: {  	[tilespmem:s25], [sflag:$0x3] =	stream.linear.gather [hbm4b:s13+s3], $0x80, $0x38;
	[tilespmem:$0x1C200] =	vst v63  }
0x76: {  	_ =	swait.ge [sflag:s24], $0x80  }
0x77: {  	[sflag:s24] =	ssyncset.done $0x0  }
0x78: {  	s13 =	sadd.s32 s12, s22;
	[sflag:s24] =	ssyncadd.s32 $0xFFFFFF80  }
0x79: {  	[tilespmem:s26], [sflag:$0x3] =	stream.linear.gather [hbm4b:s13+s3], $0x80, $0x38;
	[tilespmem:$0x1C200] =	vst v63  }
0x7a: {  	_ =	swait.ge [sflag:s24], $0x80  }
0x7b: {  	[sflag:s24] =	ssyncset.done $0x0  }
0x7c: {  	[sflag:s24] =	ssyncadd.s32 $0xFFFFFF80  }
0x7d: {  	[tilespmem:s3], [sflag:$0x1] =	stream.indirect.gather [hbm4b:s4+s28], $0x80, s25, s28, $0xb8;
	[tilespmem:$0x1C200] =	vst v63  }
0x7e: {  	_ =	swait.ge [sflag:s1], $0x4000  }
0x7f: {  	[sflag:s1] =	ssyncset.done $0x0  }
0x80: {  	[sflag:s1] =	ssyncadd.s32 $0xFFFFC000  }
0x81: {  	[spmem:s2] =	stream.indirect.scatter.add.f32 [tilespmem:s31], [sflag:$0x3], $0x80, s30, s28, $0xb8;
	[tilespmem:$0x1C200] =	vst v63  }
0x82: {  	_ =	swait.ge [sflag:s24], $0x4000  }
0x83: {  	[sflag:s24] =	ssyncset.done $0x0  }
0x84: {  	s13 =	sadd.s32 s12, s21;
	[sflag:s24] =	ssyncadd.s32 $0xFFFFC000  }
0x85: {  	[tilespmem:s29], [sflag:$0x3] =	stream.linear.gather [hbm4b:s13+s3], $0x80, $0x38;
	[tilespmem:$0x1C200] =	vst v63  }
0x86: {  	_ =	swait.ge [sflag:s24], $0x80  }
0x87: {  	[sflag:s24] =	ssyncset.done $0x0  }
.Ltmp1:
0x88: {  	s12 =	sadd.s32 s12, s20;
	[sflag:s24] =	ssyncadd.s32 $0xFFFFFF80;
	(pc) =	sbr.rel @p0 .LBB2_4-.Ltmp1, $4  }
0x89: {  	[tilespmem:s30], [sflag:$0x3] =	stream.linear.gather [hbm4b:s12+s3], $0x80, $0x38;
	[tilespmem:$0x1C200] =	vst v63  }
0x8a: {  	_ =	swait.ge [sflag:s24], $0x80  }
0x8b: {  	[sflag:s24] =	ssyncset.done $0x0  }
0x8c: {  	[sflag:s24] =	ssyncadd.s32 $0xFFFFFF80  }
0x8d: {  	[tilespmem:s31], [sflag:$0x2] =	stream.indirect.gather [hbm4b:s4+s28], $0x80, s29, s28, $0xb8;
	[tilespmem:$0x1C200] =	vst v63  }
0x8e: {  	_ =	swait.ge [sflag:s0], $0x4000  }
0x8f: {  	[sflag:s0] =	ssyncset.done $0x0  }
0x90: {  	[sflag:s0] =	ssyncadd.s32 $0xFFFFC000  }
0x91: {  	[spmem:s2] =	stream.indirect.scatter.add.f32 [tilespmem:s3], [sflag:$0x3], $0x80, s26, s28, $0xb8;
	[tilespmem:$0x1C200] =	vst v63  }
0x92: {  	_ =	swait.ge [sflag:s24], $0x4000  }
0x93: {  	[sflag:s24] =	ssyncset.done $0x0  }
0x94: {  	[sflag:s24] =	ssyncadd.s32 $0xFFFFC000  }
0x95: {  	_ =	swait.ge [sflag:s1], $0x4000  }
0x96: {  	[sflag:s1] =	ssyncset.done $0x0  }
0x97: {  	[sflag:s1] =	ssyncadd.s32 $0xFFFFC000  }
0x98: {  	[spmem:s2] =	stream.indirect.scatter.add.f32 [tilespmem:s31], [sflag:$0x3], $0x80, s30, s28, $0xb8;
	[tilespmem:$0x1C200] =	vst v63  }
0x99: {  	_ =	swait.ge [sflag:s24], $0x4000  }
0x9a: {  	[sflag:s24] =	ssyncset.done $0x0  }
0x9b: {  	[sflag:s24] =	ssyncadd.s32 $0xFFFFC000  }
0x9c: {  	[bflag:$0x0] =	sbarrier.arrive $0xFFFF  }
0x9d: {  	[tilespmem:s3], [sflag:$0x3] =	stream.linear.gather [spmem:s5], $0x4000, $0x38;
	[tilespmem:$0x1C200] =	vst v63  }
0x9e: {  	_ =	swait.ge [sflag:s24], $0x4000  }
0x9f: {  	[sflag:s24] =	ssyncset.done $0x0  }
0xa0: {  	s11 =	rddreg [dreg:$0x8];
	[sflag:s24] =	ssyncadd.s32 $0xFFFFC000  }
0xa1: {  	[hbm4b:s11+s3] =	stream.linear.scatter [tilespmem:s3], [sflag:$0x3], $0x4000, $0x38;
	[tilespmem:$0x1C200] =	vst v63  }
0xa2: {  	_ =	swait.ge [sflag:s24], $0x4000  }
0xa3: {  	[sflag:s24] =	ssyncset.done $0x0  }
0xa4: {  	[sflag:s24] =	ssyncadd.s32 $0xFFFFC000  }
0xa5: {  	[tilespmem:s3], [sflag:$0x3] =	stream.linear.gather [spmem:s6], $0x4000, $0x38;
	[tilespmem:$0x1C200] =	vst v63  }
0xa6: {  	_ =	swait.ge [sflag:s24], $0x4000  }
0xa7: {  	[sflag:s24] =	ssyncset.done $0x0  }
0xa8: {  	[sflag:s24] =	ssyncadd.s32 $0xFFFFC000  }
0xa9: {  	[hbm4b:s15+s3] =	stream.linear.scatter [tilespmem:s3], [sflag:$0x3], $0x4000, $0x38;
	[tilespmem:$0x1C200] =	vst v63  }
0xaa: {  	_ =	swait.ge [sflag:s24], $0x4000  }
0xab: {  	[sflag:s24] =	ssyncset.done $0x0  }
0xac: {  	[sflag:s24] =	ssyncadd.s32 $0xFFFFC000  }
0xad: {  	[tilespmem:s3], [sflag:$0x3] =	stream.linear.gather [spmem:s7], $0x4000, $0x38;
	[tilespmem:$0x1C200] =	vst v63  }
0xae: {  	_ =	swait.ge [sflag:s24], $0x4000  }
0xaf: {  	[sflag:s24] =	ssyncset.done $0x0  }
0xb0: {  	[sflag:s24] =	ssyncadd.s32 $0xFFFFC000  }
0xb1: {  	[hbm4b:s16+s3] =	stream.linear.scatter [tilespmem:s3], [sflag:$0x3], $0x4000, $0x38;
	[tilespmem:$0x1C200] =	vst v63  }
0xb2: {  	_ =	swait.ge [sflag:s24], $0x4000  }
0xb3: {  	[sflag:s24] =	ssyncset.done $0x0  }
0xb4: {  	[sflag:s24] =	ssyncadd.s32 $0xFFFFC000  }
0xb5: {  	[tilespmem:s3], [sflag:$0x3] =	stream.linear.gather [spmem:s8], $0x4000, $0x38;
	[tilespmem:$0x1C200] =	vst v63  }
0xb6: {  	_ =	swait.ge [sflag:s24], $0x4000  }
0xb7: {  	[sflag:s24] =	ssyncset.done $0x0  }
0xb8: {  	[sflag:s24] =	ssyncadd.s32 $0xFFFFC000  }
0xb9: {  	[hbm4b:s17+s3] =	stream.linear.scatter [tilespmem:s3], [sflag:$0x3], $0x4000, $0x38;
	[tilespmem:$0x1C200] =	vst v63  }
0xba: {  	_ =	swait.ge [sflag:s24], $0x4000  }
0xbb: {  	[sflag:s24] =	ssyncset.done $0x0  }
0xbc: {  	[sflag:s24] =	ssyncadd.s32 $0xFFFFC000  }
0xbd: {  	[tilespmem:s3], [sflag:$0x3] =	stream.linear.gather [spmem:s9], $0x4000, $0x38;
	[tilespmem:$0x1C200] =	vst v63  }
0xbe: {  	s10 =	sadd.s32 $0x1, s10;
	_ =	swait.ge [sflag:s24], $0x4000  }
0xbf: {  	p0 =	sne.s32 s10, s19;
	[sflag:s24] =	ssyncset.done $0x0  }
.Ltmp2:
0xc0: {  	[sflag:s24] =	ssyncadd.s32 $0xFFFFC000;
	(pc) =	sbr.rel @p0 .LBB2_1-.Ltmp2, $4  }
0xc1: {  	[hbm4b:s18+s3] =	stream.linear.scatter [tilespmem:s3], [sflag:$0x3], $0x4000, $0x38;
	[tilespmem:$0x1C200] =	vst v63  }
0xc2: {  	_ =	swait.ge [sflag:s24], $0x4000  }
0xc3: {  	[sflag:s24] =	ssyncset.done $0x0  }
0xc4: {  	[sflag:s24] =	ssyncadd.s32 $0xFFFFC000  }
0xc5: {  	_ =	sfence.sel $0x180000  }
0xc6: {  	[bflag:$0x0] =	sbarrier.arrive $0xFFFF  }
0xc7: {  	_ =	strace $0x9000004D  }
0xc8: {  	s0 =	stileid.u32;
	[bflag:$0x2] =	sbarrier.arrive $0xFFFF  }
0xc9: {  	p0 =	sne.s32 s0, $0x0;
	s0 =	rddreg [dreg:$0x3]  }
0xca: {  	s0 =	sadd.s32 @!p0 $0x100000, s0  }
0xcb: {  	[sflag:s0] =	ssyncadd.tile.s32 @!p0 $0x1;
	_ =	shalt  }
.Lfunc_end2:
_tile_overlayer_lowered:
.L_overlay_start_2:
0xcc: {  	(tag) =	ssettag $0x2  }
0xcd: {  	s0 =	rddreg [dreg:$0x0];
	s2 =	stileid.u32  }
0xce: {  	s1 =	rddreg [dreg:$0x1];
	p0 =	sne.s32 s2, $0x0  }
0xcf: {  	s3 =	rddreg [dreg:$0x2];
	[bflag:$0x3] =	sbarrier.arrive $0xFFFF;
	s2 =	simm.s32 @!p0 $0x1C03  }
0xd0: {  	[timem:s3], [sflag:s2] =	dma.local @!p0 [hbm:s0], s1  }
0xd1: {  	s0 =	simm.s32 @!p0 $0x3  }
0xd2: {  	_ =	swait.ge @!p0 [sflag:s0], s1  }
0xd3: {  	s1 =	ssub.s32 @!p0 $0x0, s1;
	[sflag:s0] =	ssyncset.done @!p0 $0x0  }
0xd4: {  	[sflag:s0] =	ssyncadd.s32 @!p0 s1  }
0xd5: {  	[bflag:$0x3] =	sbarrier.arrive $0xFFFF  }
0xd6: {  	_ =	shalt  }

// kernel: kernel.8.cloned.1.call-start
scs
__scs_entry_jumppad:
0x0: {  	(pc) =	sbr.rel $0x88, $3  }
0x1: {  	(tag) =	ssettag $0x0;
	lr =	simm.s32 $0x1  }
0x2: {  	[smem:$0x3F9B] =	sst lr;
	_ =	strace $0xD0000000  }
0x3: {  	_ = 	snop  }
0x4: {  	_ = 	snop  }
0x5: {  	_ = 	snop  }
0x6: {  	_ = 	snop  }
0x7: {  	_ = 	snop  }
__scs_overlays_trampoline_lowered:
0x8: {  	[smem:$0x3FAA] =	sst s0  }
0x9: {  	[smem:$0x3FAB] =	sst s1  }
0xa: {  	[smem:$0x3FAC] =	sst s2  }
0xb: {  	[smem:$0x3FAD] =	sst s3  }
0xc: {  	[smem:$0x3FAE] =	sst s4  }
0xd: {  	[smem:$0x3FAF] =	sst s5  }
0xe: {  	[smem:$0x3FB0] =	sst s6  }
0xf: {  	[smem:$0x3FB1] =	sst s7  }
0x10: {  	[smem:$0x3FB2] =	sst s8  }
0x11: {  	[smem:$0x3FB3] =	sst s9;
	s0 =	simm.s32 @!p0 $0x0  }
0x12: {  	s1 =	sld [smem:$0x3F99];
	s0 =	simm.s32 @p0 $0x1  }
0x13: {  	[smem:$0x3FB4] =	sst s0;
	s0 =	simm.s32 @!p1 $0x0  }
0x14: {  	s2 =	sld [smem:$0x3F98];
	s0 =	simm.s32 @p1 $0x1  }
0x15: {  	[smem:$0x3FB5] =	sst s0;
	s0 =	simm.s32 @!p2 $0x0  }
0x16: {  	s3 =	sld [smem:$0x3FDB];
	s0 =	simm.s32 @p2 $0x1  }
0x17: {  	s4 =	simm.s32 $0x1BF5;
	[smem:$0x3FB7] =	sst s0  }
0x18: {  	s0 =	sld [smem:$0x3F9A];
	_ =	swait.ge [sflag:s4], $0x0  }
0x19: {  	s7 =	sld [smem:$0x3F9B]  }
0x1a: {  	s8 =	sadd.s32 $0xFFFFE003, lr  }
0x1b: {  	s9 =	sadd.s32 $0xFFFFFEF7, lr;
	s5 =	simm.s32 $0xFFFFFFFF;
	p2 =	slt.u32 s8, $0xFFFFF086  }
0x1c: {  	p1 =	slt.u32 s9, $0xF7A;
	s5 =	simm.s32 @!p2 $0x0  }
0x1d: {  	s5 =	simm.s32 @p1 $0x1;
	p0 =	seq.s32 s7, s2  }
0x1e: {  	s7 =	smul.u32 @!p0 $0xF7A, s2;
	p2 =	seq.s32 @!p0 s5, $0x0  }
0x1f: {  	s9 =	smul.u32 $0xF7A, s1;
	s8 =	simm.s32 @!p0 $0x1BF5;
	p2 =	por !p2, p0  }
0x20: {  	[sflag:s8] =	ssyncset.s32 @!p0 $0xFFFFF086;
	s6 =	sadd.s32 @!p0 s3, s7;
	s7 =	simm.s32 @!p0 $0x108  }
0x21: {  	s3 =	sadd.s32 s3, s9;
	s6 =	sadd.s32 @!p0 $0x88, s6;
	s7 =	simm.s32 @p2 $0x1082  }
0x22: {  	[simem:s7], [sflag:s8] =	dma.local @!p0 [hbm:s6], $0xF7A  }
0x23: {  	s9 =	sor.u32 $0xD0000000, s2;
	s6 =	simm.s32 $0x108;
	_ =	swait.ge @!p0 [sflag:s8], $0x0  }
0x24: {  	s3 =	sadd.s32 $0x88, s3;
	s6 =	simm.s32 @!p1 $0x1082;
	[sflag:s4] =	ssyncset.s32 $0xFFFFF086  }
0x25: {  	[simem:s6], [sflag:s4] =	dma.local [hbm:s3], $0xF7A  }
0x26: {  	[smem:$0x3F9B] =	sst s1;
	(tag) =	ssettag s2;
	_ =	strace s9  }
0x27: {  	s1 =	sld [smem:$0x3FAB]  }
0x28: {  	s2 =	sld [smem:$0x3FAC]  }
0x29: {  	s4 =	sld [smem:$0x3FAE]  }
0x2a: {  	p0 =	seq.s32 s5, $0x0;
	s5 =	sld [smem:$0x3FAF]  }
0x2b: {  	s6 =	sld [smem:$0x3FB0]  }
0x2c: {  	s7 =	sld [smem:$0x3FB1]  }
0x2d: {  	s3 =	simm.s32 $0x108;
	s8 =	sld [smem:$0x3FB2]  }
0x2e: {  	s3 =	simm.s32 @!p0 $0x1082;
	s9 =	sld [smem:$0x3FB3]  }
0x2f: {  	lr =	sadd.s32 s0, s3;
	s0 =	sld [smem:$0x3FAA]  }
0x30: {  	s3 =	sld [smem:$0x3FAD]  }
0x31: {  	[smem:$0x3FB6] =	sst s10  }
0x32: {  	s10 =	sld [smem:$0x3FB4];
	_ =	sdelay $0x3  }
0x33: {  	p0 =	seq.s32 s10, $0x1;
	s10 =	sld [smem:$0x3FB6];
	_ =	sdelay $0x3  }
0x34: {  	[smem:$0x3FB6] =	sst s10  }
0x35: {  	s10 =	sld [smem:$0x3FB5];
	_ =	sdelay $0x3  }
0x36: {  	p1 =	seq.s32 s10, $0x1;
	s10 =	sld [smem:$0x3FB6];
	_ =	sdelay $0x3  }
0x37: {  	[smem:$0x3FB6] =	sst s10  }
0x38: {  	s10 =	sld [smem:$0x3FB7]  }
0x39: {  	_ = 	snop;
	(pc) =	sbr.ind lr, $3  }
0x3a: {  	_ = 	snop  }
0x3b: {  	_ = 	snop  }
0x3c: {  	p2 =	seq.s32 s10, $0x1;
	s10 =	sld [smem:$0x3FB6]  }
0x3d: {  	_ =	shalt  }
0x3e: {  	_ =	shalt  }
0x3f: {  	_ =	shalt  }
0x40: {  	_ =	shalt  }
0x41: {  	_ =	shalt  }
0x42: {  	_ =	shalt  }
0x43: {  	_ =	shalt  }
0x44: {  	_ =	shalt  }
0x45: {  	_ =	shalt  }
0x46: {  	_ =	shalt  }
0x47: {  	_ =	shalt  }
0x48: {  	_ =	shalt  }
0x49: {  	_ =	shalt  }
0x4a: {  	_ =	shalt  }
0x4b: {  	_ =	shalt  }
0x4c: {  	_ =	shalt  }
0x4d: {  	_ =	shalt  }
0x4e: {  	_ =	shalt  }
0x4f: {  	_ =	shalt  }
0x50: {  	_ =	shalt  }
0x51: {  	_ =	shalt  }
0x52: {  	_ =	shalt  }
0x53: {  	_ =	shalt  }
0x54: {  	_ =	shalt  }
0x55: {  	_ =	shalt  }
0x56: {  	_ =	shalt  }
0x57: {  	_ =	shalt  }
0x58: {  	_ =	shalt  }
0x59: {  	_ =	shalt  }
0x5a: {  	_ =	shalt  }
0x5b: {  	_ =	shalt  }
0x5c: {  	_ =	shalt  }
0x5d: {  	_ =	shalt  }
0x5e: {  	_ =	shalt  }
0x5f: {  	_ =	shalt  }
0x60: {  	_ =	shalt  }
0x61: {  	_ =	shalt  }
0x62: {  	_ =	shalt  }
0x63: {  	_ =	shalt  }
0x64: {  	_ =	shalt  }
0x65: {  	_ =	shalt  }
0x66: {  	_ =	shalt  }
0x67: {  	_ =	shalt  }
0x68: {  	_ =	shalt  }
0x69: {  	_ =	shalt  }
0x6a: {  	_ =	shalt  }
0x6b: {  	_ =	shalt  }
0x6c: {  	_ =	shalt  }
0x6d: {  	_ =	shalt  }
0x6e: {  	_ =	shalt  }
0x6f: {  	_ =	shalt  }
0x70: {  	_ =	shalt  }
0x71: {  	_ =	shalt  }
0x72: {  	_ =	shalt  }
0x73: {  	_ =	shalt  }
0x74: {  	_ =	shalt  }
0x75: {  	_ =	shalt  }
0x76: {  	_ =	shalt  }
0x77: {  	_ =	shalt  }
0x78: {  	_ =	shalt  }
0x79: {  	_ =	shalt  }
0x7a: {  	_ =	shalt  }
0x7b: {  	_ =	shalt  }
0x7c: {  	_ =	shalt  }
0x7d: {  	_ =	shalt  }
0x7e: {  	_ =	shalt  }
0x7f: {  	_ =	shalt  }
0x80: {  	_ =	shalt  }
0x81: {  	_ =	shalt  }
0x82: {  	_ =	shalt  }
0x83: {  	_ =	shalt  }
0x84: {  	_ =	shalt  }
0x85: {  	_ =	shalt  }
0x86: {  	_ =	shalt  }
0x87: {  	_ =	shalt  }
.Lfunc_end0:
.L_simem_size_0:
called_computation_lowered:
.L_overlay_start_0:
0x88: {  	s2 =	sld [smem:$0x3FD9]  }
0x89: {  	s3 =	sld [smem:$0x3FFE];
	_ =	sdelay $0x1  }
0x8a: {  	s1 =	srdreg.scid  }
0x8b: {  	s0 =	sand.u32 $0x1, s1  }
0x8c: {  	s17 =	sshll.u32 s0, $0xA;
	s2 =	sadd.s32 s3, s2  }
0x8d: {  	s2 =	sadd.s32 s2, s17  }
0x8e: {  	[smem:$0x3FC2] =	sst s2  }
0x8f: {  	_ = 	snop  }
0x90: {  	s2 =	sld [smem:$0x3FD0];
	(tm) =	ssettm $0x1  }
0x91: {  	s18 =	sld [smem:$0x3FFB];
	_ =	sdelay $0x3  }
0x92: {  	_ =	strace s18  }
0x93: {  	s3 =	sld [smem:$0x3FFC];
	_ =	sdelay $0x3  }
0x94: {  	_ =	strace s3  }
0x95: {  	s3 =	sld [smem:$0x3FFD];
	_ =	sdelay $0x3  }
0x96: {  	_ =	strace s3  }
0x97: {  	_ =	strace $0x8FFFFFFF  }
0x98: {  	s19 =	sld [smem:$0x3FDB];
	_ =	sdelay $0x1  }
0x99: {  	s4 =	simm.s32 $_scs_section_size  }
0x9a: {  	s5 =	simm.s32 $_size__tile_overlayer_lowered;
	s6 =	simm.s32 $_tile_overlayer_lowered  }
0x9b: {  	s22 =	simm.s32 $0x1BFF;
	s21 =	sshll.u32 s6, $0x1;
	s3 =	sadd.s32 s4, s19  }
0x9c: {  	s7 =	simm.s32 $0x0;
	s20 =	sshll.u32 s5, $0x1;
	s5 =	sadd.s32 s21, s3  }
0x9d: {  	[timem:s7], [sflag:s22] =	dma.local [hbm:s5], s20  }
0x9e: {  	_ =	swait.ge [sflag:s22], s20  }
0x9f: {  	s4 =	ssub.s32 $0x0, s20;
	[sflag:s22] =	ssyncset.done $0x0  }
0xa0: {  	[sflag:s22] =	ssyncadd.s32 s4;
	_ =	sdelay $0x1  }
0xa1: {  	s23 =	simm.s32 $0x1B8B  }
0xa2: {  	_ =	swait.ge [sflag:s23], $0x1  }
0xa3: {  	[sflag:s23] =	ssyncset.done $0x0  }
0xa4: {  	s25 =	simm.s32 $0x1B8E;
	s24 =	sld [smem:$0x3FFE];
	[sflag:s23] =	ssyncadd.s32 $0xFFFFFFFF  }
0xa5: {  	s26 =	simm.s32 $execute0_lowered;
	[smem:$0x3FD2] =	sst s25  }
0xa6: {  	s5 =	sshll.u32 s26, $0x1;
	_ =	strace $0x80000046;
	[dreg:$0x1] =	wrdreg $0xFFFFFFFF  }
0xa7: {  	s28 =	simm.s32 $_size_execute0_lowered;
	s3 =	sadd.s32 s3, s5;
	[dreg:$0x0] =	wrdreg $0x0  }
0xa8: {  	s5 =	sshll.u32 s28, $0x1;
	[dreg:$0x2] =	wrdreg s3  }
0xa9: {  	[dreg:$0x3] =	wrdreg s5  }
0xaa: {  	[dreg:$0x4] =	wrdreg $0xC0  }
0xab: {  	_ =	task [dreg:s7], $0x5FFFF  }
0xac: {  	[dreg:$0x1] =	wrdreg $0xFFFFFFFF  }
0xad: {  	[dreg:$0x0] =	wrdreg $0x60  }
0xae: {  	[dreg:$0x2] =	wrdreg s2  }
0xaf: {  	[dreg:$0x3] =	wrdreg s24  }
0xb0: {  	[dreg:$0x4] =	wrdreg $0x4000  }
0xb1: {  	[dreg:$0x5] =	wrdreg $0x6800  }
0xb2: {  	[dreg:$0x6] =	wrdreg $0x9  }
0xb3: {  	_ =	task.clear_ibuf [dreg:s7], $0x7FFFF;
	_ =	strace $0x90000046  }
0xb4: {  	s29 =	simm.s32 $0x9;
	_ =	strace $0x80000048  }
0xb5: {  	_ =	swait.ge [sflag:s29], $0x1  }
0xb6: {  	[sflag:s29] =	ssyncadd.s32 $0xFFFFFFFF  }
0xb7: {  	_ =	strace $0x90000048  }
0xb8: {  	_ =	sfence  }
0xb9: {  	s30 =	sld [smem:$0x0];
	_ =	sdelay $0x2  }
0xba: {  	s31 =	sshll.u32 s1, $0xD;
	s1 =	sshrl.u32 s1, $0x2  }
0xbb: {  	s3 =	sand.u32 $0x4000, s31;
	s1 =	sadd.s32 s1, s30  }
0xbc: {  	s0 =	sor.u32 s3, s0;
	s1 =	sshll.u32 s1, $0x11  }
0xbd: {  	s0 =	sor.u32 s1, s0  }
0xbe: {  	s0 =	sadd.s32 $0x8F2B, s0  }
0xbf: {  	[sflag:s0] =	ssyncadd.remote.s32 $0x1  }
0xc0: {  	_ =	sfence.sel $0xFFFF  }
0xc1: {  	[dreg:$0x0] =	wrdreg $0xFFFFFFFF;
	(pc) =	sbr.abs _section_cstart, $3  }
0xc2: {  	[dreg:$0x1] =	wrdreg $0xFFFFFFFF  }
0xc3: {  	_ =	task.clear_ibuf [dreg:s7], $0x2FFFF;
	_ =	strace $0x9FFFFFFF  }
0xc4: {  	(tm) =	ssettm $0x7FFFFFFF  }
0xc5: {  	_ =	shalt  }
tec
execute0_lowered:
.L_overlay_start_1:
0x0: {  	(tag) =	ssettag $0x1  }
0x1: {  	s11 =	rddreg [dreg:$0x0]  }
0x2: {  	s5 =	rddreg [dreg:$0x1]  }
0x3: {  	s2 =	rddreg [dreg:$0x2];
	s0 =	stileid.u32  }
0x4: {  	s1 =	srdreg.scid;
	s3 =	rddreg [dreg:$0x3]  }
0x5: {  	s4 =	simm.s32 $0x0;
	s15 =	simm.s32 $0x380;
	s7 =	smul.u32 $0x280, s0  }
0x6: {  	s6 =	sand.u32 $0x1, s1;
	s1 =	rddreg [dreg:$0x4];
	s12 =	smul.u32 $0xA00, s0  }
0x7: {  	s16 =	simm.s32 $0x0;
	[smem:$0x7FF] =	sst s4;
	s8 =	smul.u32 $0x5000, s6  }
0x8: {  	_ =	strace $0x80000047;
	s10 =	ssub.s32 $0x2, s6;
	s13 =	smul.u32 $0x500, s6  }
0x9: {  	s9 =	sadd.s32 s12, s5;
	s31 =	sshrl.u32 s10, $0x1;
	s6 =	sadd.s32 s7, s3  }
0xa: {  	s11 =	sadd.s32 s12, s11;
	s12 =	simm.s32 $0x80;
	s8 =	sadd.s32 s7, s8  }
0xb: {  	s10 =	ssub.s32 s10, s31;
	s14 =	sadd.s32 s13, s9;
	s11 =	sadd.s32 s13, s11  }
0xc: {  	s13 =	simm.s32 $0x1;
	s8 =	sshrl.u32 s8, $0x3;
	s9 =	smax.u32 s10, $0x1  }
0xd: {  	s10 =	sadd.s32 $0x1C00, s14;
	s14 =	simm.s32 $0x300;
	s8 =	sadd.s32 s8, s5  }
0xe: {  	v0 =	vimm.f32 $1.000000000e+00;
	v1 =	vimm.f32 $0.0e+00;
	s5 =	sadd.s32 s7, s2;
	s7 =	sadd.s32 $0xBC00, s8;
	s8 =	sadd.s32 $0xC100, s8  }
.LBB2_1:
0xf: {  	[tilespmem:$0x0] =	vst v0  }
0x10: {  	[tilespmem:$0x10] =	vst v0  }
0x11: {  	[tilespmem:$0x20] =	vst v0  }
0x12: {  	[tilespmem:$0x30] =	vst v0  }
0x13: {  	[tilespmem:$0x40] =	vst v0  }
0x14: {  	[tilespmem:$0x50] =	vst v0  }
0x15: {  	[tilespmem:$0x60] =	vst v0  }
0x16: {  	[tilespmem:$0x70] =	vst v0  }
0x17: {  	[tilespmem:$0x80] =	vst v1  }
0x18: {  	[tilespmem:$0x90] =	vst v1  }
0x19: {  	[tilespmem:$0xA0] =	vst v1  }
0x1a: {  	[tilespmem:$0xB0] =	vst v1  }
0x1b: {  	[tilespmem:$0xC0] =	vst v1  }
0x1c: {  	[tilespmem:$0xD0] =	vst v1  }
0x1d: {  	[tilespmem:$0xE0] =	vst v1  }
0x1e: {  	[tilespmem:$0xF0] =	vst v1  }
0x1f: {  	[tilespmem:$0x100] =	vst v1  }
0x20: {  	[tilespmem:$0x110] =	vst v1  }
0x21: {  	[tilespmem:$0x120] =	vst v1  }
0x22: {  	[tilespmem:$0x130] =	vst v1  }
0x23: {  	[tilespmem:$0x140] =	vst v1  }
0x24: {  	[tilespmem:$0x150] =	vst v1  }
0x25: {  	[tilespmem:$0x160] =	vst v1  }
0x26: {  	[tilespmem:$0x170] =	vst v1  }
0x27: {  	[tilespmem:$0x180] =	vst v1  }
0x28: {  	[tilespmem:$0x190] =	vst v1  }
0x29: {  	[tilespmem:$0x1A0] =	vst v1  }
0x2a: {  	[tilespmem:$0x1B0] =	vst v1  }
0x2b: {  	[tilespmem:$0x1C0] =	vst v1  }
0x2c: {  	[tilespmem:$0x1D0] =	vst v1  }
0x2d: {  	[tilespmem:$0x1E0] =	vst v1  }
0x2e: {  	[tilespmem:$0x1F0] =	vst v1  }
0x2f: {  	[tilespmem:$0x200] =	vst v1  }
0x30: {  	[tilespmem:$0x210] =	vst v1  }
0x31: {  	[tilespmem:$0x220] =	vst v1  }
0x32: {  	[tilespmem:$0x230] =	vst v1  }
0x33: {  	[tilespmem:$0x240] =	vst v1  }
0x34: {  	[tilespmem:$0x250] =	vst v1  }
0x35: {  	[tilespmem:$0x260] =	vst v1  }
0x36: {  	[tilespmem:$0x270] =	vst v1  }
0x37: {  	[tilespmem:$0x280] =	vst v1  }
0x38: {  	[tilespmem:$0x290] =	vst v1  }
0x39: {  	[tilespmem:$0x2A0] =	vst v1  }
0x3a: {  	[tilespmem:$0x2B0] =	vst v1  }
0x3b: {  	[tilespmem:$0x2C0] =	vst v1  }
0x3c: {  	[tilespmem:$0x2D0] =	vst v1  }
0x3d: {  	[tilespmem:$0x2E0] =	vst v1  }
0x3e: {  	[tilespmem:$0x2F0] =	vst v1  }
0x3f: {  	[spmem:s5] =	stream.linear.scatter [tilespmem:s12], [sflag:$0x1], $0x280, $0x38;
	[tilespmem:$0x900] =	vst v63  }
0x40: {  	_ =	swait.ge [sflag:s13], $0x280  }
0x41: {  	[sflag:s13] =	ssyncset.done $0x0  }
0x42: {  	[sflag:s13] =	ssyncadd.s32 $0xFFFFFD80  }
0x43: {  	[spmem:s6] =	stream.linear.scatter [tilespmem:s12], [sflag:$0x1], $0x280, $0x38;
	[tilespmem:$0x900] =	vst v63  }
0x44: {  	_ =	swait.ge [sflag:s13], $0x280  }
0x45: {  	[sflag:s13] =	ssyncset.done $0x0  }
0x46: {  	[sflag:s13] =	ssyncadd.s32 $0xFFFFFD80  }
0x47: {  	s17 =	sadd.s32 $0x0, s11;
	[bflag:$0x0] =	sbarrier.arrive $0xFFFF  }
0x48: {  	[tilespmem:s14], [sflag:$0x1] =	stream.linear.gather [hbm4b:s17+s4], $0x80, $0x38;
	[tilespmem:$0x900] =	vst v63  }
0x49: {  	_ =	swait.ge [sflag:s13], $0x80  }
0x4a: {  	[sflag:s13] =	ssyncset.done $0x0  }
0x4b: {  	[sflag:s13] =	ssyncadd.s32 $0xFFFFFF80  }
0x4c: {  	[spmem:s2] =	stream.indirect.scatter.add.f32 [tilespmem:s4], [sflag:$0x1], $0x1, s14, s12, $0xb8;
	[tilespmem:$0x900] =	vst v63  }
0x4d: {  	_ =	swait.ge [sflag:s13], $0x80  }
0x4e: {  	[sflag:s13] =	ssyncset.done $0x0  }
0x4f: {  	s31 =	sadd.s32 $0x0, s10;
	[sflag:s13] =	ssyncadd.s32 $0xFFFFFF80  }
0x50: {  	[tilespmem:s15], [sflag:$0x1] =	stream.linear.gather [hbm4b:s31+s4], $0x80, $0x38;
	[tilespmem:$0x900] =	vst v63  }
0x51: {  	_ =	swait.ge [sflag:s13], $0x80  }
0x52: {  	[sflag:s13] =	ssyncset.done $0x0  }
0x53: {  	[sflag:s13] =	ssyncadd.s32 $0xFFFFFF80  }
0x54: {  	[spmem:s3] =	stream.indirect.scatter.add.f32 [tilespmem:s4], [sflag:$0x1], $0x1, s15, s12, $0xb8;
	[tilespmem:$0x900] =	vst v63  }
0x55: {  	_ =	swait.ge [sflag:s13], $0x80  }
0x56: {  	s18 =	simm.s32 $0x20;
	s17 =	simm.s32 $0x10;
	[sflag:s13] =	ssyncset.done $0x0  }
.LBB2_2:
0x57: {  	s19 =	sadd.s32 s17, s11  }
0x58: {  	[sflag:s13] =	ssyncadd.s32 $0xFFFFFF80;
	s20 =	smov.u32 s18;
	s21 =	sadd.s32 $0x10, s18  }
0x59: {  	[tilespmem:s14], [sflag:$0x1] =	stream.linear.gather [hbm4b:s19+s4], $0x80, $0x38;
	[tilespmem:$0x900] =	vst v63  }
0x5a: {  	p0 =	sne.s32 s18, $0x4F0;
	_ =	swait.ge [sflag:s13], $0x80  }
0x5b: {  	[sflag:s13] =	ssyncset.done $0x0  }
0x5c: {  	[sflag:s13] =	ssyncadd.s32 $0xFFFFFF80  }
0x5d: {  	[spmem:s2] =	stream.indirect.scatter.add.f32 [tilespmem:s4], [sflag:$0x1], $0x1, s14, s12, $0xb8;
	[tilespmem:$0x900] =	vst v63  }
0x5e: {  	_ =	swait.ge [sflag:s13], $0x80  }
0x5f: {  	[sflag:s13] =	ssyncset.done $0x0  }
0x60: {  	s18 =	sadd.s32 s17, s10;
	s17 =	smov.u32 s20;
	[sflag:s13] =	ssyncadd.s32 $0xFFFFFF80  }
0x61: {  	[tilespmem:s15], [sflag:$0x1] =	stream.linear.gather [hbm4b:s18+s4], $0x80, $0x38;
	[tilespmem:$0x900] =	vst v63  }
0x62: {  	_ =	swait.ge [sflag:s13], $0x80  }
.Ltmp0:
0x63: {  	[sflag:s13] =	ssyncset.done $0x0;
	(pc) =	sbr.rel @p0 .LBB2_2-.Ltmp0, $4  }
0x64: {  	[sflag:s13] =	ssyncadd.s32 $0xFFFFFF80  }
0x65: {  	[spmem:s3] =	stream.indirect.scatter.add.f32 [tilespmem:s4], [sflag:$0x1], $0x1, s15, s12, $0xb8;
	[tilespmem:$0x900] =	vst v63  }
0x66: {  	_ =	swait.ge [sflag:s13], $0x80  }
0x67: {  	s18 =	smov.u32 s21;
	[sflag:s13] =	ssyncset.done $0x0  }
0x68: {  	s18 =	sadd.s32 s17, s11;
	[sflag:s13] =	ssyncadd.s32 $0xFFFFFF80  }
0x69: {  	[tilespmem:s14], [sflag:$0x1] =	stream.linear.gather [hbm4b:s18+s4], $0x80, $0x38;
	[tilespmem:$0x900] =	vst v63  }
0x6a: {  	_ =	swait.ge [sflag:s13], $0x80  }
0x6b: {  	[sflag:s13] =	ssyncset.done $0x0  }
0x6c: {  	[sflag:s13] =	ssyncadd.s32 $0xFFFFFF80  }
0x6d: {  	[spmem:s2] =	stream.indirect.scatter.add.f32 [tilespmem:s4], [sflag:$0x1], $0x1, s14, s12, $0xb8;
	[tilespmem:$0x900] =	vst v63  }
0x6e: {  	_ =	swait.ge [sflag:s13], $0x80  }
0x6f: {  	[sflag:s13] =	ssyncset.done $0x0  }
0x70: {  	s31 =	sadd.s32 s17, s10;
	[sflag:s13] =	ssyncadd.s32 $0xFFFFFF80  }
0x71: {  	[tilespmem:s15], [sflag:$0x1] =	stream.linear.gather [hbm4b:s31+s4], $0x80, $0x38;
	[tilespmem:$0x900] =	vst v63  }
0x72: {  	_ =	swait.ge [sflag:s13], $0x80  }
0x73: {  	[sflag:s13] =	ssyncset.done $0x0  }
0x74: {  	[sflag:s13] =	ssyncadd.s32 $0xFFFFFF80  }
0x75: {  	[spmem:s3] =	stream.indirect.scatter.add.f32 [tilespmem:s4], [sflag:$0x1], $0x1, s15, s12, $0xb8;
	[tilespmem:$0x900] =	vst v63  }
0x76: {  	_ =	swait.ge [sflag:s13], $0x80  }
0x77: {  	[sflag:s13] =	ssyncset.done $0x0  }
0x78: {  	[sflag:s13] =	ssyncadd.s32 $0xFFFFFF80  }
0x79: {  	[bflag:$0x0] =	sbarrier.arrive $0xFFFF  }
0x7a: {  	[tilespmem:s12], [sflag:$0x1] =	stream.linear.gather [spmem:s5], $0x280, $0x38;
	[tilespmem:$0x900] =	vst v63  }
0x7b: {  	_ =	swait.ge [sflag:s13], $0x280  }
0x7c: {  	[sflag:s13] =	ssyncset.done $0x0  }
0x7d: {  	[sflag:s13] =	ssyncadd.s32 $0xFFFFFD80  }
0x7e: {  	[hbm4b:s7+s4] =	stream.linear.scatter [tilespmem:s12], [sflag:$0x1], $0x280, $0x38;
	[tilespmem:$0x900] =	vst v63  }
0x7f: {  	_ =	swait.ge [sflag:s13], $0x280  }
0x80: {  	[sflag:s13] =	ssyncset.done $0x0  }
0x81: {  	[sflag:s13] =	ssyncadd.s32 $0xFFFFFD80  }
0x82: {  	[tilespmem:s12], [sflag:$0x1] =	stream.linear.gather [spmem:s6], $0x280, $0x38;
	[tilespmem:$0x900] =	vst v63  }
0x83: {  	s16 =	sadd.s32 $0x1, s16;
	_ =	swait.ge [sflag:s13], $0x280  }
0x84: {  	p0 =	sne.s32 s16, s9;
	[sflag:s13] =	ssyncset.done $0x0  }
.Ltmp1:
0x85: {  	[sflag:s13] =	ssyncadd.s32 $0xFFFFFD80;
	(pc) =	sbr.rel @p0 .LBB2_1-.Ltmp1, $4  }
0x86: {  	[hbm4b:s8+s4] =	stream.linear.scatter [tilespmem:s12], [sflag:$0x1], $0x280, $0x38;
	[tilespmem:$0x900] =	vst v63  }
0x87: {  	_ =	swait.ge [sflag:s13], $0x280  }
0x88: {  	[sflag:s13] =	ssyncset.done $0x0  }
0x89: {  	[sflag:s13] =	ssyncadd.s32 $0xFFFFFD80  }
0x8a: {  	_ =	sfence.sel $0x180000  }
0x8b: {  	[bflag:$0x0] =	sbarrier.arrive $0xFFFF  }
0x8c: {  	p0 =	sne.s32 s0, $0x0;
	_ =	strace $0x90000047  }
0x8d: {  	s0 =	sadd.s32 @!p0 $0x100000, s1;
	[bflag:$0x2] =	sbarrier.arrive $0xFFFF  }
0x8e: {  	[sflag:s0] =	ssyncadd.tile.s32 @!p0 $0x1;
	_ =	shalt  }
.Lfunc_end2:
_tile_overlayer_lowered:
.L_overlay_start_2:
0x8f: {  	(tag) =	ssettag $0x2  }
0x90: {  	s0 =	rddreg [dreg:$0x0];
	s2 =	stileid.u32  }
0x91: {  	s1 =	rddreg [dreg:$0x1];
	p0 =	sne.s32 s2, $0x0  }
0x92: {  	s3 =	rddreg [dreg:$0x2];
	[bflag:$0x3] =	sbarrier.arrive $0xFFFF;
	s2 =	simm.s32 @!p0 $0x1C01  }
0x93: {  	[timem:s3], [sflag:s2] =	dma.local @!p0 [hbm:s0], s1  }
0x94: {  	s0 =	simm.s32 @!p0 $0x1  }
0x95: {  	_ =	swait.ge @!p0 [sflag:s0], s1  }
0x96: {  	s1 =	ssub.s32 @!p0 $0x0, s1;
	[sflag:s0] =	ssyncset.done @!p0 $0x0  }
0x97: {  	[sflag:s0] =	ssyncadd.s32 @!p0 s1  }
0x98: {  	[bflag:$0x3] =	sbarrier.arrive $0xFFFF  }
0x99: {  	_ =	shalt  }

</sc_bundles>
